<compile_context>
chip_gen: v7x
topology: tpu7x:2x2x1
jax: 0.10.2.dev20260603
libtpu: 0.0.44.dev20260713+nightly
codegen_flags: <defaults>
</compile_context>

<pallas_src>
import dataclasses
import functools

import jax
import jax.numpy as jnp
from jax import lax
from jax.experimental import pallas as pl
from jax.experimental.pallas import tpu as pltpu
from jax.experimental.pallas import tpu_sc as plsc

N_NODES = 10000
N_EDGES = 320000
D = 128

NC = 2
NS = 16
CHUNK = 128
CH_PER_TILE = 160
E_PAD = NS * CH_PER_TILE * CHUNK
SBLK = 16
N_PER_CORE = N_NODES // NC
DUMMY = N_PER_CORE
AGG_ROWS = 5008
HIST_ROWS = 10240
N_OUT_PAD = 10016

_mesh = plsc.VectorSubcoreMesh(core_axis_name="c", subcore_axis_name="s")

_cp = pltpu.CompilerParams()
if "needs_layout_passes" in pltpu.CompilerParams.__dataclass_fields__:
    _cp = dataclasses.replace(_cp, needs_layout_passes=False)


def _sc_agg_body(with_deg, x_hbm, src_hbm, dst_hbm, *refs):
    if with_deg:
        (agg_out, deg_out, src_v, dst_v, src_c, dst_c, rows_a, rows_b,
         hist_v, sh_agg, sem_a, sem_b) = refs
    else:
        (agg_out, src_v, dst_v, src_c, dst_c, rows_a, rows_b, sh_agg,
         sem_a, sem_b) = refs
        hist_v = deg_out = None

    cid = lax.axis_index("c")
    sid = lax.axis_index("s")
    lo = cid * N_PER_CORE

    @pl.loop(0, CHUNK)
    def _(r):
        for c in range(D // 16):
            rows_a[r, pl.ds(c * 16, 16)] = jnp.zeros((16,), jnp.float32)

    if with_deg:
        @pl.when(cid == 0)
        def _():
            @pl.loop(0, HIST_ROWS // 16)
            def _(i):
                hist_v[pl.ds(i * 16, 16)] = jnp.zeros((16,), jnp.float32)

    off = 0
    for zsz in (128, 128, 57):
        pltpu.sync_copy(rows_a.at[pl.ds(0, zsz)],
                        sh_agg.at[pl.ds(sid * 313 + off, zsz)])
        off += zsz

    def _compact_block(bj, off):
        pltpu.sync_copy(src_hbm.at[sid, pl.ds(bj * SBLK, SBLK)], src_v)
        pltpu.sync_copy(dst_hbm.at[sid, pl.ds(bj * SBLK, SBLK)], dst_v)

        def _compact(j, off):
            for c in range(CHUNK // 16):
                d = dst_v[j, pl.ds(c * 16, 16)]
                s = src_v[j, pl.ds(c * 16, 16)]
                if with_deg:
                    @pl.when(cid == 0)
                    def _():
                        plsc.addupdate_scatter(hist_v, [d],
                                               jnp.ones((16,), jnp.float32))
                dl = d - lo
                own = (dl >= 0) & (dl < N_PER_CORE)
                plsc.store_compressed(dst_c.at[pl.ds(off, 16)], dl, mask=own)
                plsc.store_compressed(src_c.at[pl.ds(off, 16)], s, mask=own)
                off = off + jnp.sum(jnp.where(own, 1, 0))
            return off

        return lax.fori_loop(0, SBLK, _compact, off)

    n_own = lax.fori_loop(0, CH_PER_TILE // SBLK, _compact_block,
                          jnp.int32(0))

    @pl.loop(0, 2 * CHUNK // 16)
    def _(k):
        src_c[pl.ds(n_own + k * 16, 16)] = jnp.zeros((16,), jnp.int32)
        dst_c[pl.ds(n_own + k * 16, 16)] = jnp.full((16,), DUMMY, jnp.int32)

    n_half = jnp.maximum((n_own + 2 * CHUNK - 1) // (2 * CHUNK), 1)

    plsc.subcore_barrier()

    H = CHUNK // 2

    def _gather(q, buf, sem):
        pltpu.async_copy(x_hbm.at[src_c.at[pl.ds(q * CHUNK, H)]],
                         buf.at[pl.ds(0, H)], sem)
        pltpu.async_copy(x_hbm.at[src_c.at[pl.ds(q * CHUNK + H, H)]],
                         buf.at[pl.ds(H, H)], sem)

    def _gwait(buf, sem):
        for _h in range(2):
            pltpu.make_async_copy(x_hbm.at[src_c.at[pl.ds(0, H)]],
                                  buf.at[pl.ds(0, H)], sem).wait()

    def _scat(q, buf):
        pltpu.sync_copy(buf, sh_agg.at[dst_c.at[pl.ds(q * CHUNK, CHUNK)]],
                        add=True)

    _gather(0, rows_a, sem_a)

    def _edge_step(j2, _):
        j = j2 * 2
        _gather(j + 1, rows_b, sem_b)
        _gwait(rows_a, sem_a)
        _scat(j, rows_a)

        @pl.when(j2 < n_half - 1)
        def _():
            _gather(j + 2, rows_a, sem_a)
        _gwait(rows_b, sem_b)
        _scat(j + 1, rows_b)
        return 0

    lax.fori_loop(0, n_half, _edge_step, 0)

    plsc.subcore_barrier()

    off = 0
    for wsz in (128, 128, 56):
        base = sid * 312 + off
        pltpu.sync_copy(sh_agg.at[pl.ds(base, wsz)],
                        agg_out.at[pl.ds(lo + base, wsz)])
        off += wsz

    @pl.when(sid == 0)
    def _():
        pltpu.sync_copy(sh_agg.at[pl.ds(4992, 8)],
                        agg_out.at[pl.ds(lo + 4992, 8)])

    if with_deg:
        @pl.when(cid == 0)
        def _():
            pltpu.sync_copy(hist_v, deg_out.at[sid])


def _sc_agg_deg(x, src3, dst3):
    out_type = (
        jax.ShapeDtypeStruct((N_OUT_PAD, D), jnp.float32),
        jax.ShapeDtypeStruct((NS, HIST_ROWS), jnp.float32),
    )
    scratch = [
        pltpu.VMEM((SBLK, CHUNK), jnp.int32),
        pltpu.VMEM((SBLK, CHUNK), jnp.int32),
        pltpu.VMEM((CH_PER_TILE * CHUNK + 2 * CHUNK,), jnp.int32),
        pltpu.VMEM((CH_PER_TILE * CHUNK + 2 * CHUNK,), jnp.int32),
        pltpu.VMEM((CHUNK, D), jnp.float32),
        pltpu.VMEM((CHUNK, D), jnp.float32),
        pltpu.VMEM((HIST_ROWS,), jnp.float32),
        pltpu.VMEM_SHARED((AGG_ROWS, D), jnp.float32),
        pltpu.SemaphoreType.DMA,
        pltpu.SemaphoreType.DMA,
    ]
    k = pl.kernel(functools.partial(_sc_agg_body, True),
                  out_type=out_type, mesh=_mesh, scratch_types=scratch,
                  compiler_params=_cp)
    return k(x, src3, dst3)


def _sc_agg(x, src3, dst3):
    out_type = jax.ShapeDtypeStruct((N_OUT_PAD, D), jnp.float32)
    scratch = [
        pltpu.VMEM((SBLK, CHUNK), jnp.int32),
        pltpu.VMEM((SBLK, CHUNK), jnp.int32),
        pltpu.VMEM((CH_PER_TILE * CHUNK + 2 * CHUNK,), jnp.int32),
        pltpu.VMEM((CH_PER_TILE * CHUNK + 2 * CHUNK,), jnp.int32),
        pltpu.VMEM((CHUNK, D), jnp.float32),
        pltpu.VMEM((CHUNK, D), jnp.float32),
        pltpu.VMEM_SHARED((AGG_ROWS, D), jnp.float32),
        pltpu.SemaphoreType.DMA,
        pltpu.SemaphoreType.DMA,
    ]
    k = pl.kernel(functools.partial(_sc_agg_body, False),
                  out_type=out_type, mesh=_mesh, scratch_types=scratch,
                  compiler_params=_cp)
    return k(x, src3, dst3)


def _tc_layer_body(h_ref, agg_ref, deg_ref, ws_ref, wn_ref, b_ref, o_ref):
    deg = jnp.sum(deg_ref[...], axis=1, keepdims=True)
    hn = agg_ref[...] / jnp.maximum(deg, 1.0)
    z = (jnp.dot(h_ref[...], ws_ref[...],
                 preferred_element_type=jnp.float32,
                 precision=lax.Precision.HIGHEST)
         + jnp.dot(hn, wn_ref[...],
                   preferred_element_type=jnp.float32,
                   precision=lax.Precision.HIGHEST)
         + b_ref[...])
    o_ref[...] = jax.nn.sigmoid(z)


def _tc_layer(h, agg, degT, WsT, WnT, b2d):
    R = 1000
    grid = (N_NODES // R,)
    return pl.pallas_call(
        _tc_layer_body,
        grid=grid,
        in_specs=[
            pl.BlockSpec((R, D), lambda i: (i, 0)),
            pl.BlockSpec((R, D), lambda i: (i, 0)),
            pl.BlockSpec((R, NS), lambda i: (i, 0)),
            pl.BlockSpec((D, D), lambda i: (0, 0)),
            pl.BlockSpec((D, D), lambda i: (0, 0)),
            pl.BlockSpec((1, D), lambda i: (0, 0)),
        ],
        out_specs=pl.BlockSpec((R, D), lambda i: (i, 0)),
        out_shape=jax.ShapeDtypeStruct((N_NODES, D), jnp.float32),
    )(h, agg, degT, WsT, WnT, b2d)


def kernel(x, edge_index, command, W1_self, W1_neigh, b1, W2_self, W2_neigh, b2):
    del command
    pad = E_PAD - N_EDGES
    src = jnp.concatenate([edge_index[0], jnp.zeros((pad,), jnp.int32)])
    dst = jnp.concatenate([edge_index[1],
                           jnp.full((pad,), N_NODES, jnp.int32)])
    src3 = src.reshape(NS, CH_PER_TILE, CHUNK)
    dst3 = dst.reshape(NS, CH_PER_TILE, CHUNK)

    agg1, hist = _sc_agg_deg(x, src3, dst3)
    degT = hist.T
    h1 = _tc_layer(x, agg1, degT, W1_self.T, W1_neigh.T, b1.reshape(1, D))
    agg2 = _sc_agg(h1, src3, dst3)
    return _tc_layer(h1, agg2, degT, W2_self.T, W2_neigh.T, b2.reshape(1, D))

# --- scband reference (transcript-rebuilt; emitter-appended) ---
"""Pipeline reference for scband-behavior-67259187855641 (READ-ONLY COPY).

The authoritative reference and input builder live on the scoring server;
editing this copy changes nothing except your own understanding.
"""

import jax, jax.numpy as jnp
import numpy as np

N_NODES = 10000
N_EDGES = 320000
D_IN = 128
D_HID = 128
D_OUT = 128


def setup_inputs(seed: int = 0) -> dict:
    key = jax.random.key(seed)
    ks = jax.random.split(key, 10)
    x = jax.random.normal(ks[0], (N_NODES, D_IN), dtype=jnp.float32)
    edge_index = jax.random.randint(ks[1], (2, N_EDGES), 0, N_NODES, dtype=jnp.int32)
    command = jax.random.normal(ks[2], (2,), dtype=jnp.float32)
    s = 0.05
    W1_self = jax.random.normal(ks[3], (D_HID, D_IN), dtype=jnp.float32) * s
    W1_neigh = jax.random.normal(ks[4], (D_HID, D_IN), dtype=jnp.float32) * s
    b1 = jnp.zeros((D_HID,), dtype=jnp.float32)
    W2_self = jax.random.normal(ks[5], (D_OUT, D_HID), dtype=jnp.float32) * s
    W2_neigh = jax.random.normal(ks[6], (D_OUT, D_HID), dtype=jnp.float32) * s
    b2 = jnp.zeros((D_OUT,), dtype=jnp.float32)
    return {
        "x": x,
        "edge_index": edge_index,
        "command": command,
        "W1_self": W1_self,
        "W1_neigh": W1_neigh,
        "b1": b1,
        "W2_self": W2_self,
        "W2_neigh": W2_neigh,
        "b2": b2,
    }


def _sage_conv(x, edge_index, W_self, W_neigh, b):
    # DGL SAGEConv with aggregator_type='mean':
    # h_neigh = fc_neigh(mean_{j in N(i)} x_j); out = fc_self(x_i) + h_neigh + bias
    src = edge_index[0]
    dst = edge_index[1]
    msgs = jnp.take(x, src, axis=0)                      # gather: [E, d]
    agg = jax.ops.segment_sum(msgs, dst, num_segments=x.shape[0])  # scatter-add
    deg = jax.ops.segment_sum(jnp.ones((msgs.shape[0],), dtype=x.dtype), dst,
                              num_segments=x.shape[0])
    h_neigh = agg / jnp.clip(deg, 1.0, None)[:, None]
    return x @ W_self.T + h_neigh @ W_neigh.T + b


def reference(x, edge_index, command, W1_self, W1_neigh, b1, W2_self, W2_neigh, b2):
    # Behavior.forward: conv1 -> sigmoid -> conv2 -> sigmoid
    # (original code then calls self.conv3 which is never defined in __init__ --
    #  that is a latent bug / dead path; the faithful executable computation is
    #  the two defined SAGEConv layers. `command` is accepted but unused, as in
    #  the original forward, which returns before touching it.)
    h = _sage_conv(x, edge_index, W1_self, W1_neigh, b1)
    h = jax.nn.sigmoid(h)
    h = _sage_conv(h, edge_index, W2_self, W2_neigh, b2)
    h = jax.nn.sigmoid(h)
    return h

if __name__ == "__main__":
    import jax
    _d = setup_inputs()
    print(jax.jit(kernel)(*tuple(_d.values())))

</pallas_src>

<mosaic_0001>
#map = affine_map<(d0, d1) -> (0, 0)>
#map1 = affine_map<(d0, d1) -> (0, 0, 0)>
module attributes {stable_mosaic.version = 14 : i64} {
  func.func @_sc_agg_body(%arg0: i32, %arg1: i32, %arg2: memref<10000x128xf32, #tpu.memory_space<hbm>>, %arg3: memref<16x160x128xi32, #tpu.memory_space<hbm>>, %arg4: memref<16x160x128xi32, #tpu.memory_space<hbm>>, %arg5: memref<10016x128xf32, #tpu.memory_space<hbm>>, %arg6: memref<16x10240xf32, #tpu.memory_space<hbm>>, %arg7: memref<16x128xi32, #tpu.memory_space<vmem>>, %arg8: memref<16x128xi32, #tpu.memory_space<vmem>>, %arg9: memref<20736xi32, #tpu.memory_space<vmem>>, %arg10: memref<20736xi32, #tpu.memory_space<vmem>>, %arg11: memref<128x128xf32, #tpu.memory_space<vmem>>, %arg12: memref<128x128xf32, #tpu.memory_space<vmem>>, %arg13: memref<10240xf32, #tpu.memory_space<vmem>>, %arg14: memref<5008x128xf32, #tpu.memory_space<vmem_shared>>, %arg15: memref<!tpu.dma_semaphore, #tpu.memory_space<semaphore_mem>>, %arg16: memref<!tpu.dma_semaphore, #tpu.memory_space<semaphore_mem>>) attributes {dimension_semantics = [#tpu.dimension_semantics<core_parallel>, #tpu.dimension_semantics<subcore_parallel>], iteration_bounds = array<i64: 2, 16>, scalar_prefetch = 0 : i64, scratch_operands = 10 : i64, tpu.core_type = #tpu.core_type<sc_vector_subcore>, window_params = [{transform_indices = #map}, {transform_indices = #map1}, {transform_indices = #map1}, {transform_indices = #map}, {transform_indices = #map}]} {
    %mul3A = arith.constant 5000 : i32
    %mul3A_0 = arith.muli %arg0, %mul3A : i32
    %scan3A = arith.constant 0 : i32
    %scan3A_1 = arith.constant 128 : i32
    %scan3A_2 = arith.addi %scan3A, %scan3A_1 : i32
    %scan3A_3 = arith.constant 1 : i32
    scf.for %scan3A_103 = %scan3A to %scan3A_2 step %scan3A_3  : i32 {
      %mul3A_104 = arith.constant 1 : i32
      %mul3A_105 = arith.muli %scan3A_103, %mul3A_104 : i32
      %add3A_106 = arith.constant 0 : i32
      %add3A_107 = arith.addi %add3A_106, %mul3A_105 : i32
      %broadcast_in_dim3A = arith.constant 0.000000e+00 : f32
      %broadcast_in_dim3A_108 = vector.broadcast %broadcast_in_dim3A : f32 to vector<16xf32>
      %swap3A = arith.index_cast %add3A_107 : i32 to index
      %swap3A_109 = arith.constant 0 : index
      %swap3A_110 = tpu.vector_load %arg11[%swap3A, %swap3A_109] {strides = array<i32>} : memref<128x128xf32, #tpu.memory_space<vmem>>, vector<16xf32>,
      tpu.vector_store %arg11[%swap3A, %swap3A_109], %broadcast_in_dim3A_108 {strides = array<i32>} : memref<128x128xf32, #tpu.memory_space<vmem>>, vector<16xf32>,
      %broadcast_in_dim3A_111 = arith.constant 0.000000e+00 : f32
      %broadcast_in_dim3A_112 = vector.broadcast %broadcast_in_dim3A_111 : f32 to vector<16xf32>
      %swap3A_113 = arith.index_cast %add3A_107 : i32 to index
      %swap3A_114 = arith.constant 16 : index
      %swap3A_115 = tpu.vector_load %arg11[%swap3A_113, %swap3A_114] {strides = array<i32>} : memref<128x128xf32, #tpu.memory_space<vmem>>, vector<16xf32>,
      tpu.vector_store %arg11[%swap3A_113, %swap3A_114], %broadcast_in_dim3A_112 {strides = array<i32>} : memref<128x128xf32, #tpu.memory_space<vmem>>, vector<16xf32>,
      %broadcast_in_dim3A_116 = arith.constant 0.000000e+00 : f32
      %broadcast_in_dim3A_117 = vector.broadcast %broadcast_in_dim3A_116 : f32 to vector<16xf32>
      %swap3A_118 = arith.index_cast %add3A_107 : i32 to index
      %swap3A_119 = arith.constant 32 : index
      %swap3A_120 = tpu.vector_load %arg11[%swap3A_118, %swap3A_119] {strides = array<i32>} : memref<128x128xf32, #tpu.memory_space<vmem>>, vector<16xf32>,
      tpu.vector_store %arg11[%swap3A_118, %swap3A_119], %broadcast_in_dim3A_117 {strides = array<i32>} : memref<128x128xf32, #tpu.memory_space<vmem>>, vector<16xf32>,
      %broadcast_in_dim3A_121 = arith.constant 0.000000e+00 : f32
      %broadcast_in_dim3A_122 = vector.broadcast %broadcast_in_dim3A_121 : f32 to vector<16xf32>
      %swap3A_123 = arith.index_cast %add3A_107 : i32 to index
      %swap3A_124 = arith.constant 48 : index
      %swap3A_125 = tpu.vector_load %arg11[%swap3A_123, %swap3A_124] {strides = array<i32>} : memref<128x128xf32, #tpu.memory_space<vmem>>, vector<16xf32>,
      tpu.vector_store %arg11[%swap3A_123, %swap3A_124], %broadcast_in_dim3A_122 {strides = array<i32>} : memref<128x128xf32, #tpu.memory_space<vmem>>, vector<16xf32>,
      %broadcast_in_dim3A_126 = arith.constant 0.000000e+00 : f32
      %broadcast_in_dim3A_127 = vector.broadcast %broadcast_in_dim3A_126 : f32 to vector<16xf32>
      %swap3A_128 = arith.index_cast %add3A_107 : i32 to index
      %swap3A_129 = arith.constant 64 : index
      %swap3A_130 = tpu.vector_load %arg11[%swap3A_128, %swap3A_129] {strides = array<i32>} : memref<128x128xf32, #tpu.memory_space<vmem>>, vector<16xf32>,
      tpu.vector_store %arg11[%swap3A_128, %swap3A_129], %broadcast_in_dim3A_127 {strides = array<i32>} : memref<128x128xf32, #tpu.memory_space<vmem>>, vector<16xf32>,
      %broadcast_in_dim3A_131 = arith.constant 0.000000e+00 : f32
      %broadcast_in_dim3A_132 = vector.broadcast %broadcast_in_dim3A_131 : f32 to vector<16xf32>
      %swap3A_133 = arith.index_cast %add3A_107 : i32 to index
      %swap3A_134 = arith.constant 80 : index
      %swap3A_135 = tpu.vector_load %arg11[%swap3A_133, %swap3A_134] {strides = array<i32>} : memref<128x128xf32, #tpu.memory_space<vmem>>, vector<16xf32>,
      tpu.vector_store %arg11[%swap3A_133, %swap3A_134], %broadcast_in_dim3A_132 {strides = array<i32>} : memref<128x128xf32, #tpu.memory_space<vmem>>, vector<16xf32>,
      %broadcast_in_dim3A_136 = arith.constant 0.000000e+00 : f32
      %broadcast_in_dim3A_137 = vector.broadcast %broadcast_in_dim3A_136 : f32 to vector<16xf32>
      %swap3A_138 = arith.index_cast %add3A_107 : i32 to index
      %swap3A_139 = arith.constant 96 : index
      %swap3A_140 = tpu.vector_load %arg11[%swap3A_138, %swap3A_139] {strides = array<i32>} : memref<128x128xf32, #tpu.memory_space<vmem>>, vector<16xf32>,
      tpu.vector_store %arg11[%swap3A_138, %swap3A_139], %broadcast_in_dim3A_137 {strides = array<i32>} : memref<128x128xf32, #tpu.memory_space<vmem>>, vector<16xf32>,
      %broadcast_in_dim3A_141 = arith.constant 0.000000e+00 : f32
      %broadcast_in_dim3A_142 = vector.broadcast %broadcast_in_dim3A_141 : f32 to vector<16xf32>
      %swap3A_143 = arith.index_cast %add3A_107 : i32 to index
      %swap3A_144 = arith.constant 112 : index
      %swap3A_145 = tpu.vector_load %arg11[%swap3A_143, %swap3A_144] {strides = array<i32>} : memref<128x128xf32, #tpu.memory_space<vmem>>, vector<16xf32>,
      tpu.vector_store %arg11[%swap3A_143, %swap3A_144], %broadcast_in_dim3A_142 {strides = array<i32>} : memref<128x128xf32, #tpu.memory_space<vmem>>, vector<16xf32>,
    }
    %scan3A_4 = arith.constant 128 : i32
    %eq3A = arith.constant 0 : i32
    %eq3A_5 = arith.cmpi eq, %arg0, %eq3A : i32
    %convert_element_type3A = arith.extui %eq3A_5 : i1 to i32
    %cond3A = arith.constant 0 : i32
    %cond3A_6 = arith.cmpi ne, %convert_element_type3A, %cond3A : i32
    scf.if %cond3A_6 {
      %scan3A_103 = arith.constant 0 : i32
      %scan3A_104 = arith.constant 640 : i32
      %scan3A_105 = arith.addi %scan3A_103, %scan3A_104 : i32
      %scan3A_106 = arith.constant 1 : i32
      scf.for %scan3A_108 = %scan3A_103 to %scan3A_105 step %scan3A_106  : i32 {
        %mul3A_109 = arith.constant 1 : i32
        %mul3A_110 = arith.muli %scan3A_108, %mul3A_109 : i32
        %add3A_111 = arith.constant 0 : i32
        %add3A_112 = arith.addi %add3A_111, %mul3A_110 : i32
        %broadcast_in_dim3A = arith.constant 0.000000e+00 : f32
        %broadcast_in_dim3A_113 = vector.broadcast %broadcast_in_dim3A : f32 to vector<16xf32>
        %mul3A_114 = arith.constant 16 : i32
        %mul3A_115 = arith.muli %add3A_112, %mul3A_114 : i32
        %swap3A = arith.index_cast %mul3A_115 : i32 to index
        %swap3A_116 = tpu.vector_load %arg13[%swap3A] {strides = array<i32>} : memref<10240xf32, #tpu.memory_space<vmem>>, vector<16xf32>,
        tpu.vector_store %arg13[%swap3A], %broadcast_in_dim3A_113 {strides = array<i32>} : memref<10240xf32, #tpu.memory_space<vmem>>, vector<16xf32>,
      }
      %scan3A_107 = arith.constant 640 : i32
    } else {
    }
    %mul3A_7 = arith.constant 313 : i32
    %mul3A_8 = arith.muli %arg1, %mul3A_7 : i32
    %add3A = arith.constant 0 : i32
    %add3A_9 = arith.addi %mul3A_8, %add3A : i32
    "tpu.region"() ({
      %run_scoped3A = tpu.sem_alloc : memref<!tpu.dma_semaphore, #tpu.memory_space<semaphore_mem>>
      %dma_start3A_103 = arith.constant 0 : i32
      %dma_start3A_104 = arith.constant 0 : i32
      %dma_start3A_105 = tpu.memref_slice %arg11[%dma_start3A_103, %dma_start3A_104] : memref<128x128xf32, #tpu.memory_space<vmem>> -> memref<128x128xf32, #tpu.memory_space<vmem>>
      %dma_start3A_106 = arith.constant 0 : i32
      %dma_start3A_107 = tpu.memref_slice %arg14[%add3A_9, %dma_start3A_106] : memref<5008x128xf32, #tpu.memory_space<vmem_shared>> -> memref<128x128xf32, #tpu.memory_space<vmem_shared>>
      %dma_start3A_108 = arith.constant 0 : i32
      %dma_start3A_109 = tpu.memref_slice %arg14[%add3A_9, %dma_start3A_108] : memref<5008x128xf32, #tpu.memory_space<vmem_shared>> -> memref<128x128xf32, #tpu.memory_space<vmem_shared>>
      %dma_start3A_110 = arith.constant 0 : i32
      %dma_start3A_111 = arith.constant 0 : i32
      %dma_start3A_112 = tpu.memref_slice %arg11[%dma_start3A_110, %dma_start3A_111] : memref<128x128xf32, #tpu.memory_space<vmem>> -> memref<128x128xf32, #tpu.memory_space<vmem>>
      tpu.enqueue_dma source(%dma_start3A_112 : memref<128x128xf32, #tpu.memory_space<vmem>>) target(%dma_start3A_109 : memref<128x128xf32, #tpu.memory_space<vmem_shared>>) target_semaphore(%run_scoped3A : memref<!tpu.dma_semaphore, #tpu.memory_space<semaphore_mem>>)
      %dma_wait3A = arith.constant 0 : i32
      %dma_wait3A_113 = arith.constant 0 : i32
      %dma_wait3A_114 = tpu.memref_slice %arg11[%dma_wait3A, %dma_wait3A_113] : memref<128x128xf32, #tpu.memory_space<vmem>> -> memref<128x128xf32, #tpu.memory_space<vmem>>
      %dma_wait3A_115 = arith.constant 0 : i32
      %dma_wait3A_116 = tpu.memref_slice %arg14[%add3A_9, %dma_wait3A_115] : memref<5008x128xf32, #tpu.memory_space<vmem_shared>> -> memref<128x128xf32, #tpu.memory_space<vmem_shared>>
      %dma_wait3A_117 = arith.constant 0 : i32
      %dma_wait3A_118 = tpu.memref_slice %arg14[%add3A_9, %dma_wait3A_117] : memref<5008x128xf32, #tpu.memory_space<vmem_shared>> -> memref<128x128xf32, #tpu.memory_space<vmem_shared>>
      %dma_wait3A_119 = arith.constant 0 : i32
      %dma_wait3A_120 = arith.constant 0 : i32
      %dma_wait3A_121 = tpu.memref_slice %arg11[%dma_wait3A_119, %dma_wait3A_120] : memref<128x128xf32, #tpu.memory_space<vmem>> -> memref<128x128xf32, #tpu.memory_space<vmem>>
      tpu.wait_dma2 semaphore(%run_scoped3A : memref<!tpu.dma_semaphore, #tpu.memory_space<semaphore_mem>>) src(%dma_wait3A_121 : memref<128x128xf32, #tpu.memory_space<vmem>>) dst(%dma_wait3A_118 : memref<128x128xf32, #tpu.memory_space<vmem_shared>>)
      tpu.yield
    }) : () -> ()
    %mul3A_10 = arith.constant 313 : i32
    %mul3A_11 = arith.muli %arg1, %mul3A_10 : i32
    %add3A_12 = arith.constant 128 : i32
    %add3A_13 = arith.addi %mul3A_11, %add3A_12 : i32
    "tpu.region"() ({
      %run_scoped3A = tpu.sem_alloc : memref<!tpu.dma_semaphore, #tpu.memory_space<semaphore_mem>>
      %dma_start3A_103 = arith.constant 0 : i32
      %dma_start3A_104 = arith.constant 0 : i32
      %dma_start3A_105 = tpu.memref_slice %arg11[%dma_start3A_103, %dma_start3A_104] : memref<128x128xf32, #tpu.memory_space<vmem>> -> memref<128x128xf32, #tpu.memory_space<vmem>>
      %dma_start3A_106 = arith.constant 0 : i32
      %dma_start3A_107 = tpu.memref_slice %arg14[%add3A_13, %dma_start3A_106] : memref<5008x128xf32, #tpu.memory_space<vmem_shared>> -> memref<128x128xf32, #tpu.memory_space<vmem_shared>>
      %dma_start3A_108 = arith.constant 0 : i32
      %dma_start3A_109 = tpu.memref_slice %arg14[%add3A_13, %dma_start3A_108] : memref<5008x128xf32, #tpu.memory_space<vmem_shared>> -> memref<128x128xf32, #tpu.memory_space<vmem_shared>>
      %dma_start3A_110 = arith.constant 0 : i32
      %dma_start3A_111 = arith.constant 0 : i32
      %dma_start3A_112 = tpu.memref_slice %arg11[%dma_start3A_110, %dma_start3A_111] : memref<128x128xf32, #tpu.memory_space<vmem>> -> memref<128x128xf32, #tpu.memory_space<vmem>>
      tpu.enqueue_dma source(%dma_start3A_112 : memref<128x128xf32, #tpu.memory_space<vmem>>) target(%dma_start3A_109 : memref<128x128xf32, #tpu.memory_space<vmem_shared>>) target_semaphore(%run_scoped3A : memref<!tpu.dma_semaphore, #tpu.memory_space<semaphore_mem>>)
      %dma_wait3A = arith.constant 0 : i32
      %dma_wait3A_113 = arith.constant 0 : i32
      %dma_wait3A_114 = tpu.memref_slice %arg11[%dma_wait3A, %dma_wait3A_113] : memref<128x128xf32, #tpu.memory_space<vmem>> -> memref<128x128xf32, #tpu.memory_space<vmem>>
      %dma_wait3A_115 = arith.constant 0 : i32
      %dma_wait3A_116 = tpu.memref_slice %arg14[%add3A_13, %dma_wait3A_115] : memref<5008x128xf32, #tpu.memory_space<vmem_shared>> -> memref<128x128xf32, #tpu.memory_space<vmem_shared>>
      %dma_wait3A_117 = arith.constant 0 : i32
      %dma_wait3A_118 = tpu.memref_slice %arg14[%add3A_13, %dma_wait3A_117] : memref<5008x128xf32, #tpu.memory_space<vmem_shared>> -> memref<128x128xf32, #tpu.memory_space<vmem_shared>>
      %dma_wait3A_119 = arith.constant 0 : i32
      %dma_wait3A_120 = arith.constant 0 : i32
      %dma_wait3A_121 = tpu.memref_slice %arg11[%dma_wait3A_119, %dma_wait3A_120] : memref<128x128xf32, #tpu.memory_space<vmem>> -> memref<128x128xf32, #tpu.memory_space<vmem>>
      tpu.wait_dma2 semaphore(%run_scoped3A : memref<!tpu.dma_semaphore, #tpu.memory_space<semaphore_mem>>) src(%dma_wait3A_121 : memref<128x128xf32, #tpu.memory_space<vmem>>) dst(%dma_wait3A_118 : memref<128x128xf32, #tpu.memory_space<vmem_shared>>)
      tpu.yield
    }) : () -> ()
    %mul3A_14 = arith.constant 313 : i32
    %mul3A_15 = arith.muli %arg1, %mul3A_14 : i32
    %add3A_16 = arith.constant 256 : i32
    %add3A_17 = arith.addi %mul3A_15, %add3A_16 : i32
    "tpu.region"() ({
      %run_scoped3A = tpu.sem_alloc : memref<!tpu.dma_semaphore, #tpu.memory_space<semaphore_mem>>
      %dma_start3A_103 = arith.constant 0 : i32
      %dma_start3A_104 = arith.constant 0 : i32
      %dma_start3A_105 = tpu.memref_slice %arg11[%dma_start3A_103, %dma_start3A_104] : memref<128x128xf32, #tpu.memory_space<vmem>> -> memref<57x128xf32, #tpu.memory_space<vmem>>
      %dma_start3A_106 = arith.constant 0 : i32
      %dma_start3A_107 = tpu.memref_slice %arg14[%add3A_17, %dma_start3A_106] : memref<5008x128xf32, #tpu.memory_space<vmem_shared>> -> memref<57x128xf32, #tpu.memory_space<vmem_shared>>
      %dma_start3A_108 = arith.constant 0 : i32
      %dma_start3A_109 = tpu.memref_slice %arg14[%add3A_17, %dma_start3A_108] : memref<5008x128xf32, #tpu.memory_space<vmem_shared>> -> memref<57x128xf32, #tpu.memory_space<vmem_shared>>
      %dma_start3A_110 = arith.constant 0 : i32
      %dma_start3A_111 = arith.constant 0 : i32
      %dma_start3A_112 = tpu.memref_slice %arg11[%dma_start3A_110, %dma_start3A_111] : memref<128x128xf32, #tpu.memory_space<vmem>> -> memref<57x128xf32, #tpu.memory_space<vmem>>
      tpu.enqueue_dma source(%dma_start3A_112 : memref<57x128xf32, #tpu.memory_space<vmem>>) target(%dma_start3A_109 : memref<57x128xf32, #tpu.memory_space<vmem_shared>>) target_semaphore(%run_scoped3A : memref<!tpu.dma_semaphore, #tpu.memory_space<semaphore_mem>>)
      %dma_wait3A = arith.constant 0 : i32
      %dma_wait3A_113 = arith.constant 0 : i32
      %dma_wait3A_114 = tpu.memref_slice %arg11[%dma_wait3A, %dma_wait3A_113] : memref<128x128xf32, #tpu.memory_space<vmem>> -> memref<57x128xf32, #tpu.memory_space<vmem>>
      %dma_wait3A_115 = arith.constant 0 : i32
      %dma_wait3A_116 = tpu.memref_slice %arg14[%add3A_17, %dma_wait3A_115] : memref<5008x128xf32, #tpu.memory_space<vmem_shared>> -> memref<57x128xf32, #tpu.memory_space<vmem_shared>>
      %dma_wait3A_117 = arith.constant 0 : i32
      %dma_wait3A_118 = tpu.memref_slice %arg14[%add3A_17, %dma_wait3A_117] : memref<5008x128xf32, #tpu.memory_space<vmem_shared>> -> memref<57x128xf32, #tpu.memory_space<vmem_shared>>
      %dma_wait3A_119 = arith.constant 0 : i32
      %dma_wait3A_120 = arith.constant 0 : i32
      %dma_wait3A_121 = tpu.memref_slice %arg11[%dma_wait3A_119, %dma_wait3A_120] : memref<128x128xf32, #tpu.memory_space<vmem>> -> memref<57x128xf32, #tpu.memory_space<vmem>>
      tpu.wait_dma2 semaphore(%run_scoped3A : memref<!tpu.dma_semaphore, #tpu.memory_space<semaphore_mem>>) src(%dma_wait3A_121 : memref<57x128xf32, #tpu.memory_space<vmem>>) dst(%dma_wait3A_118 : memref<57x128xf32, #tpu.memory_space<vmem_shared>>)
      tpu.yield
    }) : () -> ()
    %scan3A_18 = arith.constant 0 : i32
    %scan3A_19 = arith.constant 0 : i32
    %scan3A_20 = arith.constant 10 : i32
    %scan3A_21 = arith.addi %scan3A_19, %scan3A_20 : i32
    %scan3A_22 = arith.constant 1 : i32
    %scan3A_23 = scf.for %scan3A_103 = %scan3A_19 to %scan3A_21 step %scan3A_22 iter_args(%scan3A_104 = %scan3A_18) -> (i32)  : i32 {
      %mul3A_105 = arith.constant 16 : i32
      %mul3A_106 = arith.muli %scan3A_103, %mul3A_105 : i32
      "tpu.region"() ({
        %run_scoped3A = tpu.sem_alloc : memref<!tpu.dma_semaphore, #tpu.memory_space<semaphore_mem>>
        %dma_start3A_115 = arith.constant 0 : i32
        %dma_start3A_116 = tpu.memref_slice %arg3[%arg1, %mul3A_106, %dma_start3A_115] : memref<16x160x128xi32, #tpu.memory_space<hbm>> -> memref<1x16x128xi32, #tpu.memory_space<hbm>>
        %dma_start3A_117 = tpu.memref_squeeze %dma_start3A_116 : memref<1x16x128xi32, #tpu.memory_space<hbm>> -> memref<16x128xi32, #tpu.memory_space<hbm>>
        %dma_start3A_118 = arith.constant 0 : i32
        %dma_start3A_119 = tpu.memref_slice %arg3[%arg1, %mul3A_106, %dma_start3A_118] : memref<16x160x128xi32, #tpu.memory_space<hbm>> -> memref<1x16x128xi32, #tpu.memory_space<hbm>>
        %dma_start3A_120 = tpu.memref_squeeze %dma_start3A_119 : memref<1x16x128xi32, #tpu.memory_space<hbm>> -> memref<16x128xi32, #tpu.memory_space<hbm>>
        tpu.enqueue_dma source(%dma_start3A_120 : memref<16x128xi32, #tpu.memory_space<hbm>>) target(%arg7 : memref<16x128xi32, #tpu.memory_space<vmem>>) target_semaphore(%run_scoped3A : memref<!tpu.dma_semaphore, #tpu.memory_space<semaphore_mem>>)
        %dma_wait3A = arith.constant 0 : i32
        %dma_wait3A_121 = tpu.memref_slice %arg3[%arg1, %mul3A_106, %dma_wait3A] : memref<16x160x128xi32, #tpu.memory_space<hbm>> -> memref<1x16x128xi32, #tpu.memory_space<hbm>>
        %dma_wait3A_122 = tpu.memref_squeeze %dma_wait3A_121 : memref<1x16x128xi32, #tpu.memory_space<hbm>> -> memref<16x128xi32, #tpu.memory_space<hbm>>
        %dma_wait3A_123 = arith.constant 0 : i32
        %dma_wait3A_124 = tpu.memref_slice %arg3[%arg1, %mul3A_106, %dma_wait3A_123] : memref<16x160x128xi32, #tpu.memory_space<hbm>> -> memref<1x16x128xi32, #tpu.memory_space<hbm>>
        %dma_wait3A_125 = tpu.memref_squeeze %dma_wait3A_124 : memref<1x16x128xi32, #tpu.memory_space<hbm>> -> memref<16x128xi32, #tpu.memory_space<hbm>>
        tpu.wait_dma2 semaphore(%run_scoped3A : memref<!tpu.dma_semaphore, #tpu.memory_space<semaphore_mem>>) src(%dma_wait3A_125 : memref<16x128xi32, #tpu.memory_space<hbm>>) dst(%arg7 : memref<16x128xi32, #tpu.memory_space<vmem>>)
        tpu.yield
      }) : () -> ()
      %mul3A_107 = arith.constant 16 : i32
      %mul3A_108 = arith.muli %scan3A_103, %mul3A_107 : i32
      "tpu.region"() ({
        %run_scoped3A = tpu.sem_alloc : memref<!tpu.dma_semaphore, #tpu.memory_space<semaphore_mem>>
        %dma_start3A_115 = arith.constant 0 : i32
        %dma_start3A_116 = tpu.memref_slice %arg4[%arg1, %mul3A_108, %dma_start3A_115] : memref<16x160x128xi32, #tpu.memory_space<hbm>> -> memref<1x16x128xi32, #tpu.memory_space<hbm>>
        %dma_start3A_117 = tpu.memref_squeeze %dma_start3A_116 : memref<1x16x128xi32, #tpu.memory_space<hbm>> -> memref<16x128xi32, #tpu.memory_space<hbm>>
        %dma_start3A_118 = arith.constant 0 : i32
        %dma_start3A_119 = tpu.memref_slice %arg4[%arg1, %mul3A_108, %dma_start3A_118] : memref<16x160x128xi32, #tpu.memory_space<hbm>> -> memref<1x16x128xi32, #tpu.memory_space<hbm>>
        %dma_start3A_120 = tpu.memref_squeeze %dma_start3A_119 : memref<1x16x128xi32, #tpu.memory_space<hbm>> -> memref<16x128xi32, #tpu.memory_space<hbm>>
        tpu.enqueue_dma source(%dma_start3A_120 : memref<16x128xi32, #tpu.memory_space<hbm>>) target(%arg8 : memref<16x128xi32, #tpu.memory_space<vmem>>) target_semaphore(%run_scoped3A : memref<!tpu.dma_semaphore, #tpu.memory_space<semaphore_mem>>)
        %dma_wait3A = arith.constant 0 : i32
        %dma_wait3A_121 = tpu.memref_slice %arg4[%arg1, %mul3A_108, %dma_wait3A] : memref<16x160x128xi32, #tpu.memory_space<hbm>> -> memref<1x16x128xi32, #tpu.memory_space<hbm>>
        %dma_wait3A_122 = tpu.memref_squeeze %dma_wait3A_121 : memref<1x16x128xi32, #tpu.memory_space<hbm>> -> memref<16x128xi32, #tpu.memory_space<hbm>>
        %dma_wait3A_123 = arith.constant 0 : i32
        %dma_wait3A_124 = tpu.memref_slice %arg4[%arg1, %mul3A_108, %dma_wait3A_123] : memref<16x160x128xi32, #tpu.memory_space<hbm>> -> memref<1x16x128xi32, #tpu.memory_space<hbm>>
        %dma_wait3A_125 = tpu.memref_squeeze %dma_wait3A_124 : memref<1x16x128xi32, #tpu.memory_space<hbm>> -> memref<16x128xi32, #tpu.memory_space<hbm>>
        tpu.wait_dma2 semaphore(%run_scoped3A : memref<!tpu.dma_semaphore, #tpu.memory_space<semaphore_mem>>) src(%dma_wait3A_125 : memref<16x128xi32, #tpu.memory_space<hbm>>) dst(%arg8 : memref<16x128xi32, #tpu.memory_space<vmem>>)
        tpu.yield
      }) : () -> ()
      %scan3A_109 = arith.constant 0 : i32
      %scan3A_110 = arith.constant 16 : i32
      %scan3A_111 = arith.addi %scan3A_109, %scan3A_110 : i32
      %scan3A_112 = arith.constant 1 : i32
      %scan3A_113 = scf.for %scan3A_115 = %scan3A_109 to %scan3A_111 step %scan3A_112 iter_args(%scan3A_116 = %scan3A_104) -> (i32)  : i32 {
        %get3A = arith.index_cast %scan3A_115 : i32 to index
        %get3A_117 = arith.constant 0 : index
        %get3A_118 = tpu.vector_load %arg8[%get3A, %get3A_117] {strides = array<i32>} : memref<16x128xi32, #tpu.memory_space<vmem>>, vector<16xi32>,
        %get3A_119 = arith.index_cast %scan3A_115 : i32 to index
        %get3A_120 = arith.constant 0 : index
        %get3A_121 = tpu.vector_load %arg7[%get3A_119, %get3A_120] {strides = array<i32>} : memref<16x128xi32, #tpu.memory_space<vmem>>, vector<16xi32>,
        %eq3A_122 = arith.constant 0 : i32
        %eq3A_123 = arith.cmpi eq, %arg0, %eq3A_122 : i32
        %convert_element_type3A_124 = arith.extui %eq3A_123 : i1 to i32
        %cond3A_125 = arith.constant 0 : i32
        %cond3A_126 = arith.cmpi ne, %convert_element_type3A_124, %cond3A_125 : i32
        scf.if %cond3A_126 {
          %broadcast_in_dim3A_383 = arith.constant 1.000000e+00 : f32
          %broadcast_in_dim3A_384 = vector.broadcast %broadcast_in_dim3A_383 : f32 to vector<16xf32>
          tpu.vector_store_idx %arg13[%get3A_118], %broadcast_in_dim3A_384 {add = true} : memref<10240xf32, #tpu.memory_space<vmem>>[vector<16xi32>], vector<16xf32>,
        } else {
        }
        %sub3A_127 = vector.broadcast %mul3A_0 : i32 to vector<16xi32>
        %sub3A_128 = arith.subi %get3A_118, %sub3A_127 : vector<16xi32>
        %ge3A = arith.constant 0 : i32
        %ge3A_129 = vector.broadcast %ge3A : i32 to vector<16xi32>
        %ge3A_130 = arith.cmpi sge, %sub3A_128, %ge3A_129 : vector<16xi32>
        %lt3A = arith.constant 5000 : i32
        %lt3A_131 = vector.broadcast %lt3A : i32 to vector<16xi32>
        %lt3A_132 = arith.cmpi slt, %sub3A_128, %lt3A_131 : vector<16xi32>
        %and3A_133 = arith.andi %ge3A_130, %lt3A_132 : vector<16xi1>
        %swap3A = arith.index_cast %scan3A_116 : i32 to index
        %swap3A_134 = tpu.vector_load %arg10[%swap3A] masked %and3A_133 {strides = array<i32>} : memref<20736xi32, #tpu.memory_space<vmem>>, vector<16xi32>, vector<16xi1>
        tpu.vector_store %arg10[%swap3A], %sub3A_128 masked %and3A_133 {strides = array<i32>} : memref<20736xi32, #tpu.memory_space<vmem>>, vector<16xi32>, vector<16xi1>
        %swap3A_135 = arith.index_cast %scan3A_116 : i32 to index
        %swap3A_136 = tpu.vector_load %arg9[%swap3A_135] masked %and3A_133 {strides = array<i32>} : memref<20736xi32, #tpu.memory_space<vmem>>, vector<16xi32>, vector<16xi1>
        tpu.vector_store %arg9[%swap3A_135], %get3A_121 masked %and3A_133 {strides = array<i32>} : memref<20736xi32, #tpu.memory_space<vmem>>, vector<16xi32>, vector<16xi1>
        %jit3A_137 = arith.constant 1 : i32
        %jit3A_138 = arith.constant 0 : i32
        %broadcast_in_dim3A = vector.broadcast %jit3A_137 : i32 to vector<16xi32>
        %broadcast_in_dim3A_139 = vector.broadcast %jit3A_138 : i32 to vector<16xi32>
        %select_n3A_140 = arith.select %and3A_133, %broadcast_in_dim3A, %broadcast_in_dim3A_139 : vector<16xi1>, vector<16xi32>
        %reduce_sum3A = arith.constant true
        %reduce_sum3A_141 = vector.broadcast %reduce_sum3A : i1 to vector<16xi1>
        %reduce_sum3A_142 = tpu.scan <sum>, %select_n3A_140 masked %reduce_sum3A_141 : vector<16xi32>, vector<16xi1> -> vector<16xi32>
        %reduce_sum3A_143 = vector.extract %reduce_sum3A_142[15] : i32 from vector<16xi32>
        %add3A_144 = arith.addi %scan3A_116, %reduce_sum3A_143 : i32
        %get3A_145 = arith.index_cast %scan3A_115 : i32 to index
        %get3A_146 = arith.constant 16 : index
        %get3A_147 = tpu.vector_load %arg8[%get3A_145, %get3A_146] {strides = array<i32>} : memref<16x128xi32, #tpu.memory_space<vmem>>, vector<16xi32>,
        %get3A_148 = arith.index_cast %scan3A_115 : i32 to index
        %get3A_149 = arith.constant 16 : index
        %get3A_150 = tpu.vector_load %arg7[%get3A_148, %get3A_149] {strides = array<i32>} : memref<16x128xi32, #tpu.memory_space<vmem>>, vector<16xi32>,
        %eq3A_151 = arith.constant 0 : i32
        %eq3A_152 = arith.cmpi eq, %arg0, %eq3A_151 : i32
        %convert_element_type3A_153 = arith.extui %eq3A_152 : i1 to i32
        %cond3A_154 = arith.constant 0 : i32
        %cond3A_155 = arith.cmpi ne, %convert_element_type3A_153, %cond3A_154 : i32
        scf.if %cond3A_155 {
          %broadcast_in_dim3A_383 = arith.constant 1.000000e+00 : f32
          %broadcast_in_dim3A_384 = vector.broadcast %broadcast_in_dim3A_383 : f32 to vector<16xf32>
          tpu.vector_store_idx %arg13[%get3A_147], %broadcast_in_dim3A_384 {add = true} : memref<10240xf32, #tpu.memory_space<vmem>>[vector<16xi32>], vector<16xf32>,
        } else {
        }
        %sub3A_156 = vector.broadcast %mul3A_0 : i32 to vector<16xi32>
        %sub3A_157 = arith.subi %get3A_147, %sub3A_156 : vector<16xi32>
        %ge3A_158 = arith.constant 0 : i32
        %ge3A_159 = vector.broadcast %ge3A_158 : i32 to vector<16xi32>
        %ge3A_160 = arith.cmpi sge, %sub3A_157, %ge3A_159 : vector<16xi32>
        %lt3A_161 = arith.constant 5000 : i32
        %lt3A_162 = vector.broadcast %lt3A_161 : i32 to vector<16xi32>
        %lt3A_163 = arith.cmpi slt, %sub3A_157, %lt3A_162 : vector<16xi32>
        %and3A_164 = arith.andi %ge3A_160, %lt3A_163 : vector<16xi1>
        %swap3A_165 = arith.index_cast %add3A_144 : i32 to index
        %swap3A_166 = tpu.vector_load %arg10[%swap3A_165] masked %and3A_164 {strides = array<i32>} : memref<20736xi32, #tpu.memory_space<vmem>>, vector<16xi32>, vector<16xi1>
        tpu.vector_store %arg10[%swap3A_165], %sub3A_157 masked %and3A_164 {strides = array<i32>} : memref<20736xi32, #tpu.memory_space<vmem>>, vector<16xi32>, vector<16xi1>
        %swap3A_167 = arith.index_cast %add3A_144 : i32 to index
        %swap3A_168 = tpu.vector_load %arg9[%swap3A_167] masked %and3A_164 {strides = array<i32>} : memref<20736xi32, #tpu.memory_space<vmem>>, vector<16xi32>, vector<16xi1>
        tpu.vector_store %arg9[%swap3A_167], %get3A_150 masked %and3A_164 {strides = array<i32>} : memref<20736xi32, #tpu.memory_space<vmem>>, vector<16xi32>, vector<16xi1>
        %jit3A_169 = arith.constant 1 : i32
        %jit3A_170 = arith.constant 0 : i32
        %broadcast_in_dim3A_171 = vector.broadcast %jit3A_169 : i32 to vector<16xi32>
        %broadcast_in_dim3A_172 = vector.broadcast %jit3A_170 : i32 to vector<16xi32>
        %select_n3A_173 = arith.select %and3A_164, %broadcast_in_dim3A_171, %broadcast_in_dim3A_172 : vector<16xi1>, vector<16xi32>
        %reduce_sum3A_174 = arith.constant true
        %reduce_sum3A_175 = vector.broadcast %reduce_sum3A_174 : i1 to vector<16xi1>
        %reduce_sum3A_176 = tpu.scan <sum>, %select_n3A_173 masked %reduce_sum3A_175 : vector<16xi32>, vector<16xi1> -> vector<16xi32>
        %reduce_sum3A_177 = vector.extract %reduce_sum3A_176[15] : i32 from vector<16xi32>
        %add3A_178 = arith.addi %add3A_144, %reduce_sum3A_177 : i32
        %get3A_179 = arith.index_cast %scan3A_115 : i32 to index
        %get3A_180 = arith.constant 32 : index
        %get3A_181 = tpu.vector_load %arg8[%get3A_179, %get3A_180] {strides = array<i32>} : memref<16x128xi32, #tpu.memory_space<vmem>>, vector<16xi32>,
        %get3A_182 = arith.index_cast %scan3A_115 : i32 to index
        %get3A_183 = arith.constant 32 : index
        %get3A_184 = tpu.vector_load %arg7[%get3A_182, %get3A_183] {strides = array<i32>} : memref<16x128xi32, #tpu.memory_space<vmem>>, vector<16xi32>,
        %eq3A_185 = arith.constant 0 : i32
        %eq3A_186 = arith.cmpi eq, %arg0, %eq3A_185 : i32
        %convert_element_type3A_187 = arith.extui %eq3A_186 : i1 to i32
        %cond3A_188 = arith.constant 0 : i32
        %cond3A_189 = arith.cmpi ne, %convert_element_type3A_187, %cond3A_188 : i32
        scf.if %cond3A_189 {
          %broadcast_in_dim3A_383 = arith.constant 1.000000e+00 : f32
          %broadcast_in_dim3A_384 = vector.broadcast %broadcast_in_dim3A_383 : f32 to vector<16xf32>
          tpu.vector_store_idx %arg13[%get3A_181], %broadcast_in_dim3A_384 {add = true} : memref<10240xf32, #tpu.memory_space<vmem>>[vector<16xi32>], vector<16xf32>,
        } else {
        }
        %sub3A_190 = vector.broadcast %mul3A_0 : i32 to vector<16xi32>
        %sub3A_191 = arith.subi %get3A_181, %sub3A_190 : vector<16xi32>
        %ge3A_192 = arith.constant 0 : i32
        %ge3A_193 = vector.broadcast %ge3A_192 : i32 to vector<16xi32>
        %ge3A_194 = arith.cmpi sge, %sub3A_191, %ge3A_193 : vector<16xi32>
        %lt3A_195 = arith.constant 5000 : i32
        %lt3A_196 = vector.broadcast %lt3A_195 : i32 to vector<16xi32>
        %lt3A_197 = arith.cmpi slt, %sub3A_191, %lt3A_196 : vector<16xi32>
        %and3A_198 = arith.andi %ge3A_194, %lt3A_197 : vector<16xi1>
        %swap3A_199 = arith.index_cast %add3A_178 : i32 to index
        %swap3A_200 = tpu.vector_load %arg10[%swap3A_199] masked %and3A_198 {strides = array<i32>} : memref<20736xi32, #tpu.memory_space<vmem>>, vector<16xi32>, vector<16xi1>
        tpu.vector_store %arg10[%swap3A_199], %sub3A_191 masked %and3A_198 {strides = array<i32>} : memref<20736xi32, #tpu.memory_space<vmem>>, vector<16xi32>, vector<16xi1>
        %swap3A_201 = arith.index_cast %add3A_178 : i32 to index
        %swap3A_202 = tpu.vector_load %arg9[%swap3A_201] masked %and3A_198 {strides = array<i32>} : memref<20736xi32, #tpu.memory_space<vmem>>, vector<16xi32>, vector<16xi1>
        tpu.vector_store %arg9[%swap3A_201], %get3A_184 masked %and3A_198 {strides = array<i32>} : memref<20736xi32, #tpu.memory_space<vmem>>, vector<16xi32>, vector<16xi1>
        %jit3A_203 = arith.constant 1 : i32
        %jit3A_204 = arith.constant 0 : i32
        %broadcast_in_dim3A_205 = vector.broadcast %jit3A_203 : i32 to vector<16xi32>
        %broadcast_in_dim3A_206 = vector.broadcast %jit3A_204 : i32 to vector<16xi32>
        %select_n3A_207 = arith.select %and3A_198, %broadcast_in_dim3A_205, %broadcast_in_dim3A_206 : vector<16xi1>, vector<16xi32>
        %reduce_sum3A_208 = arith.constant true
        %reduce_sum3A_209 = vector.broadcast %reduce_sum3A_208 : i1 to vector<16xi1>
        %reduce_sum3A_210 = tpu.scan <sum>, %select_n3A_207 masked %reduce_sum3A_209 : vector<16xi32>, vector<16xi1> -> vector<16xi32>
        %reduce_sum3A_211 = vector.extract %reduce_sum3A_210[15] : i32 from vector<16xi32>
        %add3A_212 = arith.addi %add3A_178, %reduce_sum3A_211 : i32
        %get3A_213 = arith.index_cast %scan3A_115 : i32 to index
        %get3A_214 = arith.constant 48 : index
        %get3A_215 = tpu.vector_load %arg8[%get3A_213, %get3A_214] {strides = array<i32>} : memref<16x128xi32, #tpu.memory_space<vmem>>, vector<16xi32>,
        %get3A_216 = arith.index_cast %scan3A_115 : i32 to index
        %get3A_217 = arith.constant 48 : index
        %get3A_218 = tpu.vector_load %arg7[%get3A_216, %get3A_217] {strides = array<i32>} : memref<16x128xi32, #tpu.memory_space<vmem>>, vector<16xi32>,
        %eq3A_219 = arith.constant 0 : i32
        %eq3A_220 = arith.cmpi eq, %arg0, %eq3A_219 : i32
        %convert_element_type3A_221 = arith.extui %eq3A_220 : i1 to i32
        %cond3A_222 = arith.constant 0 : i32
        %cond3A_223 = arith.cmpi ne, %convert_element_type3A_221, %cond3A_222 : i32
        scf.if %cond3A_223 {
          %broadcast_in_dim3A_383 = arith.constant 1.000000e+00 : f32
          %broadcast_in_dim3A_384 = vector.broadcast %broadcast_in_dim3A_383 : f32 to vector<16xf32>
          tpu.vector_store_idx %arg13[%get3A_215], %broadcast_in_dim3A_384 {add = true} : memref<10240xf32, #tpu.memory_space<vmem>>[vector<16xi32>], vector<16xf32>,
        } else {
        }
        %sub3A_224 = vector.broadcast %mul3A_0 : i32 to vector<16xi32>
        %sub3A_225 = arith.subi %get3A_215, %sub3A_224 : vector<16xi32>
        %ge3A_226 = arith.constant 0 : i32
        %ge3A_227 = vector.broadcast %ge3A_226 : i32 to vector<16xi32>
        %ge3A_228 = arith.cmpi sge, %sub3A_225, %ge3A_227 : vector<16xi32>
        %lt3A_229 = arith.constant 5000 : i32
        %lt3A_230 = vector.broadcast %lt3A_229 : i32 to vector<16xi32>
        %lt3A_231 = arith.cmpi slt, %sub3A_225, %lt3A_230 : vector<16xi32>
        %and3A_232 = arith.andi %ge3A_228, %lt3A_231 : vector<16xi1>
        %swap3A_233 = arith.index_cast %add3A_212 : i32 to index
        %swap3A_234 = tpu.vector_load %arg10[%swap3A_233] masked %and3A_232 {strides = array<i32>} : memref<20736xi32, #tpu.memory_space<vmem>>, vector<16xi32>, vector<16xi1>
        tpu.vector_store %arg10[%swap3A_233], %sub3A_225 masked %and3A_232 {strides = array<i32>} : memref<20736xi32, #tpu.memory_space<vmem>>, vector<16xi32>, vector<16xi1>
        %swap3A_235 = arith.index_cast %add3A_212 : i32 to index
        %swap3A_236 = tpu.vector_load %arg9[%swap3A_235] masked %and3A_232 {strides = array<i32>} : memref<20736xi32, #tpu.memory_space<vmem>>, vector<16xi32>, vector<16xi1>
        tpu.vector_store %arg9[%swap3A_235], %get3A_218 masked %and3A_232 {strides = array<i32>} : memref<20736xi32, #tpu.memory_space<vmem>>, vector<16xi32>, vector<16xi1>
        %jit3A_237 = arith.constant 1 : i32
        %jit3A_238 = arith.constant 0 : i32
        %broadcast_in_dim3A_239 = vector.broadcast %jit3A_237 : i32 to vector<16xi32>
        %broadcast_in_dim3A_240 = vector.broadcast %jit3A_238 : i32 to vector<16xi32>
        %select_n3A_241 = arith.select %and3A_232, %broadcast_in_dim3A_239, %broadcast_in_dim3A_240 : vector<16xi1>, vector<16xi32>
        %reduce_sum3A_242 = arith.constant true
        %reduce_sum3A_243 = vector.broadcast %reduce_sum3A_242 : i1 to vector<16xi1>
        %reduce_sum3A_244 = tpu.scan <sum>, %select_n3A_241 masked %reduce_sum3A_243 : vector<16xi32>, vector<16xi1> -> vector<16xi32>
        %reduce_sum3A_245 = vector.extract %reduce_sum3A_244[15] : i32 from vector<16xi32>
        %add3A_246 = arith.addi %add3A_212, %reduce_sum3A_245 : i32
        %get3A_247 = arith.index_cast %scan3A_115 : i32 to index
        %get3A_248 = arith.constant 64 : index
        %get3A_249 = tpu.vector_load %arg8[%get3A_247, %get3A_248] {strides = array<i32>} : memref<16x128xi32, #tpu.memory_space<vmem>>, vector<16xi32>,
        %get3A_250 = arith.index_cast %scan3A_115 : i32 to index
        %get3A_251 = arith.constant 64 : index
        %get3A_252 = tpu.vector_load %arg7[%get3A_250, %get3A_251] {strides = array<i32>} : memref<16x128xi32, #tpu.memory_space<vmem>>, vector<16xi32>,
        %eq3A_253 = arith.constant 0 : i32
        %eq3A_254 = arith.cmpi eq, %arg0, %eq3A_253 : i32
        %convert_element_type3A_255 = arith.extui %eq3A_254 : i1 to i32
        %cond3A_256 = arith.constant 0 : i32
        %cond3A_257 = arith.cmpi ne, %convert_element_type3A_255, %cond3A_256 : i32
        scf.if %cond3A_257 {
          %broadcast_in_dim3A_383 = arith.constant 1.000000e+00 : f32
          %broadcast_in_dim3A_384 = vector.broadcast %broadcast_in_dim3A_383 : f32 to vector<16xf32>
          tpu.vector_store_idx %arg13[%get3A_249], %broadcast_in_dim3A_384 {add = true} : memref<10240xf32, #tpu.memory_space<vmem>>[vector<16xi32>], vector<16xf32>,
        } else {
        }
        %sub3A_258 = vector.broadcast %mul3A_0 : i32 to vector<16xi32>
        %sub3A_259 = arith.subi %get3A_249, %sub3A_258 : vector<16xi32>
        %ge3A_260 = arith.constant 0 : i32
        %ge3A_261 = vector.broadcast %ge3A_260 : i32 to vector<16xi32>
        %ge3A_262 = arith.cmpi sge, %sub3A_259, %ge3A_261 : vector<16xi32>
        %lt3A_263 = arith.constant 5000 : i32
        %lt3A_264 = vector.broadcast %lt3A_263 : i32 to vector<16xi32>
        %lt3A_265 = arith.cmpi slt, %sub3A_259, %lt3A_264 : vector<16xi32>
        %and3A_266 = arith.andi %ge3A_262, %lt3A_265 : vector<16xi1>
        %swap3A_267 = arith.index_cast %add3A_246 : i32 to index
        %swap3A_268 = tpu.vector_load %arg10[%swap3A_267] masked %and3A_266 {strides = array<i32>} : memref<20736xi32, #tpu.memory_space<vmem>>, vector<16xi32>, vector<16xi1>
        tpu.vector_store %arg10[%swap3A_267], %sub3A_259 masked %and3A_266 {strides = array<i32>} : memref<20736xi32, #tpu.memory_space<vmem>>, vector<16xi32>, vector<16xi1>
        %swap3A_269 = arith.index_cast %add3A_246 : i32 to index
        %swap3A_270 = tpu.vector_load %arg9[%swap3A_269] masked %and3A_266 {strides = array<i32>} : memref<20736xi32, #tpu.memory_space<vmem>>, vector<16xi32>, vector<16xi1>
        tpu.vector_store %arg9[%swap3A_269], %get3A_252 masked %and3A_266 {strides = array<i32>} : memref<20736xi32, #tpu.memory_space<vmem>>, vector<16xi32>, vector<16xi1>
        %jit3A_271 = arith.constant 1 : i32
        %jit3A_272 = arith.constant 0 : i32
        %broadcast_in_dim3A_273 = vector.broadcast %jit3A_271 : i32 to vector<16xi32>
        %broadcast_in_dim3A_274 = vector.broadcast %jit3A_272 : i32 to vector<16xi32>
        %select_n3A_275 = arith.select %and3A_266, %broadcast_in_dim3A_273, %broadcast_in_dim3A_274 : vector<16xi1>, vector<16xi32>
        %reduce_sum3A_276 = arith.constant true
        %reduce_sum3A_277 = vector.broadcast %reduce_sum3A_276 : i1 to vector<16xi1>
        %reduce_sum3A_278 = tpu.scan <sum>, %select_n3A_275 masked %reduce_sum3A_277 : vector<16xi32>, vector<16xi1> -> vector<16xi32>
        %reduce_sum3A_279 = vector.extract %reduce_sum3A_278[15] : i32 from vector<16xi32>
        %add3A_280 = arith.addi %add3A_246, %reduce_sum3A_279 : i32
        %get3A_281 = arith.index_cast %scan3A_115 : i32 to index
        %get3A_282 = arith.constant 80 : index
        %get3A_283 = tpu.vector_load %arg8[%get3A_281, %get3A_282] {strides = array<i32>} : memref<16x128xi32, #tpu.memory_space<vmem>>, vector<16xi32>,
        %get3A_284 = arith.index_cast %scan3A_115 : i32 to index
        %get3A_285 = arith.constant 80 : index
        %get3A_286 = tpu.vector_load %arg7[%get3A_284, %get3A_285] {strides = array<i32>} : memref<16x128xi32, #tpu.memory_space<vmem>>, vector<16xi32>,
        %eq3A_287 = arith.constant 0 : i32
        %eq3A_288 = arith.cmpi eq, %arg0, %eq3A_287 : i32
        %convert_element_type3A_289 = arith.extui %eq3A_288 : i1 to i32
        %cond3A_290 = arith.constant 0 : i32
        %cond3A_291 = arith.cmpi ne, %convert_element_type3A_289, %cond3A_290 : i32
        scf.if %cond3A_291 {
          %broadcast_in_dim3A_383 = arith.constant 1.000000e+00 : f32
          %broadcast_in_dim3A_384 = vector.broadcast %broadcast_in_dim3A_383 : f32 to vector<16xf32>
          tpu.vector_store_idx %arg13[%get3A_283], %broadcast_in_dim3A_384 {add = true} : memref<10240xf32, #tpu.memory_space<vmem>>[vector<16xi32>], vector<16xf32>,
        } else {
        }
        %sub3A_292 = vector.broadcast %mul3A_0 : i32 to vector<16xi32>
        %sub3A_293 = arith.subi %get3A_283, %sub3A_292 : vector<16xi32>
        %ge3A_294 = arith.constant 0 : i32
        %ge3A_295 = vector.broadcast %ge3A_294 : i32 to vector<16xi32>
        %ge3A_296 = arith.cmpi sge, %sub3A_293, %ge3A_295 : vector<16xi32>
        %lt3A_297 = arith.constant 5000 : i32
        %lt3A_298 = vector.broadcast %lt3A_297 : i32 to vector<16xi32>
        %lt3A_299 = arith.cmpi slt, %sub3A_293, %lt3A_298 : vector<16xi32>
        %and3A_300 = arith.andi %ge3A_296, %lt3A_299 : vector<16xi1>
        %swap3A_301 = arith.index_cast %add3A_280 : i32 to index
        %swap3A_302 = tpu.vector_load %arg10[%swap3A_301] masked %and3A_300 {strides = array<i32>} : memref<20736xi32, #tpu.memory_space<vmem>>, vector<16xi32>, vector<16xi1>
        tpu.vector_store %arg10[%swap3A_301], %sub3A_293 masked %and3A_300 {strides = array<i32>} : memref<20736xi32, #tpu.memory_space<vmem>>, vector<16xi32>, vector<16xi1>
        %swap3A_303 = arith.index_cast %add3A_280 : i32 to index
        %swap3A_304 = tpu.vector_load %arg9[%swap3A_303] masked %and3A_300 {strides = array<i32>} : memref<20736xi32, #tpu.memory_space<vmem>>, vector<16xi32>, vector<16xi1>
        tpu.vector_store %arg9[%swap3A_303], %get3A_286 masked %and3A_300 {strides = array<i32>} : memref<20736xi32, #tpu.memory_space<vmem>>, vector<16xi32>, vector<16xi1>
        %jit3A_305 = arith.constant 1 : i32
        %jit3A_306 = arith.constant 0 : i32
        %broadcast_in_dim3A_307 = vector.broadcast %jit3A_305 : i32 to vector<16xi32>
        %broadcast_in_dim3A_308 = vector.broadcast %jit3A_306 : i32 to vector<16xi32>
        %select_n3A_309 = arith.select %and3A_300, %broadcast_in_dim3A_307, %broadcast_in_dim3A_308 : vector<16xi1>, vector<16xi32>
        %reduce_sum3A_310 = arith.constant true
        %reduce_sum3A_311 = vector.broadcast %reduce_sum3A_310 : i1 to vector<16xi1>
        %reduce_sum3A_312 = tpu.scan <sum>, %select_n3A_309 masked %reduce_sum3A_311 : vector<16xi32>, vector<16xi1> -> vector<16xi32>
        %reduce_sum3A_313 = vector.extract %reduce_sum3A_312[15] : i32 from vector<16xi32>
        %add3A_314 = arith.addi %add3A_280, %reduce_sum3A_313 : i32
        %get3A_315 = arith.index_cast %scan3A_115 : i32 to index
        %get3A_316 = arith.constant 96 : index
        %get3A_317 = tpu.vector_load %arg8[%get3A_315, %get3A_316] {strides = array<i32>} : memref<16x128xi32, #tpu.memory_space<vmem>>, vector<16xi32>,
        %get3A_318 = arith.index_cast %scan3A_115 : i32 to index
        %get3A_319 = arith.constant 96 : index
        %get3A_320 = tpu.vector_load %arg7[%get3A_318, %get3A_319] {strides = array<i32>} : memref<16x128xi32, #tpu.memory_space<vmem>>, vector<16xi32>,
        %eq3A_321 = arith.constant 0 : i32
        %eq3A_322 = arith.cmpi eq, %arg0, %eq3A_321 : i32
        %convert_element_type3A_323 = arith.extui %eq3A_322 : i1 to i32
        %cond3A_324 = arith.constant 0 : i32
        %cond3A_325 = arith.cmpi ne, %convert_element_type3A_323, %cond3A_324 : i32
        scf.if %cond3A_325 {
          %broadcast_in_dim3A_383 = arith.constant 1.000000e+00 : f32
          %broadcast_in_dim3A_384 = vector.broadcast %broadcast_in_dim3A_383 : f32 to vector<16xf32>
          tpu.vector_store_idx %arg13[%get3A_317], %broadcast_in_dim3A_384 {add = true} : memref<10240xf32, #tpu.memory_space<vmem>>[vector<16xi32>], vector<16xf32>,
        } else {
        }
        %sub3A_326 = vector.broadcast %mul3A_0 : i32 to vector<16xi32>
        %sub3A_327 = arith.subi %get3A_317, %sub3A_326 : vector<16xi32>
        %ge3A_328 = arith.constant 0 : i32
        %ge3A_329 = vector.broadcast %ge3A_328 : i32 to vector<16xi32>
        %ge3A_330 = arith.cmpi sge, %sub3A_327, %ge3A_329 : vector<16xi32>
        %lt3A_331 = arith.constant 5000 : i32
        %lt3A_332 = vector.broadcast %lt3A_331 : i32 to vector<16xi32>
        %lt3A_333 = arith.cmpi slt, %sub3A_327, %lt3A_332 : vector<16xi32>
        %and3A_334 = arith.andi %ge3A_330, %lt3A_333 : vector<16xi1>
        %swap3A_335 = arith.index_cast %add3A_314 : i32 to index
        %swap3A_336 = tpu.vector_load %arg10[%swap3A_335] masked %and3A_334 {strides = array<i32>} : memref<20736xi32, #tpu.memory_space<vmem>>, vector<16xi32>, vector<16xi1>
        tpu.vector_store %arg10[%swap3A_335], %sub3A_327 masked %and3A_334 {strides = array<i32>} : memref<20736xi32, #tpu.memory_space<vmem>>, vector<16xi32>, vector<16xi1>
        %swap3A_337 = arith.index_cast %add3A_314 : i32 to index
        %swap3A_338 = tpu.vector_load %arg9[%swap3A_337] masked %and3A_334 {strides = array<i32>} : memref<20736xi32, #tpu.memory_space<vmem>>, vector<16xi32>, vector<16xi1>
        tpu.vector_store %arg9[%swap3A_337], %get3A_320 masked %and3A_334 {strides = array<i32>} : memref<20736xi32, #tpu.memory_space<vmem>>, vector<16xi32>, vector<16xi1>
        %jit3A_339 = arith.constant 1 : i32
        %jit3A_340 = arith.constant 0 : i32
        %broadcast_in_dim3A_341 = vector.broadcast %jit3A_339 : i32 to vector<16xi32>
        %broadcast_in_dim3A_342 = vector.broadcast %jit3A_340 : i32 to vector<16xi32>
        %select_n3A_343 = arith.select %and3A_334, %broadcast_in_dim3A_341, %broadcast_in_dim3A_342 : vector<16xi1>, vector<16xi32>
        %reduce_sum3A_344 = arith.constant true
        %reduce_sum3A_345 = vector.broadcast %reduce_sum3A_344 : i1 to vector<16xi1>
        %reduce_sum3A_346 = tpu.scan <sum>, %select_n3A_343 masked %reduce_sum3A_345 : vector<16xi32>, vector<16xi1> -> vector<16xi32>
        %reduce_sum3A_347 = vector.extract %reduce_sum3A_346[15] : i32 from vector<16xi32>
        %add3A_348 = arith.addi %add3A_314, %reduce_sum3A_347 : i32
        %get3A_349 = arith.index_cast %scan3A_115 : i32 to index
        %get3A_350 = arith.constant 112 : index
        %get3A_351 = tpu.vector_load %arg8[%get3A_349, %get3A_350] {strides = array<i32>} : memref<16x128xi32, #tpu.memory_space<vmem>>, vector<16xi32>,
        %get3A_352 = arith.index_cast %scan3A_115 : i32 to index
        %get3A_353 = arith.constant 112 : index
        %get3A_354 = tpu.vector_load %arg7[%get3A_352, %get3A_353] {strides = array<i32>} : memref<16x128xi32, #tpu.memory_space<vmem>>, vector<16xi32>,
        %eq3A_355 = arith.constant 0 : i32
        %eq3A_356 = arith.cmpi eq, %arg0, %eq3A_355 : i32
        %convert_element_type3A_357 = arith.extui %eq3A_356 : i1 to i32
        %cond3A_358 = arith.constant 0 : i32
        %cond3A_359 = arith.cmpi ne, %convert_element_type3A_357, %cond3A_358 : i32
        scf.if %cond3A_359 {
          %broadcast_in_dim3A_383 = arith.constant 1.000000e+00 : f32
          %broadcast_in_dim3A_384 = vector.broadcast %broadcast_in_dim3A_383 : f32 to vector<16xf32>
          tpu.vector_store_idx %arg13[%get3A_351], %broadcast_in_dim3A_384 {add = true} : memref<10240xf32, #tpu.memory_space<vmem>>[vector<16xi32>], vector<16xf32>,
        } else {
        }
        %sub3A_360 = vector.broadcast %mul3A_0 : i32 to vector<16xi32>
        %sub3A_361 = arith.subi %get3A_351, %sub3A_360 : vector<16xi32>
        %ge3A_362 = arith.constant 0 : i32
        %ge3A_363 = vector.broadcast %ge3A_362 : i32 to vector<16xi32>
        %ge3A_364 = arith.cmpi sge, %sub3A_361, %ge3A_363 : vector<16xi32>
        %lt3A_365 = arith.constant 5000 : i32
        %lt3A_366 = vector.broadcast %lt3A_365 : i32 to vector<16xi32>
        %lt3A_367 = arith.cmpi slt, %sub3A_361, %lt3A_366 : vector<16xi32>
        %and3A_368 = arith.andi %ge3A_364, %lt3A_367 : vector<16xi1>
        %swap3A_369 = arith.index_cast %add3A_348 : i32 to index
        %swap3A_370 = tpu.vector_load %arg10[%swap3A_369] masked %and3A_368 {strides = array<i32>} : memref<20736xi32, #tpu.memory_space<vmem>>, vector<16xi32>, vector<16xi1>
        tpu.vector_store %arg10[%swap3A_369], %sub3A_361 masked %and3A_368 {strides = array<i32>} : memref<20736xi32, #tpu.memory_space<vmem>>, vector<16xi32>, vector<16xi1>
        %swap3A_371 = arith.index_cast %add3A_348 : i32 to index
        %swap3A_372 = tpu.vector_load %arg9[%swap3A_371] masked %and3A_368 {strides = array<i32>} : memref<20736xi32, #tpu.memory_space<vmem>>, vector<16xi32>, vector<16xi1>
        tpu.vector_store %arg9[%swap3A_371], %get3A_354 masked %and3A_368 {strides = array<i32>} : memref<20736xi32, #tpu.memory_space<vmem>>, vector<16xi32>, vector<16xi1>
        %jit3A_373 = arith.constant 1 : i32
        %jit3A_374 = arith.constant 0 : i32
        %broadcast_in_dim3A_375 = vector.broadcast %jit3A_373 : i32 to vector<16xi32>
        %broadcast_in_dim3A_376 = vector.broadcast %jit3A_374 : i32 to vector<16xi32>
        %select_n3A_377 = arith.select %and3A_368, %broadcast_in_dim3A_375, %broadcast_in_dim3A_376 : vector<16xi1>, vector<16xi32>
        %reduce_sum3A_378 = arith.constant true
        %reduce_sum3A_379 = vector.broadcast %reduce_sum3A_378 : i1 to vector<16xi1>
        %reduce_sum3A_380 = tpu.scan <sum>, %select_n3A_377 masked %reduce_sum3A_379 : vector<16xi32>, vector<16xi1> -> vector<16xi32>
        %reduce_sum3A_381 = vector.extract %reduce_sum3A_380[15] : i32 from vector<16xi32>
        %add3A_382 = arith.addi %add3A_348, %reduce_sum3A_381 : i32
        scf.yield %add3A_382 : i32
      }
      %scan3A_114 = arith.constant 16 : i32
      scf.yield %scan3A_113 : i32
    }
    %scan3A_24 = arith.constant 10 : i32
    %scan3A_25 = arith.constant 0 : i32
    %scan3A_26 = arith.constant 16 : i32
    %scan3A_27 = arith.addi %scan3A_25, %scan3A_26 : i32
    %scan3A_28 = arith.constant 1 : i32
    scf.for %scan3A_103 = %scan3A_25 to %scan3A_27 step %scan3A_28  : i32 {
      %mul3A_104 = arith.constant 1 : i32
      %mul3A_105 = arith.muli %scan3A_103, %mul3A_104 : i32
      %add3A_106 = arith.constant 0 : i32
      %add3A_107 = arith.addi %add3A_106, %mul3A_105 : i32
      %broadcast_in_dim3A = arith.constant 0 : i32
      %broadcast_in_dim3A_108 = vector.broadcast %broadcast_in_dim3A : i32 to vector<16xi32>
      %mul3A_109 = arith.constant 16 : i32
      %mul3A_110 = arith.muli %add3A_107, %mul3A_109 : i32
      %add3A_111 = arith.addi %scan3A_23, %mul3A_110 : i32
      %swap3A = arith.index_cast %add3A_111 : i32 to index
      %swap3A_112 = tpu.vector_load %arg9[%swap3A] {strides = array<i32>} : memref<20736xi32, #tpu.memory_space<vmem>>, vector<16xi32>,
      tpu.vector_store %arg9[%swap3A], %broadcast_in_dim3A_108 {strides = array<i32>} : memref<20736xi32, #tpu.memory_space<vmem>>, vector<16xi32>,
      %broadcast_in_dim3A_113 = arith.constant 5000 : i32
      %broadcast_in_dim3A_114 = vector.broadcast %broadcast_in_dim3A_113 : i32 to vector<16xi32>
      %mul3A_115 = arith.constant 16 : i32
      %mul3A_116 = arith.muli %add3A_107, %mul3A_115 : i32
      %add3A_117 = arith.addi %scan3A_23, %mul3A_116 : i32
      %swap3A_118 = arith.index_cast %add3A_117 : i32 to index
      %swap3A_119 = tpu.vector_load %arg10[%swap3A_118] {strides = array<i32>} : memref<20736xi32, #tpu.memory_space<vmem>>, vector<16xi32>,
      tpu.vector_store %arg10[%swap3A_118], %broadcast_in_dim3A_114 {strides = array<i32>} : memref<20736xi32, #tpu.memory_space<vmem>>, vector<16xi32>,
    }
    %scan3A_29 = arith.constant 16 : i32
    %add3A_30 = arith.constant 256 : i32
    %add3A_31 = arith.addi %scan3A_23, %add3A_30 : i32
    %sub3A = arith.constant 1 : i32
    %sub3A_32 = arith.subi %add3A_31, %sub3A : i32
    %jit3A = arith.constant 256 : i32
    %div3A = arith.divsi %sub3A_32, %jit3A : i32
    %sign3A = arith.constant 0 : i32
    %sign3A_33 = arith.cmpi sgt, %sub3A_32, %sign3A : i32
    %sign3A_34 = arith.extui %sign3A_33 : i1 to i32
    %sign3A_35 = arith.constant 0 : i32
    %sign3A_36 = arith.cmpi slt, %sub3A_32, %sign3A_35 : i32
    %sign3A_37 = arith.extui %sign3A_36 : i1 to i32
    %sign3A_38 = arith.subi %sign3A_34, %sign3A_37 : i32
    %sign3A_39 = arith.constant 0 : i32
    %sign3A_40 = arith.cmpi sgt, %jit3A, %sign3A_39 : i32
    %sign3A_41 = arith.extui %sign3A_40 : i1 to i32
    %sign3A_42 = arith.constant 0 : i32
    %sign3A_43 = arith.cmpi slt, %jit3A, %sign3A_42 : i32
    %sign3A_44 = arith.extui %sign3A_43 : i1 to i32
    %sign3A_45 = arith.subi %sign3A_41, %sign3A_44 : i32
    %ne3A = arith.cmpi ne, %sign3A_38, %sign3A_45 : i32
    %rem3A = arith.remsi %sub3A_32, %jit3A : i32
    %ne3A_46 = arith.constant 0 : i32
    %ne3A_47 = arith.cmpi ne, %rem3A, %ne3A_46 : i32
    %and3A = arith.andi %ne3A, %ne3A_47 : i1
    %sub3A_48 = arith.constant 1 : i32
    %sub3A_49 = arith.subi %div3A, %sub3A_48 : i32
    %select_n3A = arith.select %and3A, %sub3A_49, %div3A : i32
    %max3A = arith.constant 1 : i32
    %max3A_50 = arith.maxsi %select_n3A, %max3A : i32
    %barrier3A = arith.constant 0 : index
    tpu.barrier barrier_id(%barrier3A)
    %dma_start3A = arith.constant 0 : i32
    %dma_start3A_51 = arith.constant 0 : i32
    %dma_start3A_52 = tpu.memref_slice %arg11[%dma_start3A, %dma_start3A_51] : memref<128x128xf32, #tpu.memory_space<vmem>> -> memref<64x128xf32, #tpu.memory_space<vmem>>
    %dma_start3A_53 = arith.constant 0 : i32
    %dma_start3A_54 = tpu.memref_slice %arg9[%dma_start3A_53] : memref<20736xi32, #tpu.memory_space<vmem>> -> memref<64xi32, #tpu.memory_space<vmem>>
    %dma_start3A_55 = arith.constant 0 : i32
    %dma_start3A_56 = arith.constant 0 : i32
    %dma_start3A_57 = tpu.memref_slice %arg2[%dma_start3A_55, %dma_start3A_56] : memref<10000x128xf32, #tpu.memory_space<hbm>> -> memref<10000x128xf32, #tpu.memory_space<hbm>>
    tpu.enqueue_indirect_dma source(%dma_start3A_57 : memref<10000x128xf32, #tpu.memory_space<hbm>>) target(%dma_start3A_52 : memref<64x128xf32, #tpu.memory_space<vmem>>) offsets(%dma_start3A_54 : memref<64xi32, #tpu.memory_space<vmem>>) semaphore(%arg15 : memref<!tpu.dma_semaphore, #tpu.memory_space<semaphore_mem>>)
    %dma_start3A_58 = arith.constant 64 : i32
    %dma_start3A_59 = arith.constant 0 : i32
    %dma_start3A_60 = tpu.memref_slice %arg11[%dma_start3A_58, %dma_start3A_59] : memref<128x128xf32, #tpu.memory_space<vmem>> -> memref<64x128xf32, #tpu.memory_space<vmem>>
    %dma_start3A_61 = arith.constant 64 : i32
    %dma_start3A_62 = tpu.memref_slice %arg9[%dma_start3A_61] : memref<20736xi32, #tpu.memory_space<vmem>> -> memref<64xi32, #tpu.memory_space<vmem>>
    %dma_start3A_63 = arith.constant 0 : i32
    %dma_start3A_64 = arith.constant 0 : i32
    %dma_start3A_65 = tpu.memref_slice %arg2[%dma_start3A_63, %dma_start3A_64] : memref<10000x128xf32, #tpu.memory_space<hbm>> -> memref<10000x128xf32, #tpu.memory_space<hbm>>
    tpu.enqueue_indirect_dma source(%dma_start3A_65 : memref<10000x128xf32, #tpu.memory_space<hbm>>) target(%dma_start3A_60 : memref<64x128xf32, #tpu.memory_space<vmem>>) offsets(%dma_start3A_62 : memref<64xi32, #tpu.memory_space<vmem>>) semaphore(%arg15 : memref<!tpu.dma_semaphore, #tpu.memory_space<semaphore_mem>>)
    %while3A = arith.constant 0 : i32
    %while3A_66 = arith.constant 0 : i32
    %while3A_67 = arith.subi %max3A_50, %while3A : i32
    %while3A_68 = arith.addi %while3A, %while3A_67 : i32
    %while3A_69 = arith.constant 1 : i32
    %while3A_70 = arith.divsi %while3A_67, %while3A_69 : i32
    %while3A_71 = arith.muli %while3A_70, %while3A_69 : i32
    %while3A_72 = arith.addi %while3A, %while3A_71 : i32
    %while3A_73 = arith.constant 1 : i32
    %while3A_74 = scf.for %while3A_103 = %while3A to %while3A_72 step %while3A_73 iter_args(%while3A_104 = %while3A_66) -> (i32)  : i32 {
      %mul3A_105 = arith.constant 2 : i32
      %mul3A_106 = arith.muli %while3A_103, %mul3A_105 : i32
      %add3A_107 = arith.constant 1 : i32
      %add3A_108 = arith.addi %mul3A_106, %add3A_107 : i32
      %mul3A_109 = arith.constant 128 : i32
      %mul3A_110 = arith.muli %add3A_108, %mul3A_109 : i32
      %dma_start3A_111 = arith.constant 0 : i32
      %dma_start3A_112 = arith.constant 0 : i32
      %dma_start3A_113 = tpu.memref_slice %arg12[%dma_start3A_111, %dma_start3A_112] : memref<128x128xf32, #tpu.memory_space<vmem>> -> memref<64x128xf32, #tpu.memory_space<vmem>>
      %dma_start3A_114 = tpu.memref_slice %arg9[%mul3A_110] : memref<20736xi32, #tpu.memory_space<vmem>> -> memref<64xi32, #tpu.memory_space<vmem>>
      %dma_start3A_115 = arith.constant 0 : i32
      %dma_start3A_116 = arith.constant 0 : i32
      %dma_start3A_117 = tpu.memref_slice %arg2[%dma_start3A_115, %dma_start3A_116] : memref<10000x128xf32, #tpu.memory_space<hbm>> -> memref<10000x128xf32, #tpu.memory_space<hbm>>
      tpu.enqueue_indirect_dma source(%dma_start3A_117 : memref<10000x128xf32, #tpu.memory_space<hbm>>) target(%dma_start3A_113 : memref<64x128xf32, #tpu.memory_space<vmem>>) offsets(%dma_start3A_114 : memref<64xi32, #tpu.memory_space<vmem>>) semaphore(%arg16 : memref<!tpu.dma_semaphore, #tpu.memory_space<semaphore_mem>>)
      %mul3A_118 = arith.constant 128 : i32
      %mul3A_119 = arith.muli %add3A_108, %mul3A_118 : i32
      %add3A_120 = arith.constant 64 : i32
      %add3A_121 = arith.addi %mul3A_119, %add3A_120 : i32
      %dma_start3A_122 = arith.constant 64 : i32
      %dma_start3A_123 = arith.constant 0 : i32
      %dma_start3A_124 = tpu.memref_slice %arg12[%dma_start3A_122, %dma_start3A_123] : memref<128x128xf32, #tpu.memory_space<vmem>> -> memref<64x128xf32, #tpu.memory_space<vmem>>
      %dma_start3A_125 = tpu.memref_slice %arg9[%add3A_121] : memref<20736xi32, #tpu.memory_space<vmem>> -> memref<64xi32, #tpu.memory_space<vmem>>
      %dma_start3A_126 = arith.constant 0 : i32
      %dma_start3A_127 = arith.constant 0 : i32
      %dma_start3A_128 = tpu.memref_slice %arg2[%dma_start3A_126, %dma_start3A_127] : memref<10000x128xf32, #tpu.memory_space<hbm>> -> memref<10000x128xf32, #tpu.memory_space<hbm>>
      tpu.enqueue_indirect_dma source(%dma_start3A_128 : memref<10000x128xf32, #tpu.memory_space<hbm>>) target(%dma_start3A_124 : memref<64x128xf32, #tpu.memory_space<vmem>>) offsets(%dma_start3A_125 : memref<64xi32, #tpu.memory_space<vmem>>) semaphore(%arg16 : memref<!tpu.dma_semaphore, #tpu.memory_space<semaphore_mem>>)
      %dma_wait3A = arith.constant 0 : i32
      %dma_wait3A_129 = arith.constant 0 : i32
      %dma_wait3A_130 = tpu.memref_slice %arg11[%dma_wait3A, %dma_wait3A_129] : memref<128x128xf32, #tpu.memory_space<vmem>> -> memref<64x128xf32, #tpu.memory_space<vmem>>
      %dma_wait3A_131 = arith.constant 0 : i32
      %dma_wait3A_132 = tpu.memref_slice %arg9[%dma_wait3A_131] : memref<20736xi32, #tpu.memory_space<vmem>> -> memref<64xi32, #tpu.memory_space<vmem>>
      %dma_wait3A_133 = arith.constant 0 : i32
      %dma_wait3A_134 = arith.constant 0 : i32
      %dma_wait3A_135 = tpu.memref_slice %arg2[%dma_wait3A_133, %dma_wait3A_134] : memref<10000x128xf32, #tpu.memory_space<hbm>> -> memref<10000x128xf32, #tpu.memory_space<hbm>>
      tpu.wait_indirect_dma semaphore(%arg15 : memref<!tpu.dma_semaphore, #tpu.memory_space<semaphore_mem>>) src(%dma_wait3A_135 : memref<10000x128xf32, #tpu.memory_space<hbm>>) dst(%dma_wait3A_130 : memref<64x128xf32, #tpu.memory_space<vmem>>)
      %dma_wait3A_136 = arith.constant 0 : i32
      %dma_wait3A_137 = arith.constant 0 : i32
      %dma_wait3A_138 = tpu.memref_slice %arg11[%dma_wait3A_136, %dma_wait3A_137] : memref<128x128xf32, #tpu.memory_space<vmem>> -> memref<64x128xf32, #tpu.memory_space<vmem>>
      %dma_wait3A_139 = arith.constant 0 : i32
      %dma_wait3A_140 = tpu.memref_slice %arg9[%dma_wait3A_139] : memref<20736xi32, #tpu.memory_space<vmem>> -> memref<64xi32, #tpu.memory_space<vmem>>
      %dma_wait3A_141 = arith.constant 0 : i32
      %dma_wait3A_142 = arith.constant 0 : i32
      %dma_wait3A_143 = tpu.memref_slice %arg2[%dma_wait3A_141, %dma_wait3A_142] : memref<10000x128xf32, #tpu.memory_space<hbm>> -> memref<10000x128xf32, #tpu.memory_space<hbm>>
      tpu.wait_indirect_dma semaphore(%arg15 : memref<!tpu.dma_semaphore, #tpu.memory_space<semaphore_mem>>) src(%dma_wait3A_143 : memref<10000x128xf32, #tpu.memory_space<hbm>>) dst(%dma_wait3A_138 : memref<64x128xf32, #tpu.memory_space<vmem>>)
      %mul3A_144 = arith.constant 128 : i32
      %mul3A_145 = arith.muli %mul3A_106, %mul3A_144 : i32
      "tpu.region"() ({
        %run_scoped3A = tpu.sem_alloc : memref<!tpu.dma_semaphore, #tpu.memory_space<semaphore_mem>>
        %dma_start3A_172 = tpu.memref_slice %arg10[%mul3A_145] : memref<20736xi32, #tpu.memory_space<vmem>> -> memref<128xi32, #tpu.memory_space<vmem>>
        %dma_start3A_173 = arith.constant 0 : i32
        %dma_start3A_174 = arith.constant 0 : i32
        %dma_start3A_175 = tpu.memref_slice %arg14[%dma_start3A_173, %dma_start3A_174] : memref<5008x128xf32, #tpu.memory_space<vmem_shared>> -> memref<5008x128xf32, #tpu.memory_space<vmem_shared>>
        tpu.enqueue_indirect_dma source(%arg11 : memref<128x128xf32, #tpu.memory_space<vmem>>) target(%dma_start3A_175 : memref<5008x128xf32, #tpu.memory_space<vmem_shared>>) offsets(%dma_start3A_172 : memref<128xi32, #tpu.memory_space<vmem>>) semaphore(%run_scoped3A : memref<!tpu.dma_semaphore, #tpu.memory_space<semaphore_mem>>) {add = true}
        %dma_wait3A_176 = tpu.memref_slice %arg10[%mul3A_145] : memref<20736xi32, #tpu.memory_space<vmem>> -> memref<128xi32, #tpu.memory_space<vmem>>
        %dma_wait3A_177 = arith.constant 0 : i32
        %dma_wait3A_178 = arith.constant 0 : i32
        %dma_wait3A_179 = tpu.memref_slice %arg14[%dma_wait3A_177, %dma_wait3A_178] : memref<5008x128xf32, #tpu.memory_space<vmem_shared>> -> memref<5008x128xf32, #tpu.memory_space<vmem_shared>>
        tpu.wait_indirect_dma semaphore(%run_scoped3A : memref<!tpu.dma_semaphore, #tpu.memory_space<semaphore_mem>>) src(%arg11 : memref<128x128xf32, #tpu.memory_space<vmem>>) dst(%dma_wait3A_179 : memref<5008x128xf32, #tpu.memory_space<vmem_shared>>)
        tpu.yield
      }) : () -> ()
      %sub3A_146 = arith.constant 1 : i32
      %sub3A_147 = arith.subi %max3A_50, %sub3A_146 : i32
      %lt3A = arith.cmpi slt, %while3A_103, %sub3A_147 : i32
      %convert_element_type3A_148 = arith.extui %lt3A : i1 to i32
      %cond3A_149 = arith.constant 0 : i32
      %cond3A_150 = arith.cmpi ne, %convert_element_type3A_148, %cond3A_149 : i32
      scf.if %cond3A_150 {
        %add3A_172 = arith.constant 2 : i32
        %add3A_173 = arith.addi %mul3A_106, %add3A_172 : i32
        %mul3A_174 = arith.constant 128 : i32
        %mul3A_175 = arith.muli %add3A_173, %mul3A_174 : i32
        %dma_start3A_176 = arith.constant 0 : i32
        %dma_start3A_177 = arith.constant 0 : i32
        %dma_start3A_178 = tpu.memref_slice %arg11[%dma_start3A_176, %dma_start3A_177] : memref<128x128xf32, #tpu.memory_space<vmem>> -> memref<64x128xf32, #tpu.memory_space<vmem>>
        %dma_start3A_179 = tpu.memref_slice %arg9[%mul3A_175] : memref<20736xi32, #tpu.memory_space<vmem>> -> memref<64xi32, #tpu.memory_space<vmem>>
        %dma_start3A_180 = arith.constant 0 : i32
        %dma_start3A_181 = arith.constant 0 : i32
        %dma_start3A_182 = tpu.memref_slice %arg2[%dma_start3A_180, %dma_start3A_181] : memref<10000x128xf32, #tpu.memory_space<hbm>> -> memref<10000x128xf32, #tpu.memory_space<hbm>>
        tpu.enqueue_indirect_dma source(%dma_start3A_182 : memref<10000x128xf32, #tpu.memory_space<hbm>>) target(%dma_start3A_178 : memref<64x128xf32, #tpu.memory_space<vmem>>) offsets(%dma_start3A_179 : memref<64xi32, #tpu.memory_space<vmem>>) semaphore(%arg15 : memref<!tpu.dma_semaphore, #tpu.memory_space<semaphore_mem>>)
        %mul3A_183 = arith.constant 128 : i32
        %mul3A_184 = arith.muli %add3A_173, %mul3A_183 : i32
        %add3A_185 = arith.constant 64 : i32
        %add3A_186 = arith.addi %mul3A_184, %add3A_185 : i32
        %dma_start3A_187 = arith.constant 64 : i32
        %dma_start3A_188 = arith.constant 0 : i32
        %dma_start3A_189 = tpu.memref_slice %arg11[%dma_start3A_187, %dma_start3A_188] : memref<128x128xf32, #tpu.memory_space<vmem>> -> memref<64x128xf32, #tpu.memory_space<vmem>>
        %dma_start3A_190 = tpu.memref_slice %arg9[%add3A_186] : memref<20736xi32, #tpu.memory_space<vmem>> -> memref<64xi32, #tpu.memory_space<vmem>>
        %dma_start3A_191 = arith.constant 0 : i32
        %dma_start3A_192 = arith.constant 0 : i32
        %dma_start3A_193 = tpu.memref_slice %arg2[%dma_start3A_191, %dma_start3A_192] : memref<10000x128xf32, #tpu.memory_space<hbm>> -> memref<10000x128xf32, #tpu.memory_space<hbm>>
        tpu.enqueue_indirect_dma source(%dma_start3A_193 : memref<10000x128xf32, #tpu.memory_space<hbm>>) target(%dma_start3A_189 : memref<64x128xf32, #tpu.memory_space<vmem>>) offsets(%dma_start3A_190 : memref<64xi32, #tpu.memory_space<vmem>>) semaphore(%arg15 : memref<!tpu.dma_semaphore, #tpu.memory_space<semaphore_mem>>)
      } else {
      }
      %dma_wait3A_151 = arith.constant 0 : i32
      %dma_wait3A_152 = arith.constant 0 : i32
      %dma_wait3A_153 = tpu.memref_slice %arg12[%dma_wait3A_151, %dma_wait3A_152] : memref<128x128xf32, #tpu.memory_space<vmem>> -> memref<64x128xf32, #tpu.memory_space<vmem>>
      %dma_wait3A_154 = arith.constant 0 : i32
      %dma_wait3A_155 = tpu.memref_slice %arg9[%dma_wait3A_154] : memref<20736xi32, #tpu.memory_space<vmem>> -> memref<64xi32, #tpu.memory_space<vmem>>
      %dma_wait3A_156 = arith.constant 0 : i32
      %dma_wait3A_157 = arith.constant 0 : i32
      %dma_wait3A_158 = tpu.memref_slice %arg2[%dma_wait3A_156, %dma_wait3A_157] : memref<10000x128xf32, #tpu.memory_space<hbm>> -> memref<10000x128xf32, #tpu.memory_space<hbm>>
      tpu.wait_indirect_dma semaphore(%arg16 : memref<!tpu.dma_semaphore, #tpu.memory_space<semaphore_mem>>) src(%dma_wait3A_158 : memref<10000x128xf32, #tpu.memory_space<hbm>>) dst(%dma_wait3A_153 : memref<64x128xf32, #tpu.memory_space<vmem>>)
      %dma_wait3A_159 = arith.constant 0 : i32
      %dma_wait3A_160 = arith.constant 0 : i32
      %dma_wait3A_161 = tpu.memref_slice %arg12[%dma_wait3A_159, %dma_wait3A_160] : memref<128x128xf32, #tpu.memory_space<vmem>> -> memref<64x128xf32, #tpu.memory_space<vmem>>
      %dma_wait3A_162 = arith.constant 0 : i32
      %dma_wait3A_163 = tpu.memref_slice %arg9[%dma_wait3A_162] : memref<20736xi32, #tpu.memory_space<vmem>> -> memref<64xi32, #tpu.memory_space<vmem>>
      %dma_wait3A_164 = arith.constant 0 : i32
      %dma_wait3A_165 = arith.constant 0 : i32
      %dma_wait3A_166 = tpu.memref_slice %arg2[%dma_wait3A_164, %dma_wait3A_165] : memref<10000x128xf32, #tpu.memory_space<hbm>> -> memref<10000x128xf32, #tpu.memory_space<hbm>>
      tpu.wait_indirect_dma semaphore(%arg16 : memref<!tpu.dma_semaphore, #tpu.memory_space<semaphore_mem>>) src(%dma_wait3A_166 : memref<10000x128xf32, #tpu.memory_space<hbm>>) dst(%dma_wait3A_161 : memref<64x128xf32, #tpu.memory_space<vmem>>)
      %add3A_167 = arith.constant 1 : i32
      %add3A_168 = arith.addi %mul3A_106, %add3A_167 : i32
      %mul3A_169 = arith.constant 128 : i32
      %mul3A_170 = arith.muli %add3A_168, %mul3A_169 : i32
      "tpu.region"() ({
        %run_scoped3A = tpu.sem_alloc : memref<!tpu.dma_semaphore, #tpu.memory_space<semaphore_mem>>
        %dma_start3A_172 = tpu.memref_slice %arg10[%mul3A_170] : memref<20736xi32, #tpu.memory_space<vmem>> -> memref<128xi32, #tpu.memory_space<vmem>>
        %dma_start3A_173 = arith.constant 0 : i32
        %dma_start3A_174 = arith.constant 0 : i32
        %dma_start3A_175 = tpu.memref_slice %arg14[%dma_start3A_173, %dma_start3A_174] : memref<5008x128xf32, #tpu.memory_space<vmem_shared>> -> memref<5008x128xf32, #tpu.memory_space<vmem_shared>>
        tpu.enqueue_indirect_dma source(%arg12 : memref<128x128xf32, #tpu.memory_space<vmem>>) target(%dma_start3A_175 : memref<5008x128xf32, #tpu.memory_space<vmem_shared>>) offsets(%dma_start3A_172 : memref<128xi32, #tpu.memory_space<vmem>>) semaphore(%run_scoped3A : memref<!tpu.dma_semaphore, #tpu.memory_space<semaphore_mem>>) {add = true}
        %dma_wait3A_176 = tpu.memref_slice %arg10[%mul3A_170] : memref<20736xi32, #tpu.memory_space<vmem>> -> memref<128xi32, #tpu.memory_space<vmem>>
        %dma_wait3A_177 = arith.constant 0 : i32
        %dma_wait3A_178 = arith.constant 0 : i32
        %dma_wait3A_179 = tpu.memref_slice %arg14[%dma_wait3A_177, %dma_wait3A_178] : memref<5008x128xf32, #tpu.memory_space<vmem_shared>> -> memref<5008x128xf32, #tpu.memory_space<vmem_shared>>
        tpu.wait_indirect_dma semaphore(%run_scoped3A : memref<!tpu.dma_semaphore, #tpu.memory_space<semaphore_mem>>) src(%arg12 : memref<128x128xf32, #tpu.memory_space<vmem>>) dst(%dma_wait3A_179 : memref<5008x128xf32, #tpu.memory_space<vmem_shared>>)
        tpu.yield
      }) : () -> ()
      %while3A_171 = arith.constant 0 : i32
      scf.yield %while3A_171 : i32
    }
    %while3A_75 = arith.constant 1 : i32
    %while3A_76 = scf.for %while3A_103 = %while3A_72 to %while3A_68 step %while3A_75 iter_args(%while3A_104 = %while3A_74) -> (i32)  : i32 {
      %mul3A_105 = arith.constant 2 : i32
      %mul3A_106 = arith.muli %while3A_103, %mul3A_105 : i32
      %add3A_107 = arith.constant 1 : i32
      %add3A_108 = arith.addi %mul3A_106, %add3A_107 : i32
      %mul3A_109 = arith.constant 128 : i32
      %mul3A_110 = arith.muli %add3A_108, %mul3A_109 : i32
      %dma_start3A_111 = arith.constant 0 : i32
      %dma_start3A_112 = arith.constant 0 : i32
      %dma_start3A_113 = tpu.memref_slice %arg12[%dma_start3A_111, %dma_start3A_112] : memref<128x128xf32, #tpu.memory_space<vmem>> -> memref<64x128xf32, #tpu.memory_space<vmem>>
      %dma_start3A_114 = tpu.memref_slice %arg9[%mul3A_110] : memref<20736xi32, #tpu.memory_space<vmem>> -> memref<64xi32, #tpu.memory_space<vmem>>
      %dma_start3A_115 = arith.constant 0 : i32
      %dma_start3A_116 = arith.constant 0 : i32
      %dma_start3A_117 = tpu.memref_slice %arg2[%dma_start3A_115, %dma_start3A_116] : memref<10000x128xf32, #tpu.memory_space<hbm>> -> memref<10000x128xf32, #tpu.memory_space<hbm>>
      tpu.enqueue_indirect_dma source(%dma_start3A_117 : memref<10000x128xf32, #tpu.memory_space<hbm>>) target(%dma_start3A_113 : memref<64x128xf32, #tpu.memory_space<vmem>>) offsets(%dma_start3A_114 : memref<64xi32, #tpu.memory_space<vmem>>) semaphore(%arg16 : memref<!tpu.dma_semaphore, #tpu.memory_space<semaphore_mem>>)
      %mul3A_118 = arith.constant 128 : i32
      %mul3A_119 = arith.muli %add3A_108, %mul3A_118 : i32
      %add3A_120 = arith.constant 64 : i32
      %add3A_121 = arith.addi %mul3A_119, %add3A_120 : i32
      %dma_start3A_122 = arith.constant 64 : i32
      %dma_start3A_123 = arith.constant 0 : i32
      %dma_start3A_124 = tpu.memref_slice %arg12[%dma_start3A_122, %dma_start3A_123] : memref<128x128xf32, #tpu.memory_space<vmem>> -> memref<64x128xf32, #tpu.memory_space<vmem>>
      %dma_start3A_125 = tpu.memref_slice %arg9[%add3A_121] : memref<20736xi32, #tpu.memory_space<vmem>> -> memref<64xi32, #tpu.memory_space<vmem>>
      %dma_start3A_126 = arith.constant 0 : i32
      %dma_start3A_127 = arith.constant 0 : i32
      %dma_start3A_128 = tpu.memref_slice %arg2[%dma_start3A_126, %dma_start3A_127] : memref<10000x128xf32, #tpu.memory_space<hbm>> -> memref<10000x128xf32, #tpu.memory_space<hbm>>
      tpu.enqueue_indirect_dma source(%dma_start3A_128 : memref<10000x128xf32, #tpu.memory_space<hbm>>) target(%dma_start3A_124 : memref<64x128xf32, #tpu.memory_space<vmem>>) offsets(%dma_start3A_125 : memref<64xi32, #tpu.memory_space<vmem>>) semaphore(%arg16 : memref<!tpu.dma_semaphore, #tpu.memory_space<semaphore_mem>>)
      %dma_wait3A = arith.constant 0 : i32
      %dma_wait3A_129 = arith.constant 0 : i32
      %dma_wait3A_130 = tpu.memref_slice %arg11[%dma_wait3A, %dma_wait3A_129] : memref<128x128xf32, #tpu.memory_space<vmem>> -> memref<64x128xf32, #tpu.memory_space<vmem>>
      %dma_wait3A_131 = arith.constant 0 : i32
      %dma_wait3A_132 = tpu.memref_slice %arg9[%dma_wait3A_131] : memref<20736xi32, #tpu.memory_space<vmem>> -> memref<64xi32, #tpu.memory_space<vmem>>
      %dma_wait3A_133 = arith.constant 0 : i32
      %dma_wait3A_134 = arith.constant 0 : i32
      %dma_wait3A_135 = tpu.memref_slice %arg2[%dma_wait3A_133, %dma_wait3A_134] : memref<10000x128xf32, #tpu.memory_space<hbm>> -> memref<10000x128xf32, #tpu.memory_space<hbm>>
      tpu.wait_indirect_dma semaphore(%arg15 : memref<!tpu.dma_semaphore, #tpu.memory_space<semaphore_mem>>) src(%dma_wait3A_135 : memref<10000x128xf32, #tpu.memory_space<hbm>>) dst(%dma_wait3A_130 : memref<64x128xf32, #tpu.memory_space<vmem>>)
      %dma_wait3A_136 = arith.constant 0 : i32
      %dma_wait3A_137 = arith.constant 0 : i32
      %dma_wait3A_138 = tpu.memref_slice %arg11[%dma_wait3A_136, %dma_wait3A_137] : memref<128x128xf32, #tpu.memory_space<vmem>> -> memref<64x128xf32, #tpu.memory_space<vmem>>
      %dma_wait3A_139 = arith.constant 0 : i32
      %dma_wait3A_140 = tpu.memref_slice %arg9[%dma_wait3A_139] : memref<20736xi32, #tpu.memory_space<vmem>> -> memref<64xi32, #tpu.memory_space<vmem>>
      %dma_wait3A_141 = arith.constant 0 : i32
      %dma_wait3A_142 = arith.constant 0 : i32
      %dma_wait3A_143 = tpu.memref_slice %arg2[%dma_wait3A_141, %dma_wait3A_142] : memref<10000x128xf32, #tpu.memory_space<hbm>> -> memref<10000x128xf32, #tpu.memory_space<hbm>>
      tpu.wait_indirect_dma semaphore(%arg15 : memref<!tpu.dma_semaphore, #tpu.memory_space<semaphore_mem>>) src(%dma_wait3A_143 : memref<10000x128xf32, #tpu.memory_space<hbm>>) dst(%dma_wait3A_138 : memref<64x128xf32, #tpu.memory_space<vmem>>)
      %mul3A_144 = arith.constant 128 : i32
      %mul3A_145 = arith.muli %mul3A_106, %mul3A_144 : i32
      "tpu.region"() ({
        %run_scoped3A = tpu.sem_alloc : memref<!tpu.dma_semaphore, #tpu.memory_space<semaphore_mem>>
        %dma_start3A_172 = tpu.memref_slice %arg10[%mul3A_145] : memref<20736xi32, #tpu.memory_space<vmem>> -> memref<128xi32, #tpu.memory_space<vmem>>
        %dma_start3A_173 = arith.constant 0 : i32
        %dma_start3A_174 = arith.constant 0 : i32
        %dma_start3A_175 = tpu.memref_slice %arg14[%dma_start3A_173, %dma_start3A_174] : memref<5008x128xf32, #tpu.memory_space<vmem_shared>> -> memref<5008x128xf32, #tpu.memory_space<vmem_shared>>
        tpu.enqueue_indirect_dma source(%arg11 : memref<128x128xf32, #tpu.memory_space<vmem>>) target(%dma_start3A_175 : memref<5008x128xf32, #tpu.memory_space<vmem_shared>>) offsets(%dma_start3A_172 : memref<128xi32, #tpu.memory_space<vmem>>) semaphore(%run_scoped3A : memref<!tpu.dma_semaphore, #tpu.memory_space<semaphore_mem>>) {add = true}
        %dma_wait3A_176 = tpu.memref_slice %arg10[%mul3A_145] : memref<20736xi32, #tpu.memory_space<vmem>> -> memref<128xi32, #tpu.memory_space<vmem>>
        %dma_wait3A_177 = arith.constant 0 : i32
        %dma_wait3A_178 = arith.constant 0 : i32
        %dma_wait3A_179 = tpu.memref_slice %arg14[%dma_wait3A_177, %dma_wait3A_178] : memref<5008x128xf32, #tpu.memory_space<vmem_shared>> -> memref<5008x128xf32, #tpu.memory_space<vmem_shared>>
        tpu.wait_indirect_dma semaphore(%run_scoped3A : memref<!tpu.dma_semaphore, #tpu.memory_space<semaphore_mem>>) src(%arg11 : memref<128x128xf32, #tpu.memory_space<vmem>>) dst(%dma_wait3A_179 : memref<5008x128xf32, #tpu.memory_space<vmem_shared>>)
        tpu.yield
      }) : () -> ()
      %sub3A_146 = arith.constant 1 : i32
      %sub3A_147 = arith.subi %max3A_50, %sub3A_146 : i32
      %lt3A = arith.cmpi slt, %while3A_103, %sub3A_147 : i32
      %convert_element_type3A_148 = arith.extui %lt3A : i1 to i32
      %cond3A_149 = arith.constant 0 : i32
      %cond3A_150 = arith.cmpi ne, %convert_element_type3A_148, %cond3A_149 : i32
      scf.if %cond3A_150 {
        %add3A_172 = arith.constant 2 : i32
        %add3A_173 = arith.addi %mul3A_106, %add3A_172 : i32
        %mul3A_174 = arith.constant 128 : i32
        %mul3A_175 = arith.muli %add3A_173, %mul3A_174 : i32
        %dma_start3A_176 = arith.constant 0 : i32
        %dma_start3A_177 = arith.constant 0 : i32
        %dma_start3A_178 = tpu.memref_slice %arg11[%dma_start3A_176, %dma_start3A_177] : memref<128x128xf32, #tpu.memory_space<vmem>> -> memref<64x128xf32, #tpu.memory_space<vmem>>
        %dma_start3A_179 = tpu.memref_slice %arg9[%mul3A_175] : memref<20736xi32, #tpu.memory_space<vmem>> -> memref<64xi32, #tpu.memory_space<vmem>>
        %dma_start3A_180 = arith.constant 0 : i32
        %dma_start3A_181 = arith.constant 0 : i32
        %dma_start3A_182 = tpu.memref_slice %arg2[%dma_start3A_180, %dma_start3A_181] : memref<10000x128xf32, #tpu.memory_space<hbm>> -> memref<10000x128xf32, #tpu.memory_space<hbm>>
        tpu.enqueue_indirect_dma source(%dma_start3A_182 : memref<10000x128xf32, #tpu.memory_space<hbm>>) target(%dma_start3A_178 : memref<64x128xf32, #tpu.memory_space<vmem>>) offsets(%dma_start3A_179 : memref<64xi32, #tpu.memory_space<vmem>>) semaphore(%arg15 : memref<!tpu.dma_semaphore, #tpu.memory_space<semaphore_mem>>)
        %mul3A_183 = arith.constant 128 : i32
        %mul3A_184 = arith.muli %add3A_173, %mul3A_183 : i32
        %add3A_185 = arith.constant 64 : i32
        %add3A_186 = arith.addi %mul3A_184, %add3A_185 : i32
        %dma_start3A_187 = arith.constant 64 : i32
        %dma_start3A_188 = arith.constant 0 : i32
        %dma_start3A_189 = tpu.memref_slice %arg11[%dma_start3A_187, %dma_start3A_188] : memref<128x128xf32, #tpu.memory_space<vmem>> -> memref<64x128xf32, #tpu.memory_space<vmem>>
        %dma_start3A_190 = tpu.memref_slice %arg9[%add3A_186] : memref<20736xi32, #tpu.memory_space<vmem>> -> memref<64xi32, #tpu.memory_space<vmem>>
        %dma_start3A_191 = arith.constant 0 : i32
        %dma_start3A_192 = arith.constant 0 : i32
        %dma_start3A_193 = tpu.memref_slice %arg2[%dma_start3A_191, %dma_start3A_192] : memref<10000x128xf32, #tpu.memory_space<hbm>> -> memref<10000x128xf32, #tpu.memory_space<hbm>>
        tpu.enqueue_indirect_dma source(%dma_start3A_193 : memref<10000x128xf32, #tpu.memory_space<hbm>>) target(%dma_start3A_189 : memref<64x128xf32, #tpu.memory_space<vmem>>) offsets(%dma_start3A_190 : memref<64xi32, #tpu.memory_space<vmem>>) semaphore(%arg15 : memref<!tpu.dma_semaphore, #tpu.memory_space<semaphore_mem>>)
      } else {
      }
      %dma_wait3A_151 = arith.constant 0 : i32
      %dma_wait3A_152 = arith.constant 0 : i32
      %dma_wait3A_153 = tpu.memref_slice %arg12[%dma_wait3A_151, %dma_wait3A_152] : memref<128x128xf32, #tpu.memory_space<vmem>> -> memref<64x128xf32, #tpu.memory_space<vmem>>
      %dma_wait3A_154 = arith.constant 0 : i32
      %dma_wait3A_155 = tpu.memref_slice %arg9[%dma_wait3A_154] : memref<20736xi32, #tpu.memory_space<vmem>> -> memref<64xi32, #tpu.memory_space<vmem>>
      %dma_wait3A_156 = arith.constant 0 : i32
      %dma_wait3A_157 = arith.constant 0 : i32
      %dma_wait3A_158 = tpu.memref_slice %arg2[%dma_wait3A_156, %dma_wait3A_157] : memref<10000x128xf32, #tpu.memory_space<hbm>> -> memref<10000x128xf32, #tpu.memory_space<hbm>>
      tpu.wait_indirect_dma semaphore(%arg16 : memref<!tpu.dma_semaphore, #tpu.memory_space<semaphore_mem>>) src(%dma_wait3A_158 : memref<10000x128xf32, #tpu.memory_space<hbm>>) dst(%dma_wait3A_153 : memref<64x128xf32, #tpu.memory_space<vmem>>)
      %dma_wait3A_159 = arith.constant 0 : i32
      %dma_wait3A_160 = arith.constant 0 : i32
      %dma_wait3A_161 = tpu.memref_slice %arg12[%dma_wait3A_159, %dma_wait3A_160] : memref<128x128xf32, #tpu.memory_space<vmem>> -> memref<64x128xf32, #tpu.memory_space<vmem>>
      %dma_wait3A_162 = arith.constant 0 : i32
      %dma_wait3A_163 = tpu.memref_slice %arg9[%dma_wait3A_162] : memref<20736xi32, #tpu.memory_space<vmem>> -> memref<64xi32, #tpu.memory_space<vmem>>
      %dma_wait3A_164 = arith.constant 0 : i32
      %dma_wait3A_165 = arith.constant 0 : i32
      %dma_wait3A_166 = tpu.memref_slice %arg2[%dma_wait3A_164, %dma_wait3A_165] : memref<10000x128xf32, #tpu.memory_space<hbm>> -> memref<10000x128xf32, #tpu.memory_space<hbm>>
      tpu.wait_indirect_dma semaphore(%arg16 : memref<!tpu.dma_semaphore, #tpu.memory_space<semaphore_mem>>) src(%dma_wait3A_166 : memref<10000x128xf32, #tpu.memory_space<hbm>>) dst(%dma_wait3A_161 : memref<64x128xf32, #tpu.memory_space<vmem>>)
      %add3A_167 = arith.constant 1 : i32
      %add3A_168 = arith.addi %mul3A_106, %add3A_167 : i32
      %mul3A_169 = arith.constant 128 : i32
      %mul3A_170 = arith.muli %add3A_168, %mul3A_169 : i32
      "tpu.region"() ({
        %run_scoped3A = tpu.sem_alloc : memref<!tpu.dma_semaphore, #tpu.memory_space<semaphore_mem>>
        %dma_start3A_172 = tpu.memref_slice %arg10[%mul3A_170] : memref<20736xi32, #tpu.memory_space<vmem>> -> memref<128xi32, #tpu.memory_space<vmem>>
        %dma_start3A_173 = arith.constant 0 : i32
        %dma_start3A_174 = arith.constant 0 : i32
        %dma_start3A_175 = tpu.memref_slice %arg14[%dma_start3A_173, %dma_start3A_174] : memref<5008x128xf32, #tpu.memory_space<vmem_shared>> -> memref<5008x128xf32, #tpu.memory_space<vmem_shared>>
        tpu.enqueue_indirect_dma source(%arg12 : memref<128x128xf32, #tpu.memory_space<vmem>>) target(%dma_start3A_175 : memref<5008x128xf32, #tpu.memory_space<vmem_shared>>) offsets(%dma_start3A_172 : memref<128xi32, #tpu.memory_space<vmem>>) semaphore(%run_scoped3A : memref<!tpu.dma_semaphore, #tpu.memory_space<semaphore_mem>>) {add = true}
        %dma_wait3A_176 = tpu.memref_slice %arg10[%mul3A_170] : memref<20736xi32, #tpu.memory_space<vmem>> -> memref<128xi32, #tpu.memory_space<vmem>>
        %dma_wait3A_177 = arith.constant 0 : i32
        %dma_wait3A_178 = arith.constant 0 : i32
        %dma_wait3A_179 = tpu.memref_slice %arg14[%dma_wait3A_177, %dma_wait3A_178] : memref<5008x128xf32, #tpu.memory_space<vmem_shared>> -> memref<5008x128xf32, #tpu.memory_space<vmem_shared>>
        tpu.wait_indirect_dma semaphore(%run_scoped3A : memref<!tpu.dma_semaphore, #tpu.memory_space<semaphore_mem>>) src(%arg12 : memref<128x128xf32, #tpu.memory_space<vmem>>) dst(%dma_wait3A_179 : memref<5008x128xf32, #tpu.memory_space<vmem_shared>>)
        tpu.yield
      }) : () -> ()
      %while3A_171 = arith.constant 0 : i32
      scf.yield %while3A_171 : i32
    }
    %barrier3A_77 = arith.constant 0 : index
    tpu.barrier barrier_id(%barrier3A_77)
    %mul3A_78 = arith.constant 312 : i32
    %mul3A_79 = arith.muli %arg1, %mul3A_78 : i32
    %add3A_80 = arith.constant 0 : i32
    %add3A_81 = arith.addi %mul3A_79, %add3A_80 : i32
    %add3A_82 = arith.addi %mul3A_0, %add3A_81 : i32
    "tpu.region"() ({
      %run_scoped3A = tpu.sem_alloc : memref<!tpu.dma_semaphore, #tpu.memory_space<semaphore_mem>>
      %dma_start3A_103 = arith.constant 0 : i32
      %dma_start3A_104 = tpu.memref_slice %arg5[%add3A_82, %dma_start3A_103] : memref<10016x128xf32, #tpu.memory_space<hbm>> -> memref<128x128xf32, #tpu.memory_space<hbm>>
      %dma_start3A_105 = arith.constant 0 : i32
      %dma_start3A_106 = tpu.memref_slice %arg14[%add3A_81, %dma_start3A_105] : memref<5008x128xf32, #tpu.memory_space<vmem_shared>> -> memref<128x128xf32, #tpu.memory_space<vmem_shared>>
      tpu.enqueue_dma source(%dma_start3A_106 : memref<128x128xf32, #tpu.memory_space<vmem_shared>>) target(%dma_start3A_104 : memref<128x128xf32, #tpu.memory_space<hbm>>) target_semaphore(%run_scoped3A : memref<!tpu.dma_semaphore, #tpu.memory_space<semaphore_mem>>)
      %dma_wait3A = arith.constant 0 : i32
      %dma_wait3A_107 = tpu.memref_slice %arg5[%add3A_82, %dma_wait3A] : memref<10016x128xf32, #tpu.memory_space<hbm>> -> memref<128x128xf32, #tpu.memory_space<hbm>>
      %dma_wait3A_108 = arith.constant 0 : i32
      %dma_wait3A_109 = tpu.memref_slice %arg14[%add3A_81, %dma_wait3A_108] : memref<5008x128xf32, #tpu.memory_space<vmem_shared>> -> memref<128x128xf32, #tpu.memory_space<vmem_shared>>
      tpu.wait_dma2 semaphore(%run_scoped3A : memref<!tpu.dma_semaphore, #tpu.memory_space<semaphore_mem>>) src(%dma_wait3A_109 : memref<128x128xf32, #tpu.memory_space<vmem_shared>>) dst(%dma_wait3A_107 : memref<128x128xf32, #tpu.memory_space<hbm>>)
      tpu.yield
    }) : () -> ()
    %mul3A_83 = arith.constant 312 : i32
    %mul3A_84 = arith.muli %arg1, %mul3A_83 : i32
    %add3A_85 = arith.constant 128 : i32
    %add3A_86 = arith.addi %mul3A_84, %add3A_85 : i32
    %add3A_87 = arith.addi %mul3A_0, %add3A_86 : i32
    "tpu.region"() ({
      %run_scoped3A = tpu.sem_alloc : memref<!tpu.dma_semaphore, #tpu.memory_space<semaphore_mem>>
      %dma_start3A_103 = arith.constant 0 : i32
      %dma_start3A_104 = tpu.memref_slice %arg5[%add3A_87, %dma_start3A_103] : memref<10016x128xf32, #tpu.memory_space<hbm>> -> memref<128x128xf32, #tpu.memory_space<hbm>>
      %dma_start3A_105 = arith.constant 0 : i32
      %dma_start3A_106 = tpu.memref_slice %arg14[%add3A_86, %dma_start3A_105] : memref<5008x128xf32, #tpu.memory_space<vmem_shared>> -> memref<128x128xf32, #tpu.memory_space<vmem_shared>>
      tpu.enqueue_dma source(%dma_start3A_106 : memref<128x128xf32, #tpu.memory_space<vmem_shared>>) target(%dma_start3A_104 : memref<128x128xf32, #tpu.memory_space<hbm>>) target_semaphore(%run_scoped3A : memref<!tpu.dma_semaphore, #tpu.memory_space<semaphore_mem>>)
      %dma_wait3A = arith.constant 0 : i32
      %dma_wait3A_107 = tpu.memref_slice %arg5[%add3A_87, %dma_wait3A] : memref<10016x128xf32, #tpu.memory_space<hbm>> -> memref<128x128xf32, #tpu.memory_space<hbm>>
      %dma_wait3A_108 = arith.constant 0 : i32
      %dma_wait3A_109 = tpu.memref_slice %arg14[%add3A_86, %dma_wait3A_108] : memref<5008x128xf32, #tpu.memory_space<vmem_shared>> -> memref<128x128xf32, #tpu.memory_space<vmem_shared>>
      tpu.wait_dma2 semaphore(%run_scoped3A : memref<!tpu.dma_semaphore, #tpu.memory_space<semaphore_mem>>) src(%dma_wait3A_109 : memref<128x128xf32, #tpu.memory_space<vmem_shared>>) dst(%dma_wait3A_107 : memref<128x128xf32, #tpu.memory_space<hbm>>)
      tpu.yield
    }) : () -> ()
    %mul3A_88 = arith.constant 312 : i32
    %mul3A_89 = arith.muli %arg1, %mul3A_88 : i32
    %add3A_90 = arith.constant 256 : i32
    %add3A_91 = arith.addi %mul3A_89, %add3A_90 : i32
    %add3A_92 = arith.addi %mul3A_0, %add3A_91 : i32
    "tpu.region"() ({
      %run_scoped3A = tpu.sem_alloc : memref<!tpu.dma_semaphore, #tpu.memory_space<semaphore_mem>>
      %dma_start3A_103 = arith.constant 0 : i32
      %dma_start3A_104 = tpu.memref_slice %arg5[%add3A_92, %dma_start3A_103] : memref<10016x128xf32, #tpu.memory_space<hbm>> -> memref<56x128xf32, #tpu.memory_space<hbm>>
      %dma_start3A_105 = arith.constant 0 : i32
      %dma_start3A_106 = tpu.memref_slice %arg14[%add3A_91, %dma_start3A_105] : memref<5008x128xf32, #tpu.memory_space<vmem_shared>> -> memref<56x128xf32, #tpu.memory_space<vmem_shared>>
      tpu.enqueue_dma source(%dma_start3A_106 : memref<56x128xf32, #tpu.memory_space<vmem_shared>>) target(%dma_start3A_104 : memref<56x128xf32, #tpu.memory_space<hbm>>) target_semaphore(%run_scoped3A : memref<!tpu.dma_semaphore, #tpu.memory_space<semaphore_mem>>)
      %dma_wait3A = arith.constant 0 : i32
      %dma_wait3A_107 = tpu.memref_slice %arg5[%add3A_92, %dma_wait3A] : memref<10016x128xf32, #tpu.memory_space<hbm>> -> memref<56x128xf32, #tpu.memory_space<hbm>>
      %dma_wait3A_108 = arith.constant 0 : i32
      %dma_wait3A_109 = tpu.memref_slice %arg14[%add3A_91, %dma_wait3A_108] : memref<5008x128xf32, #tpu.memory_space<vmem_shared>> -> memref<56x128xf32, #tpu.memory_space<vmem_shared>>
      tpu.wait_dma2 semaphore(%run_scoped3A : memref<!tpu.dma_semaphore, #tpu.memory_space<semaphore_mem>>) src(%dma_wait3A_109 : memref<56x128xf32, #tpu.memory_space<vmem_shared>>) dst(%dma_wait3A_107 : memref<56x128xf32, #tpu.memory_space<hbm>>)
      tpu.yield
    }) : () -> ()
    %eq3A_93 = arith.constant 0 : i32
    %eq3A_94 = arith.cmpi eq, %arg1, %eq3A_93 : i32
    %convert_element_type3A_95 = arith.extui %eq3A_94 : i1 to i32
    %cond3A_96 = arith.constant 0 : i32
    %cond3A_97 = arith.cmpi ne, %convert_element_type3A_95, %cond3A_96 : i32
    scf.if %cond3A_97 {
      %add3A_103 = arith.constant 4992 : i32
      %add3A_104 = arith.addi %mul3A_0, %add3A_103 : i32
      "tpu.region"() ({
        %run_scoped3A = tpu.sem_alloc : memref<!tpu.dma_semaphore, #tpu.memory_space<semaphore_mem>>
        %dma_start3A_105 = arith.constant 0 : i32
        %dma_start3A_106 = tpu.memref_slice %arg5[%add3A_104, %dma_start3A_105] : memref<10016x128xf32, #tpu.memory_space<hbm>> -> memref<8x128xf32, #tpu.memory_space<hbm>>
        %dma_start3A_107 = arith.constant 4992 : i32
        %dma_start3A_108 = arith.constant 0 : i32
        %dma_start3A_109 = tpu.memref_slice %arg14[%dma_start3A_107, %dma_start3A_108] : memref<5008x128xf32, #tpu.memory_space<vmem_shared>> -> memref<8x128xf32, #tpu.memory_space<vmem_shared>>
        tpu.enqueue_dma source(%dma_start3A_109 : memref<8x128xf32, #tpu.memory_space<vmem_shared>>) target(%dma_start3A_106 : memref<8x128xf32, #tpu.memory_space<hbm>>) target_semaphore(%run_scoped3A : memref<!tpu.dma_semaphore, #tpu.memory_space<semaphore_mem>>)
        %dma_wait3A = arith.constant 0 : i32
        %dma_wait3A_110 = tpu.memref_slice %arg5[%add3A_104, %dma_wait3A] : memref<10016x128xf32, #tpu.memory_space<hbm>> -> memref<8x128xf32, #tpu.memory_space<hbm>>
        %dma_wait3A_111 = arith.constant 4992 : i32
        %dma_wait3A_112 = arith.constant 0 : i32
        %dma_wait3A_113 = tpu.memref_slice %arg14[%dma_wait3A_111, %dma_wait3A_112] : memref<5008x128xf32, #tpu.memory_space<vmem_shared>> -> memref<8x128xf32, #tpu.memory_space<vmem_shared>>
        tpu.wait_dma2 semaphore(%run_scoped3A : memref<!tpu.dma_semaphore, #tpu.memory_space<semaphore_mem>>) src(%dma_wait3A_113 : memref<8x128xf32, #tpu.memory_space<vmem_shared>>) dst(%dma_wait3A_110 : memref<8x128xf32, #tpu.memory_space<hbm>>)
        tpu.yield
      }) : () -> ()
    } else {
    }
    %eq3A_98 = arith.constant 0 : i32
    %eq3A_99 = arith.cmpi eq, %arg0, %eq3A_98 : i32
    %convert_element_type3A_100 = arith.extui %eq3A_99 : i1 to i32
    %cond3A_101 = arith.constant 0 : i32
    %cond3A_102 = arith.cmpi ne, %convert_element_type3A_100, %cond3A_101 : i32
    scf.if %cond3A_102 {
      "tpu.region"() ({
        %run_scoped3A = tpu.sem_alloc : memref<!tpu.dma_semaphore, #tpu.memory_space<semaphore_mem>>
        %dma_start3A_103 = arith.constant 0 : i32
        %dma_start3A_104 = tpu.memref_slice %arg6[%arg1, %dma_start3A_103] : memref<16x10240xf32, #tpu.memory_space<hbm>> -> memref<1x10240xf32, #tpu.memory_space<hbm>>
        %dma_start3A_105 = tpu.memref_squeeze %dma_start3A_104 : memref<1x10240xf32, #tpu.memory_space<hbm>> -> memref<10240xf32, #tpu.memory_space<hbm>>
        %dma_start3A_106 = arith.constant 0 : i32
        %dma_start3A_107 = tpu.memref_slice %arg6[%arg1, %dma_start3A_106] : memref<16x10240xf32, #tpu.memory_space<hbm>> -> memref<1x10240xf32, #tpu.memory_space<hbm>>
        %dma_start3A_108 = tpu.memref_squeeze %dma_start3A_107 : memref<1x10240xf32, #tpu.memory_space<hbm>> -> memref<10240xf32, #tpu.memory_space<hbm>>
        tpu.enqueue_dma source(%arg13 : memref<10240xf32, #tpu.memory_space<vmem>>) target(%dma_start3A_108 : memref<10240xf32, #tpu.memory_space<hbm>>) target_semaphore(%run_scoped3A : memref<!tpu.dma_semaphore, #tpu.memory_space<semaphore_mem>>)
        %dma_wait3A = arith.constant 0 : i32
        %dma_wait3A_109 = tpu.memref_slice %arg6[%arg1, %dma_wait3A] : memref<16x10240xf32, #tpu.memory_space<hbm>> -> memref<1x10240xf32, #tpu.memory_space<hbm>>
        %dma_wait3A_110 = tpu.memref_squeeze %dma_wait3A_109 : memref<1x10240xf32, #tpu.memory_space<hbm>> -> memref<10240xf32, #tpu.memory_space<hbm>>
        %dma_wait3A_111 = arith.constant 0 : i32
        %dma_wait3A_112 = tpu.memref_slice %arg6[%arg1, %dma_wait3A_111] : memref<16x10240xf32, #tpu.memory_space<hbm>> -> memref<1x10240xf32, #tpu.memory_space<hbm>>
        %dma_wait3A_113 = tpu.memref_squeeze %dma_wait3A_112 : memref<1x10240xf32, #tpu.memory_space<hbm>> -> memref<10240xf32, #tpu.memory_space<hbm>>
        tpu.wait_dma2 semaphore(%run_scoped3A : memref<!tpu.dma_semaphore, #tpu.memory_space<semaphore_mem>>) src(%arg13 : memref<10240xf32, #tpu.memory_space<vmem>>) dst(%dma_wait3A_113 : memref<10240xf32, #tpu.memory_space<hbm>>)
        tpu.yield
      }) : () -> ()
    } else {
    }
    return
  }
}

#map = affine_map<(d0, d1) -> (0, 0)>
#map1 = affine_map<(d0, d1) -> (0, 0, 0)>
module attributes {stable_mosaic.version = 14 : i64} {
  func.func @_sc_agg_body(%arg0: i32, %arg1: i32, %arg2: memref<10000x128xf32, #tpu.memory_space<hbm>>, %arg3: memref<16x160x128xi32, #tpu.memory_space<hbm>>, %arg4: memref<16x160x128xi32, #tpu.memory_space<hbm>>, %arg5: memref<10016x128xf32, #tpu.memory_space<hbm>>, %arg6: memref<16x128xi32, #tpu.memory_space<vmem>>, %arg7: memref<16x128xi32, #tpu.memory_space<vmem>>, %arg8: memref<20736xi32, #tpu.memory_space<vmem>>, %arg9: memref<20736xi32, #tpu.memory_space<vmem>>, %arg10: memref<128x128xf32, #tpu.memory_space<vmem>>, %arg11: memref<128x128xf32, #tpu.memory_space<vmem>>, %arg12: memref<5008x128xf32, #tpu.memory_space<vmem_shared>>, %arg13: memref<!tpu.dma_semaphore, #tpu.memory_space<semaphore_mem>>, %arg14: memref<!tpu.dma_semaphore, #tpu.memory_space<semaphore_mem>>) attributes {dimension_semantics = [#tpu.dimension_semantics<core_parallel>, #tpu.dimension_semantics<subcore_parallel>], iteration_bounds = array<i64: 2, 16>, scalar_prefetch = 0 : i64, scratch_operands = 9 : i64, tpu.core_type = #tpu.core_type<sc_vector_subcore>, window_params = [{transform_indices = #map}, {transform_indices = #map1}, {transform_indices = #map1}, {transform_indices = #map}]} {
    %mul3A = arith.constant 5000 : i32
    %mul3A_0 = arith.muli %arg0, %mul3A : i32
    %scan3A = arith.constant 0 : i32
    %scan3A_1 = arith.constant 128 : i32
    %scan3A_2 = arith.addi %scan3A, %scan3A_1 : i32
    %scan3A_3 = arith.constant 1 : i32
    scf.for %scan3A_93 = %scan3A to %scan3A_2 step %scan3A_3  : i32 {
      %mul3A_94 = arith.constant 1 : i32
      %mul3A_95 = arith.muli %scan3A_93, %mul3A_94 : i32
      %add3A_96 = arith.constant 0 : i32
      %add3A_97 = arith.addi %add3A_96, %mul3A_95 : i32
      %broadcast_in_dim3A = arith.constant 0.000000e+00 : f32
      %broadcast_in_dim3A_98 = vector.broadcast %broadcast_in_dim3A : f32 to vector<16xf32>
      %swap3A = arith.index_cast %add3A_97 : i32 to index
      %swap3A_99 = arith.constant 0 : index
      %swap3A_100 = tpu.vector_load %arg10[%swap3A, %swap3A_99] {strides = array<i32>} : memref<128x128xf32, #tpu.memory_space<vmem>>, vector<16xf32>,
      tpu.vector_store %arg10[%swap3A, %swap3A_99], %broadcast_in_dim3A_98 {strides = array<i32>} : memref<128x128xf32, #tpu.memory_space<vmem>>, vector<16xf32>,
      %broadcast_in_dim3A_101 = arith.constant 0.000000e+00 : f32
      %broadcast_in_dim3A_102 = vector.broadcast %broadcast_in_dim3A_101 : f32 to vector<16xf32>
      %swap3A_103 = arith.index_cast %add3A_97 : i32 to index
      %swap3A_104 = arith.constant 16 : index
      %swap3A_105 = tpu.vector_load %arg10[%swap3A_103, %swap3A_104] {strides = array<i32>} : memref<128x128xf32, #tpu.memory_space<vmem>>, vector<16xf32>,
      tpu.vector_store %arg10[%swap3A_103, %swap3A_104], %broadcast_in_dim3A_102 {strides = array<i32>} : memref<128x128xf32, #tpu.memory_space<vmem>>, vector<16xf32>,
      %broadcast_in_dim3A_106 = arith.constant 0.000000e+00 : f32
      %broadcast_in_dim3A_107 = vector.broadcast %broadcast_in_dim3A_106 : f32 to vector<16xf32>
      %swap3A_108 = arith.index_cast %add3A_97 : i32 to index
      %swap3A_109 = arith.constant 32 : index
      %swap3A_110 = tpu.vector_load %arg10[%swap3A_108, %swap3A_109] {strides = array<i32>} : memref<128x128xf32, #tpu.memory_space<vmem>>, vector<16xf32>,
      tpu.vector_store %arg10[%swap3A_108, %swap3A_109], %broadcast_in_dim3A_107 {strides = array<i32>} : memref<128x128xf32, #tpu.memory_space<vmem>>, vector<16xf32>,
      %broadcast_in_dim3A_111 = arith.constant 0.000000e+00 : f32
      %broadcast_in_dim3A_112 = vector.broadcast %broadcast_in_dim3A_111 : f32 to vector<16xf32>
      %swap3A_113 = arith.index_cast %add3A_97 : i32 to index
      %swap3A_114 = arith.constant 48 : index
      %swap3A_115 = tpu.vector_load %arg10[%swap3A_113, %swap3A_114] {strides = array<i32>} : memref<128x128xf32, #tpu.memory_space<vmem>>, vector<16xf32>,
      tpu.vector_store %arg10[%swap3A_113, %swap3A_114], %broadcast_in_dim3A_112 {strides = array<i32>} : memref<128x128xf32, #tpu.memory_space<vmem>>, vector<16xf32>,
      %broadcast_in_dim3A_116 = arith.constant 0.000000e+00 : f32
      %broadcast_in_dim3A_117 = vector.broadcast %broadcast_in_dim3A_116 : f32 to vector<16xf32>
      %swap3A_118 = arith.index_cast %add3A_97 : i32 to index
      %swap3A_119 = arith.constant 64 : index
      %swap3A_120 = tpu.vector_load %arg10[%swap3A_118, %swap3A_119] {strides = array<i32>} : memref<128x128xf32, #tpu.memory_space<vmem>>, vector<16xf32>,
      tpu.vector_store %arg10[%swap3A_118, %swap3A_119], %broadcast_in_dim3A_117 {strides = array<i32>} : memref<128x128xf32, #tpu.memory_space<vmem>>, vector<16xf32>,
      %broadcast_in_dim3A_121 = arith.constant 0.000000e+00 : f32
      %broadcast_in_dim3A_122 = vector.broadcast %broadcast_in_dim3A_121 : f32 to vector<16xf32>
      %swap3A_123 = arith.index_cast %add3A_97 : i32 to index
      %swap3A_124 = arith.constant 80 : index
      %swap3A_125 = tpu.vector_load %arg10[%swap3A_123, %swap3A_124] {strides = array<i32>} : memref<128x128xf32, #tpu.memory_space<vmem>>, vector<16xf32>,
      tpu.vector_store %arg10[%swap3A_123, %swap3A_124], %broadcast_in_dim3A_122 {strides = array<i32>} : memref<128x128xf32, #tpu.memory_space<vmem>>, vector<16xf32>,
      %broadcast_in_dim3A_126 = arith.constant 0.000000e+00 : f32
      %broadcast_in_dim3A_127 = vector.broadcast %broadcast_in_dim3A_126 : f32 to vector<16xf32>
      %swap3A_128 = arith.index_cast %add3A_97 : i32 to index
      %swap3A_129 = arith.constant 96 : index
      %swap3A_130 = tpu.vector_load %arg10[%swap3A_128, %swap3A_129] {strides = array<i32>} : memref<128x128xf32, #tpu.memory_space<vmem>>, vector<16xf32>,
      tpu.vector_store %arg10[%swap3A_128, %swap3A_129], %broadcast_in_dim3A_127 {strides = array<i32>} : memref<128x128xf32, #tpu.memory_space<vmem>>, vector<16xf32>,
      %broadcast_in_dim3A_131 = arith.constant 0.000000e+00 : f32
      %broadcast_in_dim3A_132 = vector.broadcast %broadcast_in_dim3A_131 : f32 to vector<16xf32>
      %swap3A_133 = arith.index_cast %add3A_97 : i32 to index
      %swap3A_134 = arith.constant 112 : index
      %swap3A_135 = tpu.vector_load %arg10[%swap3A_133, %swap3A_134] {strides = array<i32>} : memref<128x128xf32, #tpu.memory_space<vmem>>, vector<16xf32>,
      tpu.vector_store %arg10[%swap3A_133, %swap3A_134], %broadcast_in_dim3A_132 {strides = array<i32>} : memref<128x128xf32, #tpu.memory_space<vmem>>, vector<16xf32>,
    }
    %scan3A_4 = arith.constant 128 : i32
    %mul3A_5 = arith.constant 313 : i32
    %mul3A_6 = arith.muli %arg1, %mul3A_5 : i32
    %add3A = arith.constant 0 : i32
    %add3A_7 = arith.addi %mul3A_6, %add3A : i32
    "tpu.region"() ({
      %run_scoped3A = tpu.sem_alloc : memref<!tpu.dma_semaphore, #tpu.memory_space<semaphore_mem>>
      %dma_start3A_93 = arith.constant 0 : i32
      %dma_start3A_94 = arith.constant 0 : i32
      %dma_start3A_95 = tpu.memref_slice %arg10[%dma_start3A_93, %dma_start3A_94] : memref<128x128xf32, #tpu.memory_space<vmem>> -> memref<128x128xf32, #tpu.memory_space<vmem>>
      %dma_start3A_96 = arith.constant 0 : i32
      %dma_start3A_97 = tpu.memref_slice %arg12[%add3A_7, %dma_start3A_96] : memref<5008x128xf32, #tpu.memory_space<vmem_shared>> -> memref<128x128xf32, #tpu.memory_space<vmem_shared>>
      %dma_start3A_98 = arith.constant 0 : i32
      %dma_start3A_99 = tpu.memref_slice %arg12[%add3A_7, %dma_start3A_98] : memref<5008x128xf32, #tpu.memory_space<vmem_shared>> -> memref<128x128xf32, #tpu.memory_space<vmem_shared>>
      %dma_start3A_100 = arith.constant 0 : i32
      %dma_start3A_101 = arith.constant 0 : i32
      %dma_start3A_102 = tpu.memref_slice %arg10[%dma_start3A_100, %dma_start3A_101] : memref<128x128xf32, #tpu.memory_space<vmem>> -> memref<128x128xf32, #tpu.memory_space<vmem>>
      tpu.enqueue_dma source(%dma_start3A_102 : memref<128x128xf32, #tpu.memory_space<vmem>>) target(%dma_start3A_99 : memref<128x128xf32, #tpu.memory_space<vmem_shared>>) target_semaphore(%run_scoped3A : memref<!tpu.dma_semaphore, #tpu.memory_space<semaphore_mem>>)
      %dma_wait3A = arith.constant 0 : i32
      %dma_wait3A_103 = arith.constant 0 : i32
      %dma_wait3A_104 = tpu.memref_slice %arg10[%dma_wait3A, %dma_wait3A_103] : memref<128x128xf32, #tpu.memory_space<vmem>> -> memref<128x128xf32, #tpu.memory_space<vmem>>
      %dma_wait3A_105 = arith.constant 0 : i32
      %dma_wait3A_106 = tpu.memref_slice %arg12[%add3A_7, %dma_wait3A_105] : memref<5008x128xf32, #tpu.memory_space<vmem_shared>> -> memref<128x128xf32, #tpu.memory_space<vmem_shared>>
      %dma_wait3A_107 = arith.constant 0 : i32
      %dma_wait3A_108 = tpu.memref_slice %arg12[%add3A_7, %dma_wait3A_107] : memref<5008x128xf32, #tpu.memory_space<vmem_shared>> -> memref<128x128xf32, #tpu.memory_space<vmem_shared>>
      %dma_wait3A_109 = arith.constant 0 : i32
      %dma_wait3A_110 = arith.constant 0 : i32
      %dma_wait3A_111 = tpu.memref_slice %arg10[%dma_wait3A_109, %dma_wait3A_110] : memref<128x128xf32, #tpu.memory_space<vmem>> -> memref<128x128xf32, #tpu.memory_space<vmem>>
      tpu.wait_dma2 semaphore(%run_scoped3A : memref<!tpu.dma_semaphore, #tpu.memory_space<semaphore_mem>>) src(%dma_wait3A_111 : memref<128x128xf32, #tpu.memory_space<vmem>>) dst(%dma_wait3A_108 : memref<128x128xf32, #tpu.memory_space<vmem_shared>>)
      tpu.yield
    }) : () -> ()
    %mul3A_8 = arith.constant 313 : i32
    %mul3A_9 = arith.muli %arg1, %mul3A_8 : i32
    %add3A_10 = arith.constant 128 : i32
    %add3A_11 = arith.addi %mul3A_9, %add3A_10 : i32
    "tpu.region"() ({
      %run_scoped3A = tpu.sem_alloc : memref<!tpu.dma_semaphore, #tpu.memory_space<semaphore_mem>>
      %dma_start3A_93 = arith.constant 0 : i32
      %dma_start3A_94 = arith.constant 0 : i32
      %dma_start3A_95 = tpu.memref_slice %arg10[%dma_start3A_93, %dma_start3A_94] : memref<128x128xf32, #tpu.memory_space<vmem>> -> memref<128x128xf32, #tpu.memory_space<vmem>>
      %dma_start3A_96 = arith.constant 0 : i32
      %dma_start3A_97 = tpu.memref_slice %arg12[%add3A_11, %dma_start3A_96] : memref<5008x128xf32, #tpu.memory_space<vmem_shared>> -> memref<128x128xf32, #tpu.memory_space<vmem_shared>>
      %dma_start3A_98 = arith.constant 0 : i32
      %dma_start3A_99 = tpu.memref_slice %arg12[%add3A_11, %dma_start3A_98] : memref<5008x128xf32, #tpu.memory_space<vmem_shared>> -> memref<128x128xf32, #tpu.memory_space<vmem_shared>>
      %dma_start3A_100 = arith.constant 0 : i32
      %dma_start3A_101 = arith.constant 0 : i32
      %dma_start3A_102 = tpu.memref_slice %arg10[%dma_start3A_100, %dma_start3A_101] : memref<128x128xf32, #tpu.memory_space<vmem>> -> memref<128x128xf32, #tpu.memory_space<vmem>>
      tpu.enqueue_dma source(%dma_start3A_102 : memref<128x128xf32, #tpu.memory_space<vmem>>) target(%dma_start3A_99 : memref<128x128xf32, #tpu.memory_space<vmem_shared>>) target_semaphore(%run_scoped3A : memref<!tpu.dma_semaphore, #tpu.memory_space<semaphore_mem>>)
      %dma_wait3A = arith.constant 0 : i32
      %dma_wait3A_103 = arith.constant 0 : i32
      %dma_wait3A_104 = tpu.memref_slice %arg10[%dma_wait3A, %dma_wait3A_103] : memref<128x128xf32, #tpu.memory_space<vmem>> -> memref<128x128xf32, #tpu.memory_space<vmem>>
      %dma_wait3A_105 = arith.constant 0 : i32
      %dma_wait3A_106 = tpu.memref_slice %arg12[%add3A_11, %dma_wait3A_105] : memref<5008x128xf32, #tpu.memory_space<vmem_shared>> -> memref<128x128xf32, #tpu.memory_space<vmem_shared>>
      %dma_wait3A_107 = arith.constant 0 : i32
      %dma_wait3A_108 = tpu.memref_slice %arg12[%add3A_11, %dma_wait3A_107] : memref<5008x128xf32, #tpu.memory_space<vmem_shared>> -> memref<128x128xf32, #tpu.memory_space<vmem_shared>>
      %dma_wait3A_109 = arith.constant 0 : i32
      %dma_wait3A_110 = arith.constant 0 : i32
      %dma_wait3A_111 = tpu.memref_slice %arg10[%dma_wait3A_109, %dma_wait3A_110] : memref<128x128xf32, #tpu.memory_space<vmem>> -> memref<128x128xf32, #tpu.memory_space<vmem>>
      tpu.wait_dma2 semaphore(%run_scoped3A : memref<!tpu.dma_semaphore, #tpu.memory_space<semaphore_mem>>) src(%dma_wait3A_111 : memref<128x128xf32, #tpu.memory_space<vmem>>) dst(%dma_wait3A_108 : memref<128x128xf32, #tpu.memory_space<vmem_shared>>)
      tpu.yield
    }) : () -> ()
    %mul3A_12 = arith.constant 313 : i32
    %mul3A_13 = arith.muli %arg1, %mul3A_12 : i32
    %add3A_14 = arith.constant 256 : i32
    %add3A_15 = arith.addi %mul3A_13, %add3A_14 : i32
    "tpu.region"() ({
      %run_scoped3A = tpu.sem_alloc : memref<!tpu.dma_semaphore, #tpu.memory_space<semaphore_mem>>
      %dma_start3A_93 = arith.constant 0 : i32
      %dma_start3A_94 = arith.constant 0 : i32
      %dma_start3A_95 = tpu.memref_slice %arg10[%dma_start3A_93, %dma_start3A_94] : memref<128x128xf32, #tpu.memory_space<vmem>> -> memref<57x128xf32, #tpu.memory_space<vmem>>
      %dma_start3A_96 = arith.constant 0 : i32
      %dma_start3A_97 = tpu.memref_slice %arg12[%add3A_15, %dma_start3A_96] : memref<5008x128xf32, #tpu.memory_space<vmem_shared>> -> memref<57x128xf32, #tpu.memory_space<vmem_shared>>
      %dma_start3A_98 = arith.constant 0 : i32
      %dma_start3A_99 = tpu.memref_slice %arg12[%add3A_15, %dma_start3A_98] : memref<5008x128xf32, #tpu.memory_space<vmem_shared>> -> memref<57x128xf32, #tpu.memory_space<vmem_shared>>
      %dma_start3A_100 = arith.constant 0 : i32
      %dma_start3A_101 = arith.constant 0 : i32
      %dma_start3A_102 = tpu.memref_slice %arg10[%dma_start3A_100, %dma_start3A_101] : memref<128x128xf32, #tpu.memory_space<vmem>> -> memref<57x128xf32, #tpu.memory_space<vmem>>
      tpu.enqueue_dma source(%dma_start3A_102 : memref<57x128xf32, #tpu.memory_space<vmem>>) target(%dma_start3A_99 : memref<57x128xf32, #tpu.memory_space<vmem_shared>>) target_semaphore(%run_scoped3A : memref<!tpu.dma_semaphore, #tpu.memory_space<semaphore_mem>>)
      %dma_wait3A = arith.constant 0 : i32
      %dma_wait3A_103 = arith.constant 0 : i32
      %dma_wait3A_104 = tpu.memref_slice %arg10[%dma_wait3A, %dma_wait3A_103] : memref<128x128xf32, #tpu.memory_space<vmem>> -> memref<57x128xf32, #tpu.memory_space<vmem>>
      %dma_wait3A_105 = arith.constant 0 : i32
      %dma_wait3A_106 = tpu.memref_slice %arg12[%add3A_15, %dma_wait3A_105] : memref<5008x128xf32, #tpu.memory_space<vmem_shared>> -> memref<57x128xf32, #tpu.memory_space<vmem_shared>>
      %dma_wait3A_107 = arith.constant 0 : i32
      %dma_wait3A_108 = tpu.memref_slice %arg12[%add3A_15, %dma_wait3A_107] : memref<5008x128xf32, #tpu.memory_space<vmem_shared>> -> memref<57x128xf32, #tpu.memory_space<vmem_shared>>
      %dma_wait3A_109 = arith.constant 0 : i32
      %dma_wait3A_110 = arith.constant 0 : i32
      %dma_wait3A_111 = tpu.memref_slice %arg10[%dma_wait3A_109, %dma_wait3A_110] : memref<128x128xf32, #tpu.memory_space<vmem>> -> memref<57x128xf32, #tpu.memory_space<vmem>>
      tpu.wait_dma2 semaphore(%run_scoped3A : memref<!tpu.dma_semaphore, #tpu.memory_space<semaphore_mem>>) src(%dma_wait3A_111 : memref<57x128xf32, #tpu.memory_space<vmem>>) dst(%dma_wait3A_108 : memref<57x128xf32, #tpu.memory_space<vmem_shared>>)
      tpu.yield
    }) : () -> ()
    %scan3A_16 = arith.constant 0 : i32
    %scan3A_17 = arith.constant 0 : i32
    %scan3A_18 = arith.constant 10 : i32
    %scan3A_19 = arith.addi %scan3A_17, %scan3A_18 : i32
    %scan3A_20 = arith.constant 1 : i32
    %scan3A_21 = scf.for %scan3A_93 = %scan3A_17 to %scan3A_19 step %scan3A_20 iter_args(%scan3A_94 = %scan3A_16) -> (i32)  : i32 {
      %mul3A_95 = arith.constant 16 : i32
      %mul3A_96 = arith.muli %scan3A_93, %mul3A_95 : i32
      "tpu.region"() ({
        %run_scoped3A = tpu.sem_alloc : memref<!tpu.dma_semaphore, #tpu.memory_space<semaphore_mem>>
        %dma_start3A_105 = arith.constant 0 : i32
        %dma_start3A_106 = tpu.memref_slice %arg3[%arg1, %mul3A_96, %dma_start3A_105] : memref<16x160x128xi32, #tpu.memory_space<hbm>> -> memref<1x16x128xi32, #tpu.memory_space<hbm>>
        %dma_start3A_107 = tpu.memref_squeeze %dma_start3A_106 : memref<1x16x128xi32, #tpu.memory_space<hbm>> -> memref<16x128xi32, #tpu.memory_space<hbm>>
        %dma_start3A_108 = arith.constant 0 : i32
        %dma_start3A_109 = tpu.memref_slice %arg3[%arg1, %mul3A_96, %dma_start3A_108] : memref<16x160x128xi32, #tpu.memory_space<hbm>> -> memref<1x16x128xi32, #tpu.memory_space<hbm>>
        %dma_start3A_110 = tpu.memref_squeeze %dma_start3A_109 : memref<1x16x128xi32, #tpu.memory_space<hbm>> -> memref<16x128xi32, #tpu.memory_space<hbm>>
        tpu.enqueue_dma source(%dma_start3A_110 : memref<16x128xi32, #tpu.memory_space<hbm>>) target(%arg6 : memref<16x128xi32, #tpu.memory_space<vmem>>) target_semaphore(%run_scoped3A : memref<!tpu.dma_semaphore, #tpu.memory_space<semaphore_mem>>)
        %dma_wait3A = arith.constant 0 : i32
        %dma_wait3A_111 = tpu.memref_slice %arg3[%arg1, %mul3A_96, %dma_wait3A] : memref<16x160x128xi32, #tpu.memory_space<hbm>> -> memref<1x16x128xi32, #tpu.memory_space<hbm>>
        %dma_wait3A_112 = tpu.memref_squeeze %dma_wait3A_111 : memref<1x16x128xi32, #tpu.memory_space<hbm>> -> memref<16x128xi32, #tpu.memory_space<hbm>>
        %dma_wait3A_113 = arith.constant 0 : i32
        %dma_wait3A_114 = tpu.memref_slice %arg3[%arg1, %mul3A_96, %dma_wait3A_113] : memref<16x160x128xi32, #tpu.memory_space<hbm>> -> memref<1x16x128xi32, #tpu.memory_space<hbm>>
        %dma_wait3A_115 = tpu.memref_squeeze %dma_wait3A_114 : memref<1x16x128xi32, #tpu.memory_space<hbm>> -> memref<16x128xi32, #tpu.memory_space<hbm>>
        tpu.wait_dma2 semaphore(%run_scoped3A : memref<!tpu.dma_semaphore, #tpu.memory_space<semaphore_mem>>) src(%dma_wait3A_115 : memref<16x128xi32, #tpu.memory_space<hbm>>) dst(%arg6 : memref<16x128xi32, #tpu.memory_space<vmem>>)
        tpu.yield
      }) : () -> ()
      %mul3A_97 = arith.constant 16 : i32
      %mul3A_98 = arith.muli %scan3A_93, %mul3A_97 : i32
      "tpu.region"() ({
        %run_scoped3A = tpu.sem_alloc : memref<!tpu.dma_semaphore, #tpu.memory_space<semaphore_mem>>
        %dma_start3A_105 = arith.constant 0 : i32
        %dma_start3A_106 = tpu.memref_slice %arg4[%arg1, %mul3A_98, %dma_start3A_105] : memref<16x160x128xi32, #tpu.memory_space<hbm>> -> memref<1x16x128xi32, #tpu.memory_space<hbm>>
        %dma_start3A_107 = tpu.memref_squeeze %dma_start3A_106 : memref<1x16x128xi32, #tpu.memory_space<hbm>> -> memref<16x128xi32, #tpu.memory_space<hbm>>
        %dma_start3A_108 = arith.constant 0 : i32
        %dma_start3A_109 = tpu.memref_slice %arg4[%arg1, %mul3A_98, %dma_start3A_108] : memref<16x160x128xi32, #tpu.memory_space<hbm>> -> memref<1x16x128xi32, #tpu.memory_space<hbm>>
        %dma_start3A_110 = tpu.memref_squeeze %dma_start3A_109 : memref<1x16x128xi32, #tpu.memory_space<hbm>> -> memref<16x128xi32, #tpu.memory_space<hbm>>
        tpu.enqueue_dma source(%dma_start3A_110 : memref<16x128xi32, #tpu.memory_space<hbm>>) target(%arg7 : memref<16x128xi32, #tpu.memory_space<vmem>>) target_semaphore(%run_scoped3A : memref<!tpu.dma_semaphore, #tpu.memory_space<semaphore_mem>>)
        %dma_wait3A = arith.constant 0 : i32
        %dma_wait3A_111 = tpu.memref_slice %arg4[%arg1, %mul3A_98, %dma_wait3A] : memref<16x160x128xi32, #tpu.memory_space<hbm>> -> memref<1x16x128xi32, #tpu.memory_space<hbm>>
        %dma_wait3A_112 = tpu.memref_squeeze %dma_wait3A_111 : memref<1x16x128xi32, #tpu.memory_space<hbm>> -> memref<16x128xi32, #tpu.memory_space<hbm>>
        %dma_wait3A_113 = arith.constant 0 : i32
        %dma_wait3A_114 = tpu.memref_slice %arg4[%arg1, %mul3A_98, %dma_wait3A_113] : memref<16x160x128xi32, #tpu.memory_space<hbm>> -> memref<1x16x128xi32, #tpu.memory_space<hbm>>
        %dma_wait3A_115 = tpu.memref_squeeze %dma_wait3A_114 : memref<1x16x128xi32, #tpu.memory_space<hbm>> -> memref<16x128xi32, #tpu.memory_space<hbm>>
        tpu.wait_dma2 semaphore(%run_scoped3A : memref<!tpu.dma_semaphore, #tpu.memory_space<semaphore_mem>>) src(%dma_wait3A_115 : memref<16x128xi32, #tpu.memory_space<hbm>>) dst(%arg7 : memref<16x128xi32, #tpu.memory_space<vmem>>)
        tpu.yield
      }) : () -> ()
      %scan3A_99 = arith.constant 0 : i32
      %scan3A_100 = arith.constant 16 : i32
      %scan3A_101 = arith.addi %scan3A_99, %scan3A_100 : i32
      %scan3A_102 = arith.constant 1 : i32
      %scan3A_103 = scf.for %scan3A_105 = %scan3A_99 to %scan3A_101 step %scan3A_102 iter_args(%scan3A_106 = %scan3A_94) -> (i32)  : i32 {
        %get3A = arith.index_cast %scan3A_105 : i32 to index
        %get3A_107 = arith.constant 0 : index
        %get3A_108 = tpu.vector_load %arg7[%get3A, %get3A_107] {strides = array<i32>} : memref<16x128xi32, #tpu.memory_space<vmem>>, vector<16xi32>,
        %get3A_109 = arith.index_cast %scan3A_105 : i32 to index
        %get3A_110 = arith.constant 0 : index
        %get3A_111 = tpu.vector_load %arg6[%get3A_109, %get3A_110] {strides = array<i32>} : memref<16x128xi32, #tpu.memory_space<vmem>>, vector<16xi32>,
        %sub3A_112 = vector.broadcast %mul3A_0 : i32 to vector<16xi32>
        %sub3A_113 = arith.subi %get3A_108, %sub3A_112 : vector<16xi32>
        %ge3A = arith.constant 0 : i32
        %ge3A_114 = vector.broadcast %ge3A : i32 to vector<16xi32>
        %ge3A_115 = arith.cmpi sge, %sub3A_113, %ge3A_114 : vector<16xi32>
        %lt3A = arith.constant 5000 : i32
        %lt3A_116 = vector.broadcast %lt3A : i32 to vector<16xi32>
        %lt3A_117 = arith.cmpi slt, %sub3A_113, %lt3A_116 : vector<16xi32>
        %and3A_118 = arith.andi %ge3A_115, %lt3A_117 : vector<16xi1>
        %swap3A = arith.index_cast %scan3A_106 : i32 to index
        %swap3A_119 = tpu.vector_load %arg9[%swap3A] masked %and3A_118 {strides = array<i32>} : memref<20736xi32, #tpu.memory_space<vmem>>, vector<16xi32>, vector<16xi1>
        tpu.vector_store %arg9[%swap3A], %sub3A_113 masked %and3A_118 {strides = array<i32>} : memref<20736xi32, #tpu.memory_space<vmem>>, vector<16xi32>, vector<16xi1>
        %swap3A_120 = arith.index_cast %scan3A_106 : i32 to index
        %swap3A_121 = tpu.vector_load %arg8[%swap3A_120] masked %and3A_118 {strides = array<i32>} : memref<20736xi32, #tpu.memory_space<vmem>>, vector<16xi32>, vector<16xi1>
        tpu.vector_store %arg8[%swap3A_120], %get3A_111 masked %and3A_118 {strides = array<i32>} : memref<20736xi32, #tpu.memory_space<vmem>>, vector<16xi32>, vector<16xi1>
        %jit3A_122 = arith.constant 1 : i32
        %jit3A_123 = arith.constant 0 : i32
        %broadcast_in_dim3A = vector.broadcast %jit3A_122 : i32 to vector<16xi32>
        %broadcast_in_dim3A_124 = vector.broadcast %jit3A_123 : i32 to vector<16xi32>
        %select_n3A_125 = arith.select %and3A_118, %broadcast_in_dim3A, %broadcast_in_dim3A_124 : vector<16xi1>, vector<16xi32>
        %reduce_sum3A = arith.constant true
        %reduce_sum3A_126 = vector.broadcast %reduce_sum3A : i1 to vector<16xi1>
        %reduce_sum3A_127 = tpu.scan <sum>, %select_n3A_125 masked %reduce_sum3A_126 : vector<16xi32>, vector<16xi1> -> vector<16xi32>
        %reduce_sum3A_128 = vector.extract %reduce_sum3A_127[15] : i32 from vector<16xi32>
        %add3A_129 = arith.addi %scan3A_106, %reduce_sum3A_128 : i32
        %get3A_130 = arith.index_cast %scan3A_105 : i32 to index
        %get3A_131 = arith.constant 16 : index
        %get3A_132 = tpu.vector_load %arg7[%get3A_130, %get3A_131] {strides = array<i32>} : memref<16x128xi32, #tpu.memory_space<vmem>>, vector<16xi32>,
        %get3A_133 = arith.index_cast %scan3A_105 : i32 to index
        %get3A_134 = arith.constant 16 : index
        %get3A_135 = tpu.vector_load %arg6[%get3A_133, %get3A_134] {strides = array<i32>} : memref<16x128xi32, #tpu.memory_space<vmem>>, vector<16xi32>,
        %sub3A_136 = vector.broadcast %mul3A_0 : i32 to vector<16xi32>
        %sub3A_137 = arith.subi %get3A_132, %sub3A_136 : vector<16xi32>
        %ge3A_138 = arith.constant 0 : i32
        %ge3A_139 = vector.broadcast %ge3A_138 : i32 to vector<16xi32>
        %ge3A_140 = arith.cmpi sge, %sub3A_137, %ge3A_139 : vector<16xi32>
        %lt3A_141 = arith.constant 5000 : i32
        %lt3A_142 = vector.broadcast %lt3A_141 : i32 to vector<16xi32>
        %lt3A_143 = arith.cmpi slt, %sub3A_137, %lt3A_142 : vector<16xi32>
        %and3A_144 = arith.andi %ge3A_140, %lt3A_143 : vector<16xi1>
        %swap3A_145 = arith.index_cast %add3A_129 : i32 to index
        %swap3A_146 = tpu.vector_load %arg9[%swap3A_145] masked %and3A_144 {strides = array<i32>} : memref<20736xi32, #tpu.memory_space<vmem>>, vector<16xi32>, vector<16xi1>
        tpu.vector_store %arg9[%swap3A_145], %sub3A_137 masked %and3A_144 {strides = array<i32>} : memref<20736xi32, #tpu.memory_space<vmem>>, vector<16xi32>, vector<16xi1>
        %swap3A_147 = arith.index_cast %add3A_129 : i32 to index
        %swap3A_148 = tpu.vector_load %arg8[%swap3A_147] masked %and3A_144 {strides = array<i32>} : memref<20736xi32, #tpu.memory_space<vmem>>, vector<16xi32>, vector<16xi1>
        tpu.vector_store %arg8[%swap3A_147], %get3A_135 masked %and3A_144 {strides = array<i32>} : memref<20736xi32, #tpu.memory_space<vmem>>, vector<16xi32>, vector<16xi1>
        %jit3A_149 = arith.constant 1 : i32
        %jit3A_150 = arith.constant 0 : i32
        %broadcast_in_dim3A_151 = vector.broadcast %jit3A_149 : i32 to vector<16xi32>
        %broadcast_in_dim3A_152 = vector.broadcast %jit3A_150 : i32 to vector<16xi32>
        %select_n3A_153 = arith.select %and3A_144, %broadcast_in_dim3A_151, %broadcast_in_dim3A_152 : vector<16xi1>, vector<16xi32>
        %reduce_sum3A_154 = arith.constant true
        %reduce_sum3A_155 = vector.broadcast %reduce_sum3A_154 : i1 to vector<16xi1>
        %reduce_sum3A_156 = tpu.scan <sum>, %select_n3A_153 masked %reduce_sum3A_155 : vector<16xi32>, vector<16xi1> -> vector<16xi32>
        %reduce_sum3A_157 = vector.extract %reduce_sum3A_156[15] : i32 from vector<16xi32>
        %add3A_158 = arith.addi %add3A_129, %reduce_sum3A_157 : i32
        %get3A_159 = arith.index_cast %scan3A_105 : i32 to index
        %get3A_160 = arith.constant 32 : index
        %get3A_161 = tpu.vector_load %arg7[%get3A_159, %get3A_160] {strides = array<i32>} : memref<16x128xi32, #tpu.memory_space<vmem>>, vector<16xi32>,
        %get3A_162 = arith.index_cast %scan3A_105 : i32 to index
        %get3A_163 = arith.constant 32 : index
        %get3A_164 = tpu.vector_load %arg6[%get3A_162, %get3A_163] {strides = array<i32>} : memref<16x128xi32, #tpu.memory_space<vmem>>, vector<16xi32>,
        %sub3A_165 = vector.broadcast %mul3A_0 : i32 to vector<16xi32>
        %sub3A_166 = arith.subi %get3A_161, %sub3A_165 : vector<16xi32>
        %ge3A_167 = arith.constant 0 : i32
        %ge3A_168 = vector.broadcast %ge3A_167 : i32 to vector<16xi32>
        %ge3A_169 = arith.cmpi sge, %sub3A_166, %ge3A_168 : vector<16xi32>
        %lt3A_170 = arith.constant 5000 : i32
        %lt3A_171 = vector.broadcast %lt3A_170 : i32 to vector<16xi32>
        %lt3A_172 = arith.cmpi slt, %sub3A_166, %lt3A_171 : vector<16xi32>
        %and3A_173 = arith.andi %ge3A_169, %lt3A_172 : vector<16xi1>
        %swap3A_174 = arith.index_cast %add3A_158 : i32 to index
        %swap3A_175 = tpu.vector_load %arg9[%swap3A_174] masked %and3A_173 {strides = array<i32>} : memref<20736xi32, #tpu.memory_space<vmem>>, vector<16xi32>, vector<16xi1>
        tpu.vector_store %arg9[%swap3A_174], %sub3A_166 masked %and3A_173 {strides = array<i32>} : memref<20736xi32, #tpu.memory_space<vmem>>, vector<16xi32>, vector<16xi1>
        %swap3A_176 = arith.index_cast %add3A_158 : i32 to index
        %swap3A_177 = tpu.vector_load %arg8[%swap3A_176] masked %and3A_173 {strides = array<i32>} : memref<20736xi32, #tpu.memory_space<vmem>>, vector<16xi32>, vector<16xi1>
        tpu.vector_store %arg8[%swap3A_176], %get3A_164 masked %and3A_173 {strides = array<i32>} : memref<20736xi32, #tpu.memory_space<vmem>>, vector<16xi32>, vector<16xi1>
        %jit3A_178 = arith.constant 1 : i32
        %jit3A_179 = arith.constant 0 : i32
        %broadcast_in_dim3A_180 = vector.broadcast %jit3A_178 : i32 to vector<16xi32>
        %broadcast_in_dim3A_181 = vector.broadcast %jit3A_179 : i32 to vector<16xi32>
        %select_n3A_182 = arith.select %and3A_173, %broadcast_in_dim3A_180, %broadcast_in_dim3A_181 : vector<16xi1>, vector<16xi32>
        %reduce_sum3A_183 = arith.constant true
        %reduce_sum3A_184 = vector.broadcast %reduce_sum3A_183 : i1 to vector<16xi1>
        %reduce_sum3A_185 = tpu.scan <sum>, %select_n3A_182 masked %reduce_sum3A_184 : vector<16xi32>, vector<16xi1> -> vector<16xi32>
        %reduce_sum3A_186 = vector.extract %reduce_sum3A_185[15] : i32 from vector<16xi32>
        %add3A_187 = arith.addi %add3A_158, %reduce_sum3A_186 : i32
        %get3A_188 = arith.index_cast %scan3A_105 : i32 to index
        %get3A_189 = arith.constant 48 : index
        %get3A_190 = tpu.vector_load %arg7[%get3A_188, %get3A_189] {strides = array<i32>} : memref<16x128xi32, #tpu.memory_space<vmem>>, vector<16xi32>,
        %get3A_191 = arith.index_cast %scan3A_105 : i32 to index
        %get3A_192 = arith.constant 48 : index
        %get3A_193 = tpu.vector_load %arg6[%get3A_191, %get3A_192] {strides = array<i32>} : memref<16x128xi32, #tpu.memory_space<vmem>>, vector<16xi32>,
        %sub3A_194 = vector.broadcast %mul3A_0 : i32 to vector<16xi32>
        %sub3A_195 = arith.subi %get3A_190, %sub3A_194 : vector<16xi32>
        %ge3A_196 = arith.constant 0 : i32
        %ge3A_197 = vector.broadcast %ge3A_196 : i32 to vector<16xi32>
        %ge3A_198 = arith.cmpi sge, %sub3A_195, %ge3A_197 : vector<16xi32>
        %lt3A_199 = arith.constant 5000 : i32
        %lt3A_200 = vector.broadcast %lt3A_199 : i32 to vector<16xi32>
        %lt3A_201 = arith.cmpi slt, %sub3A_195, %lt3A_200 : vector<16xi32>
        %and3A_202 = arith.andi %ge3A_198, %lt3A_201 : vector<16xi1>
        %swap3A_203 = arith.index_cast %add3A_187 : i32 to index
        %swap3A_204 = tpu.vector_load %arg9[%swap3A_203] masked %and3A_202 {strides = array<i32>} : memref<20736xi32, #tpu.memory_space<vmem>>, vector<16xi32>, vector<16xi1>
        tpu.vector_store %arg9[%swap3A_203], %sub3A_195 masked %and3A_202 {strides = array<i32>} : memref<20736xi32, #tpu.memory_space<vmem>>, vector<16xi32>, vector<16xi1>
        %swap3A_205 = arith.index_cast %add3A_187 : i32 to index
        %swap3A_206 = tpu.vector_load %arg8[%swap3A_205] masked %and3A_202 {strides = array<i32>} : memref<20736xi32, #tpu.memory_space<vmem>>, vector<16xi32>, vector<16xi1>
        tpu.vector_store %arg8[%swap3A_205], %get3A_193 masked %and3A_202 {strides = array<i32>} : memref<20736xi32, #tpu.memory_space<vmem>>, vector<16xi32>, vector<16xi1>
        %jit3A_207 = arith.constant 1 : i32
        %jit3A_208 = arith.constant 0 : i32
        %broadcast_in_dim3A_209 = vector.broadcast %jit3A_207 : i32 to vector<16xi32>
        %broadcast_in_dim3A_210 = vector.broadcast %jit3A_208 : i32 to vector<16xi32>
        %select_n3A_211 = arith.select %and3A_202, %broadcast_in_dim3A_209, %broadcast_in_dim3A_210 : vector<16xi1>, vector<16xi32>
        %reduce_sum3A_212 = arith.constant true
        %reduce_sum3A_213 = vector.broadcast %reduce_sum3A_212 : i1 to vector<16xi1>
        %reduce_sum3A_214 = tpu.scan <sum>, %select_n3A_211 masked %reduce_sum3A_213 : vector<16xi32>, vector<16xi1> -> vector<16xi32>
        %reduce_sum3A_215 = vector.extract %reduce_sum3A_214[15] : i32 from vector<16xi32>
        %add3A_216 = arith.addi %add3A_187, %reduce_sum3A_215 : i32
        %get3A_217 = arith.index_cast %scan3A_105 : i32 to index
        %get3A_218 = arith.constant 64 : index
        %get3A_219 = tpu.vector_load %arg7[%get3A_217, %get3A_218] {strides = array<i32>} : memref<16x128xi32, #tpu.memory_space<vmem>>, vector<16xi32>,
        %get3A_220 = arith.index_cast %scan3A_105 : i32 to index
        %get3A_221 = arith.constant 64 : index
        %get3A_222 = tpu.vector_load %arg6[%get3A_220, %get3A_221] {strides = array<i32>} : memref<16x128xi32, #tpu.memory_space<vmem>>, vector<16xi32>,
        %sub3A_223 = vector.broadcast %mul3A_0 : i32 to vector<16xi32>
        %sub3A_224 = arith.subi %get3A_219, %sub3A_223 : vector<16xi32>
        %ge3A_225 = arith.constant 0 : i32
        %ge3A_226 = vector.broadcast %ge3A_225 : i32 to vector<16xi32>
        %ge3A_227 = arith.cmpi sge, %sub3A_224, %ge3A_226 : vector<16xi32>
        %lt3A_228 = arith.constant 5000 : i32
        %lt3A_229 = vector.broadcast %lt3A_228 : i32 to vector<16xi32>
        %lt3A_230 = arith.cmpi slt, %sub3A_224, %lt3A_229 : vector<16xi32>
        %and3A_231 = arith.andi %ge3A_227, %lt3A_230 : vector<16xi1>
        %swap3A_232 = arith.index_cast %add3A_216 : i32 to index
        %swap3A_233 = tpu.vector_load %arg9[%swap3A_232] masked %and3A_231 {strides = array<i32>} : memref<20736xi32, #tpu.memory_space<vmem>>, vector<16xi32>, vector<16xi1>
        tpu.vector_store %arg9[%swap3A_232], %sub3A_224 masked %and3A_231 {strides = array<i32>} : memref<20736xi32, #tpu.memory_space<vmem>>, vector<16xi32>, vector<16xi1>
        %swap3A_234 = arith.index_cast %add3A_216 : i32 to index
        %swap3A_235 = tpu.vector_load %arg8[%swap3A_234] masked %and3A_231 {strides = array<i32>} : memref<20736xi32, #tpu.memory_space<vmem>>, vector<16xi32>, vector<16xi1>
        tpu.vector_store %arg8[%swap3A_234], %get3A_222 masked %and3A_231 {strides = array<i32>} : memref<20736xi32, #tpu.memory_space<vmem>>, vector<16xi32>, vector<16xi1>
        %jit3A_236 = arith.constant 1 : i32
        %jit3A_237 = arith.constant 0 : i32
        %broadcast_in_dim3A_238 = vector.broadcast %jit3A_236 : i32 to vector<16xi32>
        %broadcast_in_dim3A_239 = vector.broadcast %jit3A_237 : i32 to vector<16xi32>
        %select_n3A_240 = arith.select %and3A_231, %broadcast_in_dim3A_238, %broadcast_in_dim3A_239 : vector<16xi1>, vector<16xi32>
        %reduce_sum3A_241 = arith.constant true
        %reduce_sum3A_242 = vector.broadcast %reduce_sum3A_241 : i1 to vector<16xi1>
        %reduce_sum3A_243 = tpu.scan <sum>, %select_n3A_240 masked %reduce_sum3A_242 : vector<16xi32>, vector<16xi1> -> vector<16xi32>
        %reduce_sum3A_244 = vector.extract %reduce_sum3A_243[15] : i32 from vector<16xi32>
        %add3A_245 = arith.addi %add3A_216, %reduce_sum3A_244 : i32
        %get3A_246 = arith.index_cast %scan3A_105 : i32 to index
        %get3A_247 = arith.constant 80 : index
        %get3A_248 = tpu.vector_load %arg7[%get3A_246, %get3A_247] {strides = array<i32>} : memref<16x128xi32, #tpu.memory_space<vmem>>, vector<16xi32>,
        %get3A_249 = arith.index_cast %scan3A_105 : i32 to index
        %get3A_250 = arith.constant 80 : index
        %get3A_251 = tpu.vector_load %arg6[%get3A_249, %get3A_250] {strides = array<i32>} : memref<16x128xi32, #tpu.memory_space<vmem>>, vector<16xi32>,
        %sub3A_252 = vector.broadcast %mul3A_0 : i32 to vector<16xi32>
        %sub3A_253 = arith.subi %get3A_248, %sub3A_252 : vector<16xi32>
        %ge3A_254 = arith.constant 0 : i32
        %ge3A_255 = vector.broadcast %ge3A_254 : i32 to vector<16xi32>
        %ge3A_256 = arith.cmpi sge, %sub3A_253, %ge3A_255 : vector<16xi32>
        %lt3A_257 = arith.constant 5000 : i32
        %lt3A_258 = vector.broadcast %lt3A_257 : i32 to vector<16xi32>
        %lt3A_259 = arith.cmpi slt, %sub3A_253, %lt3A_258 : vector<16xi32>
        %and3A_260 = arith.andi %ge3A_256, %lt3A_259 : vector<16xi1>
        %swap3A_261 = arith.index_cast %add3A_245 : i32 to index
        %swap3A_262 = tpu.vector_load %arg9[%swap3A_261] masked %and3A_260 {strides = array<i32>} : memref<20736xi32, #tpu.memory_space<vmem>>, vector<16xi32>, vector<16xi1>
        tpu.vector_store %arg9[%swap3A_261], %sub3A_253 masked %and3A_260 {strides = array<i32>} : memref<20736xi32, #tpu.memory_space<vmem>>, vector<16xi32>, vector<16xi1>
        %swap3A_263 = arith.index_cast %add3A_245 : i32 to index
        %swap3A_264 = tpu.vector_load %arg8[%swap3A_263] masked %and3A_260 {strides = array<i32>} : memref<20736xi32, #tpu.memory_space<vmem>>, vector<16xi32>, vector<16xi1>
        tpu.vector_store %arg8[%swap3A_263], %get3A_251 masked %and3A_260 {strides = array<i32>} : memref<20736xi32, #tpu.memory_space<vmem>>, vector<16xi32>, vector<16xi1>
        %jit3A_265 = arith.constant 1 : i32
        %jit3A_266 = arith.constant 0 : i32
        %broadcast_in_dim3A_267 = vector.broadcast %jit3A_265 : i32 to vector<16xi32>
        %broadcast_in_dim3A_268 = vector.broadcast %jit3A_266 : i32 to vector<16xi32>
        %select_n3A_269 = arith.select %and3A_260, %broadcast_in_dim3A_267, %broadcast_in_dim3A_268 : vector<16xi1>, vector<16xi32>
        %reduce_sum3A_270 = arith.constant true
        %reduce_sum3A_271 = vector.broadcast %reduce_sum3A_270 : i1 to vector<16xi1>
        %reduce_sum3A_272 = tpu.scan <sum>, %select_n3A_269 masked %reduce_sum3A_271 : vector<16xi32>, vector<16xi1> -> vector<16xi32>
        %reduce_sum3A_273 = vector.extract %reduce_sum3A_272[15] : i32 from vector<16xi32>
        %add3A_274 = arith.addi %add3A_245, %reduce_sum3A_273 : i32
        %get3A_275 = arith.index_cast %scan3A_105 : i32 to index
        %get3A_276 = arith.constant 96 : index
        %get3A_277 = tpu.vector_load %arg7[%get3A_275, %get3A_276] {strides = array<i32>} : memref<16x128xi32, #tpu.memory_space<vmem>>, vector<16xi32>,
        %get3A_278 = arith.index_cast %scan3A_105 : i32 to index
        %get3A_279 = arith.constant 96 : index
        %get3A_280 = tpu.vector_load %arg6[%get3A_278, %get3A_279] {strides = array<i32>} : memref<16x128xi32, #tpu.memory_space<vmem>>, vector<16xi32>,
        %sub3A_281 = vector.broadcast %mul3A_0 : i32 to vector<16xi32>
        %sub3A_282 = arith.subi %get3A_277, %sub3A_281 : vector<16xi32>
        %ge3A_283 = arith.constant 0 : i32
        %ge3A_284 = vector.broadcast %ge3A_283 : i32 to vector<16xi32>
        %ge3A_285 = arith.cmpi sge, %sub3A_282, %ge3A_284 : vector<16xi32>
        %lt3A_286 = arith.constant 5000 : i32
        %lt3A_287 = vector.broadcast %lt3A_286 : i32 to vector<16xi32>
        %lt3A_288 = arith.cmpi slt, %sub3A_282, %lt3A_287 : vector<16xi32>
        %and3A_289 = arith.andi %ge3A_285, %lt3A_288 : vector<16xi1>
        %swap3A_290 = arith.index_cast %add3A_274 : i32 to index
        %swap3A_291 = tpu.vector_load %arg9[%swap3A_290] masked %and3A_289 {strides = array<i32>} : memref<20736xi32, #tpu.memory_space<vmem>>, vector<16xi32>, vector<16xi1>
        tpu.vector_store %arg9[%swap3A_290], %sub3A_282 masked %and3A_289 {strides = array<i32>} : memref<20736xi32, #tpu.memory_space<vmem>>, vector<16xi32>, vector<16xi1>
        %swap3A_292 = arith.index_cast %add3A_274 : i32 to index
        %swap3A_293 = tpu.vector_load %arg8[%swap3A_292] masked %and3A_289 {strides = array<i32>} : memref<20736xi32, #tpu.memory_space<vmem>>, vector<16xi32>, vector<16xi1>
        tpu.vector_store %arg8[%swap3A_292], %get3A_280 masked %and3A_289 {strides = array<i32>} : memref<20736xi32, #tpu.memory_space<vmem>>, vector<16xi32>, vector<16xi1>
        %jit3A_294 = arith.constant 1 : i32
        %jit3A_295 = arith.constant 0 : i32
        %broadcast_in_dim3A_296 = vector.broadcast %jit3A_294 : i32 to vector<16xi32>
        %broadcast_in_dim3A_297 = vector.broadcast %jit3A_295 : i32 to vector<16xi32>
        %select_n3A_298 = arith.select %and3A_289, %broadcast_in_dim3A_296, %broadcast_in_dim3A_297 : vector<16xi1>, vector<16xi32>
        %reduce_sum3A_299 = arith.constant true
        %reduce_sum3A_300 = vector.broadcast %reduce_sum3A_299 : i1 to vector<16xi1>
        %reduce_sum3A_301 = tpu.scan <sum>, %select_n3A_298 masked %reduce_sum3A_300 : vector<16xi32>, vector<16xi1> -> vector<16xi32>
        %reduce_sum3A_302 = vector.extract %reduce_sum3A_301[15] : i32 from vector<16xi32>
        %add3A_303 = arith.addi %add3A_274, %reduce_sum3A_302 : i32
        %get3A_304 = arith.index_cast %scan3A_105 : i32 to index
        %get3A_305 = arith.constant 112 : index
        %get3A_306 = tpu.vector_load %arg7[%get3A_304, %get3A_305] {strides = array<i32>} : memref<16x128xi32, #tpu.memory_space<vmem>>, vector<16xi32>,
        %get3A_307 = arith.index_cast %scan3A_105 : i32 to index
        %get3A_308 = arith.constant 112 : index
        %get3A_309 = tpu.vector_load %arg6[%get3A_307, %get3A_308] {strides = array<i32>} : memref<16x128xi32, #tpu.memory_space<vmem>>, vector<16xi32>,
        %sub3A_310 = vector.broadcast %mul3A_0 : i32 to vector<16xi32>
        %sub3A_311 = arith.subi %get3A_306, %sub3A_310 : vector<16xi32>
        %ge3A_312 = arith.constant 0 : i32
        %ge3A_313 = vector.broadcast %ge3A_312 : i32 to vector<16xi32>
        %ge3A_314 = arith.cmpi sge, %sub3A_311, %ge3A_313 : vector<16xi32>
        %lt3A_315 = arith.constant 5000 : i32
        %lt3A_316 = vector.broadcast %lt3A_315 : i32 to vector<16xi32>
        %lt3A_317 = arith.cmpi slt, %sub3A_311, %lt3A_316 : vector<16xi32>
        %and3A_318 = arith.andi %ge3A_314, %lt3A_317 : vector<16xi1>
        %swap3A_319 = arith.index_cast %add3A_303 : i32 to index
        %swap3A_320 = tpu.vector_load %arg9[%swap3A_319] masked %and3A_318 {strides = array<i32>} : memref<20736xi32, #tpu.memory_space<vmem>>, vector<16xi32>, vector<16xi1>
        tpu.vector_store %arg9[%swap3A_319], %sub3A_311 masked %and3A_318 {strides = array<i32>} : memref<20736xi32, #tpu.memory_space<vmem>>, vector<16xi32>, vector<16xi1>
        %swap3A_321 = arith.index_cast %add3A_303 : i32 to index
        %swap3A_322 = tpu.vector_load %arg8[%swap3A_321] masked %and3A_318 {strides = array<i32>} : memref<20736xi32, #tpu.memory_space<vmem>>, vector<16xi32>, vector<16xi1>
        tpu.vector_store %arg8[%swap3A_321], %get3A_309 masked %and3A_318 {strides = array<i32>} : memref<20736xi32, #tpu.memory_space<vmem>>, vector<16xi32>, vector<16xi1>
        %jit3A_323 = arith.constant 1 : i32
        %jit3A_324 = arith.constant 0 : i32
        %broadcast_in_dim3A_325 = vector.broadcast %jit3A_323 : i32 to vector<16xi32>
        %broadcast_in_dim3A_326 = vector.broadcast %jit3A_324 : i32 to vector<16xi32>
        %select_n3A_327 = arith.select %and3A_318, %broadcast_in_dim3A_325, %broadcast_in_dim3A_326 : vector<16xi1>, vector<16xi32>
        %reduce_sum3A_328 = arith.constant true
        %reduce_sum3A_329 = vector.broadcast %reduce_sum3A_328 : i1 to vector<16xi1>
        %reduce_sum3A_330 = tpu.scan <sum>, %select_n3A_327 masked %reduce_sum3A_329 : vector<16xi32>, vector<16xi1> -> vector<16xi32>
        %reduce_sum3A_331 = vector.extract %reduce_sum3A_330[15] : i32 from vector<16xi32>
        %add3A_332 = arith.addi %add3A_303, %reduce_sum3A_331 : i32
        scf.yield %add3A_332 : i32
      }
      %scan3A_104 = arith.constant 16 : i32
      scf.yield %scan3A_103 : i32
    }
    %scan3A_22 = arith.constant 10 : i32
    %scan3A_23 = arith.constant 0 : i32
    %scan3A_24 = arith.constant 16 : i32
    %scan3A_25 = arith.addi %scan3A_23, %scan3A_24 : i32
    %scan3A_26 = arith.constant 1 : i32
    scf.for %scan3A_93 = %scan3A_23 to %scan3A_25 step %scan3A_26  : i32 {
      %mul3A_94 = arith.constant 1 : i32
      %mul3A_95 = arith.muli %scan3A_93, %mul3A_94 : i32
      %add3A_96 = arith.constant 0 : i32
      %add3A_97 = arith.addi %add3A_96, %mul3A_95 : i32
      %broadcast_in_dim3A = arith.constant 0 : i32
      %broadcast_in_dim3A_98 = vector.broadcast %broadcast_in_dim3A : i32 to vector<16xi32>
      %mul3A_99 = arith.constant 16 : i32
      %mul3A_100 = arith.muli %add3A_97, %mul3A_99 : i32
      %add3A_101 = arith.addi %scan3A_21, %mul3A_100 : i32
      %swap3A = arith.index_cast %add3A_101 : i32 to index
      %swap3A_102 = tpu.vector_load %arg8[%swap3A] {strides = array<i32>} : memref<20736xi32, #tpu.memory_space<vmem>>, vector<16xi32>,
      tpu.vector_store %arg8[%swap3A], %broadcast_in_dim3A_98 {strides = array<i32>} : memref<20736xi32, #tpu.memory_space<vmem>>, vector<16xi32>,
      %broadcast_in_dim3A_103 = arith.constant 5000 : i32
      %broadcast_in_dim3A_104 = vector.broadcast %broadcast_in_dim3A_103 : i32 to vector<16xi32>
      %mul3A_105 = arith.constant 16 : i32
      %mul3A_106 = arith.muli %add3A_97, %mul3A_105 : i32
      %add3A_107 = arith.addi %scan3A_21, %mul3A_106 : i32
      %swap3A_108 = arith.index_cast %add3A_107 : i32 to index
      %swap3A_109 = tpu.vector_load %arg9[%swap3A_108] {strides = array<i32>} : memref<20736xi32, #tpu.memory_space<vmem>>, vector<16xi32>,
      tpu.vector_store %arg9[%swap3A_108], %broadcast_in_dim3A_104 {strides = array<i32>} : memref<20736xi32, #tpu.memory_space<vmem>>, vector<16xi32>,
    }
    %scan3A_27 = arith.constant 16 : i32
    %add3A_28 = arith.constant 256 : i32
    %add3A_29 = arith.addi %scan3A_21, %add3A_28 : i32
    %sub3A = arith.constant 1 : i32
    %sub3A_30 = arith.subi %add3A_29, %sub3A : i32
    %jit3A = arith.constant 256 : i32
    %div3A = arith.divsi %sub3A_30, %jit3A : i32
    %sign3A = arith.constant 0 : i32
    %sign3A_31 = arith.cmpi sgt, %sub3A_30, %sign3A : i32
    %sign3A_32 = arith.extui %sign3A_31 : i1 to i32
    %sign3A_33 = arith.constant 0 : i32
    %sign3A_34 = arith.cmpi slt, %sub3A_30, %sign3A_33 : i32
    %sign3A_35 = arith.extui %sign3A_34 : i1 to i32
    %sign3A_36 = arith.subi %sign3A_32, %sign3A_35 : i32
    %sign3A_37 = arith.constant 0 : i32
    %sign3A_38 = arith.cmpi sgt, %jit3A, %sign3A_37 : i32
    %sign3A_39 = arith.extui %sign3A_38 : i1 to i32
    %sign3A_40 = arith.constant 0 : i32
    %sign3A_41 = arith.cmpi slt, %jit3A, %sign3A_40 : i32
    %sign3A_42 = arith.extui %sign3A_41 : i1 to i32
    %sign3A_43 = arith.subi %sign3A_39, %sign3A_42 : i32
    %ne3A = arith.cmpi ne, %sign3A_36, %sign3A_43 : i32
    %rem3A = arith.remsi %sub3A_30, %jit3A : i32
    %ne3A_44 = arith.constant 0 : i32
    %ne3A_45 = arith.cmpi ne, %rem3A, %ne3A_44 : i32
    %and3A = arith.andi %ne3A, %ne3A_45 : i1
    %sub3A_46 = arith.constant 1 : i32
    %sub3A_47 = arith.subi %div3A, %sub3A_46 : i32
    %select_n3A = arith.select %and3A, %sub3A_47, %div3A : i32
    %max3A = arith.constant 1 : i32
    %max3A_48 = arith.maxsi %select_n3A, %max3A : i32
    %barrier3A = arith.constant 0 : index
    tpu.barrier barrier_id(%barrier3A)
    %dma_start3A = arith.constant 0 : i32
    %dma_start3A_49 = arith.constant 0 : i32
    %dma_start3A_50 = tpu.memref_slice %arg10[%dma_start3A, %dma_start3A_49] : memref<128x128xf32, #tpu.memory_space<vmem>> -> memref<64x128xf32, #tpu.memory_space<vmem>>
    %dma_start3A_51 = arith.constant 0 : i32
    %dma_start3A_52 = tpu.memref_slice %arg8[%dma_start3A_51] : memref<20736xi32, #tpu.memory_space<vmem>> -> memref<64xi32, #tpu.memory_space<vmem>>
    %dma_start3A_53 = arith.constant 0 : i32
    %dma_start3A_54 = arith.constant 0 : i32
    %dma_start3A_55 = tpu.memref_slice %arg2[%dma_start3A_53, %dma_start3A_54] : memref<10000x128xf32, #tpu.memory_space<hbm>> -> memref<10000x128xf32, #tpu.memory_space<hbm>>
    tpu.enqueue_indirect_dma source(%dma_start3A_55 : memref<10000x128xf32, #tpu.memory_space<hbm>>) target(%dma_start3A_50 : memref<64x128xf32, #tpu.memory_space<vmem>>) offsets(%dma_start3A_52 : memref<64xi32, #tpu.memory_space<vmem>>) semaphore(%arg13 : memref<!tpu.dma_semaphore, #tpu.memory_space<semaphore_mem>>)
    %dma_start3A_56 = arith.constant 64 : i32
    %dma_start3A_57 = arith.constant 0 : i32
    %dma_start3A_58 = tpu.memref_slice %arg10[%dma_start3A_56, %dma_start3A_57] : memref<128x128xf32, #tpu.memory_space<vmem>> -> memref<64x128xf32, #tpu.memory_space<vmem>>
    %dma_start3A_59 = arith.constant 64 : i32
    %dma_start3A_60 = tpu.memref_slice %arg8[%dma_start3A_59] : memref<20736xi32, #tpu.memory_space<vmem>> -> memref<64xi32, #tpu.memory_space<vmem>>
    %dma_start3A_61 = arith.constant 0 : i32
    %dma_start3A_62 = arith.constant 0 : i32
    %dma_start3A_63 = tpu.memref_slice %arg2[%dma_start3A_61, %dma_start3A_62] : memref<10000x128xf32, #tpu.memory_space<hbm>> -> memref<10000x128xf32, #tpu.memory_space<hbm>>
    tpu.enqueue_indirect_dma source(%dma_start3A_63 : memref<10000x128xf32, #tpu.memory_space<hbm>>) target(%dma_start3A_58 : memref<64x128xf32, #tpu.memory_space<vmem>>) offsets(%dma_start3A_60 : memref<64xi32, #tpu.memory_space<vmem>>) semaphore(%arg13 : memref<!tpu.dma_semaphore, #tpu.memory_space<semaphore_mem>>)
    %while3A = arith.constant 0 : i32
    %while3A_64 = arith.constant 0 : i32
    %while3A_65 = arith.subi %max3A_48, %while3A : i32
    %while3A_66 = arith.addi %while3A, %while3A_65 : i32
    %while3A_67 = arith.constant 1 : i32
    %while3A_68 = arith.divsi %while3A_65, %while3A_67 : i32
    %while3A_69 = arith.muli %while3A_68, %while3A_67 : i32
    %while3A_70 = arith.addi %while3A, %while3A_69 : i32
    %while3A_71 = arith.constant 1 : i32
    %while3A_72 = scf.for %while3A_93 = %while3A to %while3A_70 step %while3A_71 iter_args(%while3A_94 = %while3A_64) -> (i32)  : i32 {
      %mul3A_95 = arith.constant 2 : i32
      %mul3A_96 = arith.muli %while3A_93, %mul3A_95 : i32
      %add3A_97 = arith.constant 1 : i32
      %add3A_98 = arith.addi %mul3A_96, %add3A_97 : i32
      %mul3A_99 = arith.constant 128 : i32
      %mul3A_100 = arith.muli %add3A_98, %mul3A_99 : i32
      %dma_start3A_101 = arith.constant 0 : i32
      %dma_start3A_102 = arith.constant 0 : i32
      %dma_start3A_103 = tpu.memref_slice %arg11[%dma_start3A_101, %dma_start3A_102] : memref<128x128xf32, #tpu.memory_space<vmem>> -> memref<64x128xf32, #tpu.memory_space<vmem>>
      %dma_start3A_104 = tpu.memref_slice %arg8[%mul3A_100] : memref<20736xi32, #tpu.memory_space<vmem>> -> memref<64xi32, #tpu.memory_space<vmem>>
      %dma_start3A_105 = arith.constant 0 : i32
      %dma_start3A_106 = arith.constant 0 : i32
      %dma_start3A_107 = tpu.memref_slice %arg2[%dma_start3A_105, %dma_start3A_106] : memref<10000x128xf32, #tpu.memory_space<hbm>> -> memref<10000x128xf32, #tpu.memory_space<hbm>>
      tpu.enqueue_indirect_dma source(%dma_start3A_107 : memref<10000x128xf32, #tpu.memory_space<hbm>>) target(%dma_start3A_103 : memref<64x128xf32, #tpu.memory_space<vmem>>) offsets(%dma_start3A_104 : memref<64xi32, #tpu.memory_space<vmem>>) semaphore(%arg14 : memref<!tpu.dma_semaphore, #tpu.memory_space<semaphore_mem>>)
      %mul3A_108 = arith.constant 128 : i32
      %mul3A_109 = arith.muli %add3A_98, %mul3A_108 : i32
      %add3A_110 = arith.constant 64 : i32
      %add3A_111 = arith.addi %mul3A_109, %add3A_110 : i32
      %dma_start3A_112 = arith.constant 64 : i32
      %dma_start3A_113 = arith.constant 0 : i32
      %dma_start3A_114 = tpu.memref_slice %arg11[%dma_start3A_112, %dma_start3A_113] : memref<128x128xf32, #tpu.memory_space<vmem>> -> memref<64x128xf32, #tpu.memory_space<vmem>>
      %dma_start3A_115 = tpu.memref_slice %arg8[%add3A_111] : memref<20736xi32, #tpu.memory_space<vmem>> -> memref<64xi32, #tpu.memory_space<vmem>>
      %dma_start3A_116 = arith.constant 0 : i32
      %dma_start3A_117 = arith.constant 0 : i32
      %dma_start3A_118 = tpu.memref_slice %arg2[%dma_start3A_116, %dma_start3A_117] : memref<10000x128xf32, #tpu.memory_space<hbm>> -> memref<10000x128xf32, #tpu.memory_space<hbm>>
      tpu.enqueue_indirect_dma source(%dma_start3A_118 : memref<10000x128xf32, #tpu.memory_space<hbm>>) target(%dma_start3A_114 : memref<64x128xf32, #tpu.memory_space<vmem>>) offsets(%dma_start3A_115 : memref<64xi32, #tpu.memory_space<vmem>>) semaphore(%arg14 : memref<!tpu.dma_semaphore, #tpu.memory_space<semaphore_mem>>)
      %dma_wait3A = arith.constant 0 : i32
      %dma_wait3A_119 = arith.constant 0 : i32
      %dma_wait3A_120 = tpu.memref_slice %arg10[%dma_wait3A, %dma_wait3A_119] : memref<128x128xf32, #tpu.memory_space<vmem>> -> memref<64x128xf32, #tpu.memory_space<vmem>>
      %dma_wait3A_121 = arith.constant 0 : i32
      %dma_wait3A_122 = tpu.memref_slice %arg8[%dma_wait3A_121] : memref<20736xi32, #tpu.memory_space<vmem>> -> memref<64xi32, #tpu.memory_space<vmem>>
      %dma_wait3A_123 = arith.constant 0 : i32
      %dma_wait3A_124 = arith.constant 0 : i32
      %dma_wait3A_125 = tpu.memref_slice %arg2[%dma_wait3A_123, %dma_wait3A_124] : memref<10000x128xf32, #tpu.memory_space<hbm>> -> memref<10000x128xf32, #tpu.memory_space<hbm>>
      tpu.wait_indirect_dma semaphore(%arg13 : memref<!tpu.dma_semaphore, #tpu.memory_space<semaphore_mem>>) src(%dma_wait3A_125 : memref<10000x128xf32, #tpu.memory_space<hbm>>) dst(%dma_wait3A_120 : memref<64x128xf32, #tpu.memory_space<vmem>>)
      %dma_wait3A_126 = arith.constant 0 : i32
      %dma_wait3A_127 = arith.constant 0 : i32
      %dma_wait3A_128 = tpu.memref_slice %arg10[%dma_wait3A_126, %dma_wait3A_127] : memref<128x128xf32, #tpu.memory_space<vmem>> -> memref<64x128xf32, #tpu.memory_space<vmem>>
      %dma_wait3A_129 = arith.constant 0 : i32
      %dma_wait3A_130 = tpu.memref_slice %arg8[%dma_wait3A_129] : memref<20736xi32, #tpu.memory_space<vmem>> -> memref<64xi32, #tpu.memory_space<vmem>>
      %dma_wait3A_131 = arith.constant 0 : i32
      %dma_wait3A_132 = arith.constant 0 : i32
      %dma_wait3A_133 = tpu.memref_slice %arg2[%dma_wait3A_131, %dma_wait3A_132] : memref<10000x128xf32, #tpu.memory_space<hbm>> -> memref<10000x128xf32, #tpu.memory_space<hbm>>
      tpu.wait_indirect_dma semaphore(%arg13 : memref<!tpu.dma_semaphore, #tpu.memory_space<semaphore_mem>>) src(%dma_wait3A_133 : memref<10000x128xf32, #tpu.memory_space<hbm>>) dst(%dma_wait3A_128 : memref<64x128xf32, #tpu.memory_space<vmem>>)
      %mul3A_134 = arith.constant 128 : i32
      %mul3A_135 = arith.muli %mul3A_96, %mul3A_134 : i32
      "tpu.region"() ({
        %run_scoped3A = tpu.sem_alloc : memref<!tpu.dma_semaphore, #tpu.memory_space<semaphore_mem>>
        %dma_start3A_162 = tpu.memref_slice %arg9[%mul3A_135] : memref<20736xi32, #tpu.memory_space<vmem>> -> memref<128xi32, #tpu.memory_space<vmem>>
        %dma_start3A_163 = arith.constant 0 : i32
        %dma_start3A_164 = arith.constant 0 : i32
        %dma_start3A_165 = tpu.memref_slice %arg12[%dma_start3A_163, %dma_start3A_164] : memref<5008x128xf32, #tpu.memory_space<vmem_shared>> -> memref<5008x128xf32, #tpu.memory_space<vmem_shared>>
        tpu.enqueue_indirect_dma source(%arg10 : memref<128x128xf32, #tpu.memory_space<vmem>>) target(%dma_start3A_165 : memref<5008x128xf32, #tpu.memory_space<vmem_shared>>) offsets(%dma_start3A_162 : memref<128xi32, #tpu.memory_space<vmem>>) semaphore(%run_scoped3A : memref<!tpu.dma_semaphore, #tpu.memory_space<semaphore_mem>>) {add = true}
        %dma_wait3A_166 = tpu.memref_slice %arg9[%mul3A_135] : memref<20736xi32, #tpu.memory_space<vmem>> -> memref<128xi32, #tpu.memory_space<vmem>>
        %dma_wait3A_167 = arith.constant 0 : i32
        %dma_wait3A_168 = arith.constant 0 : i32
        %dma_wait3A_169 = tpu.memref_slice %arg12[%dma_wait3A_167, %dma_wait3A_168] : memref<5008x128xf32, #tpu.memory_space<vmem_shared>> -> memref<5008x128xf32, #tpu.memory_space<vmem_shared>>
        tpu.wait_indirect_dma semaphore(%run_scoped3A : memref<!tpu.dma_semaphore, #tpu.memory_space<semaphore_mem>>) src(%arg10 : memref<128x128xf32, #tpu.memory_space<vmem>>) dst(%dma_wait3A_169 : memref<5008x128xf32, #tpu.memory_space<vmem_shared>>)
        tpu.yield
      }) : () -> ()
      %sub3A_136 = arith.constant 1 : i32
      %sub3A_137 = arith.subi %max3A_48, %sub3A_136 : i32
      %lt3A = arith.cmpi slt, %while3A_93, %sub3A_137 : i32
      %convert_element_type3A_138 = arith.extui %lt3A : i1 to i32
      %cond3A_139 = arith.constant 0 : i32
      %cond3A_140 = arith.cmpi ne, %convert_element_type3A_138, %cond3A_139 : i32
      scf.if %cond3A_140 {
        %add3A_162 = arith.constant 2 : i32
        %add3A_163 = arith.addi %mul3A_96, %add3A_162 : i32
        %mul3A_164 = arith.constant 128 : i32
        %mul3A_165 = arith.muli %add3A_163, %mul3A_164 : i32
        %dma_start3A_166 = arith.constant 0 : i32
        %dma_start3A_167 = arith.constant 0 : i32
        %dma_start3A_168 = tpu.memref_slice %arg10[%dma_start3A_166, %dma_start3A_167] : memref<128x128xf32, #tpu.memory_space<vmem>> -> memref<64x128xf32, #tpu.memory_space<vmem>>
        %dma_start3A_169 = tpu.memref_slice %arg8[%mul3A_165] : memref<20736xi32, #tpu.memory_space<vmem>> -> memref<64xi32, #tpu.memory_space<vmem>>
        %dma_start3A_170 = arith.constant 0 : i32
        %dma_start3A_171 = arith.constant 0 : i32
        %dma_start3A_172 = tpu.memref_slice %arg2[%dma_start3A_170, %dma_start3A_171] : memref<10000x128xf32, #tpu.memory_space<hbm>> -> memref<10000x128xf32, #tpu.memory_space<hbm>>
        tpu.enqueue_indirect_dma source(%dma_start3A_172 : memref<10000x128xf32, #tpu.memory_space<hbm>>) target(%dma_start3A_168 : memref<64x128xf32, #tpu.memory_space<vmem>>) offsets(%dma_start3A_169 : memref<64xi32, #tpu.memory_space<vmem>>) semaphore(%arg13 : memref<!tpu.dma_semaphore, #tpu.memory_space<semaphore_mem>>)
        %mul3A_173 = arith.constant 128 : i32
        %mul3A_174 = arith.muli %add3A_163, %mul3A_173 : i32
        %add3A_175 = arith.constant 64 : i32
        %add3A_176 = arith.addi %mul3A_174, %add3A_175 : i32
        %dma_start3A_177 = arith.constant 64 : i32
        %dma_start3A_178 = arith.constant 0 : i32
        %dma_start3A_179 = tpu.memref_slice %arg10[%dma_start3A_177, %dma_start3A_178] : memref<128x128xf32, #tpu.memory_space<vmem>> -> memref<64x128xf32, #tpu.memory_space<vmem>>
        %dma_start3A_180 = tpu.memref_slice %arg8[%add3A_176] : memref<20736xi32, #tpu.memory_space<vmem>> -> memref<64xi32, #tpu.memory_space<vmem>>
        %dma_start3A_181 = arith.constant 0 : i32
        %dma_start3A_182 = arith.constant 0 : i32
        %dma_start3A_183 = tpu.memref_slice %arg2[%dma_start3A_181, %dma_start3A_182] : memref<10000x128xf32, #tpu.memory_space<hbm>> -> memref<10000x128xf32, #tpu.memory_space<hbm>>
        tpu.enqueue_indirect_dma source(%dma_start3A_183 : memref<10000x128xf32, #tpu.memory_space<hbm>>) target(%dma_start3A_179 : memref<64x128xf32, #tpu.memory_space<vmem>>) offsets(%dma_start3A_180 : memref<64xi32, #tpu.memory_space<vmem>>) semaphore(%arg13 : memref<!tpu.dma_semaphore, #tpu.memory_space<semaphore_mem>>)
      } else {
      }
      %dma_wait3A_141 = arith.constant 0 : i32
      %dma_wait3A_142 = arith.constant 0 : i32
      %dma_wait3A_143 = tpu.memref_slice %arg11[%dma_wait3A_141, %dma_wait3A_142] : memref<128x128xf32, #tpu.memory_space<vmem>> -> memref<64x128xf32, #tpu.memory_space<vmem>>
      %dma_wait3A_144 = arith.constant 0 : i32
      %dma_wait3A_145 = tpu.memref_slice %arg8[%dma_wait3A_144] : memref<20736xi32, #tpu.memory_space<vmem>> -> memref<64xi32, #tpu.memory_space<vmem>>
      %dma_wait3A_146 = arith.constant 0 : i32
      %dma_wait3A_147 = arith.constant 0 : i32
      %dma_wait3A_148 = tpu.memref_slice %arg2[%dma_wait3A_146, %dma_wait3A_147] : memref<10000x128xf32, #tpu.memory_space<hbm>> -> memref<10000x128xf32, #tpu.memory_space<hbm>>
      tpu.wait_indirect_dma semaphore(%arg14 : memref<!tpu.dma_semaphore, #tpu.memory_space<semaphore_mem>>) src(%dma_wait3A_148 : memref<10000x128xf32, #tpu.memory_space<hbm>>) dst(%dma_wait3A_143 : memref<64x128xf32, #tpu.memory_space<vmem>>)
      %dma_wait3A_149 = arith.constant 0 : i32
      %dma_wait3A_150 = arith.constant 0 : i32
      %dma_wait3A_151 = tpu.memref_slice %arg11[%dma_wait3A_149, %dma_wait3A_150] : memref<128x128xf32, #tpu.memory_space<vmem>> -> memref<64x128xf32, #tpu.memory_space<vmem>>
      %dma_wait3A_152 = arith.constant 0 : i32
      %dma_wait3A_153 = tpu.memref_slice %arg8[%dma_wait3A_152] : memref<20736xi32, #tpu.memory_space<vmem>> -> memref<64xi32, #tpu.memory_space<vmem>>
      %dma_wait3A_154 = arith.constant 0 : i32
      %dma_wait3A_155 = arith.constant 0 : i32
      %dma_wait3A_156 = tpu.memref_slice %arg2[%dma_wait3A_154, %dma_wait3A_155] : memref<10000x128xf32, #tpu.memory_space<hbm>> -> memref<10000x128xf32, #tpu.memory_space<hbm>>
      tpu.wait_indirect_dma semaphore(%arg14 : memref<!tpu.dma_semaphore, #tpu.memory_space<semaphore_mem>>) src(%dma_wait3A_156 : memref<10000x128xf32, #tpu.memory_space<hbm>>) dst(%dma_wait3A_151 : memref<64x128xf32, #tpu.memory_space<vmem>>)
      %add3A_157 = arith.constant 1 : i32
      %add3A_158 = arith.addi %mul3A_96, %add3A_157 : i32
      %mul3A_159 = arith.constant 128 : i32
      %mul3A_160 = arith.muli %add3A_158, %mul3A_159 : i32
      "tpu.region"() ({
        %run_scoped3A = tpu.sem_alloc : memref<!tpu.dma_semaphore, #tpu.memory_space<semaphore_mem>>
        %dma_start3A_162 = tpu.memref_slice %arg9[%mul3A_160] : memref<20736xi32, #tpu.memory_space<vmem>> -> memref<128xi32, #tpu.memory_space<vmem>>
        %dma_start3A_163 = arith.constant 0 : i32
        %dma_start3A_164 = arith.constant 0 : i32
        %dma_start3A_165 = tpu.memref_slice %arg12[%dma_start3A_163, %dma_start3A_164] : memref<5008x128xf32, #tpu.memory_space<vmem_shared>> -> memref<5008x128xf32, #tpu.memory_space<vmem_shared>>
        tpu.enqueue_indirect_dma source(%arg11 : memref<128x128xf32, #tpu.memory_space<vmem>>) target(%dma_start3A_165 : memref<5008x128xf32, #tpu.memory_space<vmem_shared>>) offsets(%dma_start3A_162 : memref<128xi32, #tpu.memory_space<vmem>>) semaphore(%run_scoped3A : memref<!tpu.dma_semaphore, #tpu.memory_space<semaphore_mem>>) {add = true}
        %dma_wait3A_166 = tpu.memref_slice %arg9[%mul3A_160] : memref<20736xi32, #tpu.memory_space<vmem>> -> memref<128xi32, #tpu.memory_space<vmem>>
        %dma_wait3A_167 = arith.constant 0 : i32
        %dma_wait3A_168 = arith.constant 0 : i32
        %dma_wait3A_169 = tpu.memref_slice %arg12[%dma_wait3A_167, %dma_wait3A_168] : memref<5008x128xf32, #tpu.memory_space<vmem_shared>> -> memref<5008x128xf32, #tpu.memory_space<vmem_shared>>
        tpu.wait_indirect_dma semaphore(%run_scoped3A : memref<!tpu.dma_semaphore, #tpu.memory_space<semaphore_mem>>) src(%arg11 : memref<128x128xf32, #tpu.memory_space<vmem>>) dst(%dma_wait3A_169 : memref<5008x128xf32, #tpu.memory_space<vmem_shared>>)
        tpu.yield
      }) : () -> ()
      %while3A_161 = arith.constant 0 : i32
      scf.yield %while3A_161 : i32
    }
    %while3A_73 = arith.constant 1 : i32
    %while3A_74 = scf.for %while3A_93 = %while3A_70 to %while3A_66 step %while3A_73 iter_args(%while3A_94 = %while3A_72) -> (i32)  : i32 {
      %mul3A_95 = arith.constant 2 : i32
      %mul3A_96 = arith.muli %while3A_93, %mul3A_95 : i32
      %add3A_97 = arith.constant 1 : i32
      %add3A_98 = arith.addi %mul3A_96, %add3A_97 : i32
      %mul3A_99 = arith.constant 128 : i32
      %mul3A_100 = arith.muli %add3A_98, %mul3A_99 : i32
      %dma_start3A_101 = arith.constant 0 : i32
      %dma_start3A_102 = arith.constant 0 : i32
      %dma_start3A_103 = tpu.memref_slice %arg11[%dma_start3A_101, %dma_start3A_102] : memref<128x128xf32, #tpu.memory_space<vmem>> -> memref<64x128xf32, #tpu.memory_space<vmem>>
      %dma_start3A_104 = tpu.memref_slice %arg8[%mul3A_100] : memref<20736xi32, #tpu.memory_space<vmem>> -> memref<64xi32, #tpu.memory_space<vmem>>
      %dma_start3A_105 = arith.constant 0 : i32
      %dma_start3A_106 = arith.constant 0 : i32
      %dma_start3A_107 = tpu.memref_slice %arg2[%dma_start3A_105, %dma_start3A_106] : memref<10000x128xf32, #tpu.memory_space<hbm>> -> memref<10000x128xf32, #tpu.memory_space<hbm>>
      tpu.enqueue_indirect_dma source(%dma_start3A_107 : memref<10000x128xf32, #tpu.memory_space<hbm>>) target(%dma_start3A_103 : memref<64x128xf32, #tpu.memory_space<vmem>>) offsets(%dma_start3A_104 : memref<64xi32, #tpu.memory_space<vmem>>) semaphore(%arg14 : memref<!tpu.dma_semaphore, #tpu.memory_space<semaphore_mem>>)
      %mul3A_108 = arith.constant 128 : i32
      %mul3A_109 = arith.muli %add3A_98, %mul3A_108 : i32
      %add3A_110 = arith.constant 64 : i32
      %add3A_111 = arith.addi %mul3A_109, %add3A_110 : i32
      %dma_start3A_112 = arith.constant 64 : i32
      %dma_start3A_113 = arith.constant 0 : i32
      %dma_start3A_114 = tpu.memref_slice %arg11[%dma_start3A_112, %dma_start3A_113] : memref<128x128xf32, #tpu.memory_space<vmem>> -> memref<64x128xf32, #tpu.memory_space<vmem>>
      %dma_start3A_115 = tpu.memref_slice %arg8[%add3A_111] : memref<20736xi32, #tpu.memory_space<vmem>> -> memref<64xi32, #tpu.memory_space<vmem>>
      %dma_start3A_116 = arith.constant 0 : i32
      %dma_start3A_117 = arith.constant 0 : i32
      %dma_start3A_118 = tpu.memref_slice %arg2[%dma_start3A_116, %dma_start3A_117] : memref<10000x128xf32, #tpu.memory_space<hbm>> -> memref<10000x128xf32, #tpu.memory_space<hbm>>
      tpu.enqueue_indirect_dma source(%dma_start3A_118 : memref<10000x128xf32, #tpu.memory_space<hbm>>) target(%dma_start3A_114 : memref<64x128xf32, #tpu.memory_space<vmem>>) offsets(%dma_start3A_115 : memref<64xi32, #tpu.memory_space<vmem>>) semaphore(%arg14 : memref<!tpu.dma_semaphore, #tpu.memory_space<semaphore_mem>>)
      %dma_wait3A = arith.constant 0 : i32
      %dma_wait3A_119 = arith.constant 0 : i32
      %dma_wait3A_120 = tpu.memref_slice %arg10[%dma_wait3A, %dma_wait3A_119] : memref<128x128xf32, #tpu.memory_space<vmem>> -> memref<64x128xf32, #tpu.memory_space<vmem>>
      %dma_wait3A_121 = arith.constant 0 : i32
      %dma_wait3A_122 = tpu.memref_slice %arg8[%dma_wait3A_121] : memref<20736xi32, #tpu.memory_space<vmem>> -> memref<64xi32, #tpu.memory_space<vmem>>
      %dma_wait3A_123 = arith.constant 0 : i32
      %dma_wait3A_124 = arith.constant 0 : i32
      %dma_wait3A_125 = tpu.memref_slice %arg2[%dma_wait3A_123, %dma_wait3A_124] : memref<10000x128xf32, #tpu.memory_space<hbm>> -> memref<10000x128xf32, #tpu.memory_space<hbm>>
      tpu.wait_indirect_dma semaphore(%arg13 : memref<!tpu.dma_semaphore, #tpu.memory_space<semaphore_mem>>) src(%dma_wait3A_125 : memref<10000x128xf32, #tpu.memory_space<hbm>>) dst(%dma_wait3A_120 : memref<64x128xf32, #tpu.memory_space<vmem>>)
      %dma_wait3A_126 = arith.constant 0 : i32
      %dma_wait3A_127 = arith.constant 0 : i32
      %dma_wait3A_128 = tpu.memref_slice %arg10[%dma_wait3A_126, %dma_wait3A_127] : memref<128x128xf32, #tpu.memory_space<vmem>> -> memref<64x128xf32, #tpu.memory_space<vmem>>
      %dma_wait3A_129 = arith.constant 0 : i32
      %dma_wait3A_130 = tpu.memref_slice %arg8[%dma_wait3A_129] : memref<20736xi32, #tpu.memory_space<vmem>> -> memref<64xi32, #tpu.memory_space<vmem>>
      %dma_wait3A_131 = arith.constant 0 : i32
      %dma_wait3A_132 = arith.constant 0 : i32
      %dma_wait3A_133 = tpu.memref_slice %arg2[%dma_wait3A_131, %dma_wait3A_132] : memref<10000x128xf32, #tpu.memory_space<hbm>> -> memref<10000x128xf32, #tpu.memory_space<hbm>>
      tpu.wait_indirect_dma semaphore(%arg13 : memref<!tpu.dma_semaphore, #tpu.memory_space<semaphore_mem>>) src(%dma_wait3A_133 : memref<10000x128xf32, #tpu.memory_space<hbm>>) dst(%dma_wait3A_128 : memref<64x128xf32, #tpu.memory_space<vmem>>)
      %mul3A_134 = arith.constant 128 : i32
      %mul3A_135 = arith.muli %mul3A_96, %mul3A_134 : i32
      "tpu.region"() ({
        %run_scoped3A = tpu.sem_alloc : memref<!tpu.dma_semaphore, #tpu.memory_space<semaphore_mem>>
        %dma_start3A_162 = tpu.memref_slice %arg9[%mul3A_135] : memref<20736xi32, #tpu.memory_space<vmem>> -> memref<128xi32, #tpu.memory_space<vmem>>
        %dma_start3A_163 = arith.constant 0 : i32
        %dma_start3A_164 = arith.constant 0 : i32
        %dma_start3A_165 = tpu.memref_slice %arg12[%dma_start3A_163, %dma_start3A_164] : memref<5008x128xf32, #tpu.memory_space<vmem_shared>> -> memref<5008x128xf32, #tpu.memory_space<vmem_shared>>
        tpu.enqueue_indirect_dma source(%arg10 : memref<128x128xf32, #tpu.memory_space<vmem>>) target(%dma_start3A_165 : memref<5008x128xf32, #tpu.memory_space<vmem_shared>>) offsets(%dma_start3A_162 : memref<128xi32, #tpu.memory_space<vmem>>) semaphore(%run_scoped3A : memref<!tpu.dma_semaphore, #tpu.memory_space<semaphore_mem>>) {add = true}
        %dma_wait3A_166 = tpu.memref_slice %arg9[%mul3A_135] : memref<20736xi32, #tpu.memory_space<vmem>> -> memref<128xi32, #tpu.memory_space<vmem>>
        %dma_wait3A_167 = arith.constant 0 : i32
        %dma_wait3A_168 = arith.constant 0 : i32
        %dma_wait3A_169 = tpu.memref_slice %arg12[%dma_wait3A_167, %dma_wait3A_168] : memref<5008x128xf32, #tpu.memory_space<vmem_shared>> -> memref<5008x128xf32, #tpu.memory_space<vmem_shared>>
        tpu.wait_indirect_dma semaphore(%run_scoped3A : memref<!tpu.dma_semaphore, #tpu.memory_space<semaphore_mem>>) src(%arg10 : memref<128x128xf32, #tpu.memory_space<vmem>>) dst(%dma_wait3A_169 : memref<5008x128xf32, #tpu.memory_space<vmem_shared>>)
        tpu.yield
      }) : () -> ()
      %sub3A_136 = arith.constant 1 : i32
      %sub3A_137 = arith.subi %max3A_48, %sub3A_136 : i32
      %lt3A = arith.cmpi slt, %while3A_93, %sub3A_137 : i32
      %convert_element_type3A_138 = arith.extui %lt3A : i1 to i32
      %cond3A_139 = arith.constant 0 : i32
      %cond3A_140 = arith.cmpi ne, %convert_element_type3A_138, %cond3A_139 : i32
      scf.if %cond3A_140 {
        %add3A_162 = arith.constant 2 : i32
        %add3A_163 = arith.addi %mul3A_96, %add3A_162 : i32
        %mul3A_164 = arith.constant 128 : i32
        %mul3A_165 = arith.muli %add3A_163, %mul3A_164 : i32
        %dma_start3A_166 = arith.constant 0 : i32
        %dma_start3A_167 = arith.constant 0 : i32
        %dma_start3A_168 = tpu.memref_slice %arg10[%dma_start3A_166, %dma_start3A_167] : memref<128x128xf32, #tpu.memory_space<vmem>> -> memref<64x128xf32, #tpu.memory_space<vmem>>
        %dma_start3A_169 = tpu.memref_slice %arg8[%mul3A_165] : memref<20736xi32, #tpu.memory_space<vmem>> -> memref<64xi32, #tpu.memory_space<vmem>>
        %dma_start3A_170 = arith.constant 0 : i32
        %dma_start3A_171 = arith.constant 0 : i32
        %dma_start3A_172 = tpu.memref_slice %arg2[%dma_start3A_170, %dma_start3A_171] : memref<10000x128xf32, #tpu.memory_space<hbm>> -> memref<10000x128xf32, #tpu.memory_space<hbm>>
        tpu.enqueue_indirect_dma source(%dma_start3A_172 : memref<10000x128xf32, #tpu.memory_space<hbm>>) target(%dma_start3A_168 : memref<64x128xf32, #tpu.memory_space<vmem>>) offsets(%dma_start3A_169 : memref<64xi32, #tpu.memory_space<vmem>>) semaphore(%arg13 : memref<!tpu.dma_semaphore, #tpu.memory_space<semaphore_mem>>)
        %mul3A_173 = arith.constant 128 : i32
        %mul3A_174 = arith.muli %add3A_163, %mul3A_173 : i32
        %add3A_175 = arith.constant 64 : i32
        %add3A_176 = arith.addi %mul3A_174, %add3A_175 : i32
        %dma_start3A_177 = arith.constant 64 : i32
        %dma_start3A_178 = arith.constant 0 : i32
        %dma_start3A_179 = tpu.memref_slice %arg10[%dma_start3A_177, %dma_start3A_178] : memref<128x128xf32, #tpu.memory_space<vmem>> -> memref<64x128xf32, #tpu.memory_space<vmem>>
        %dma_start3A_180 = tpu.memref_slice %arg8[%add3A_176] : memref<20736xi32, #tpu.memory_space<vmem>> -> memref<64xi32, #tpu.memory_space<vmem>>
        %dma_start3A_181 = arith.constant 0 : i32
        %dma_start3A_182 = arith.constant 0 : i32
        %dma_start3A_183 = tpu.memref_slice %arg2[%dma_start3A_181, %dma_start3A_182] : memref<10000x128xf32, #tpu.memory_space<hbm>> -> memref<10000x128xf32, #tpu.memory_space<hbm>>
        tpu.enqueue_indirect_dma source(%dma_start3A_183 : memref<10000x128xf32, #tpu.memory_space<hbm>>) target(%dma_start3A_179 : memref<64x128xf32, #tpu.memory_space<vmem>>) offsets(%dma_start3A_180 : memref<64xi32, #tpu.memory_space<vmem>>) semaphore(%arg13 : memref<!tpu.dma_semaphore, #tpu.memory_space<semaphore_mem>>)
      } else {
      }
      %dma_wait3A_141 = arith.constant 0 : i32
      %dma_wait3A_142 = arith.constant 0 : i32
      %dma_wait3A_143 = tpu.memref_slice %arg11[%dma_wait3A_141, %dma_wait3A_142] : memref<128x128xf32, #tpu.memory_space<vmem>> -> memref<64x128xf32, #tpu.memory_space<vmem>>
      %dma_wait3A_144 = arith.constant 0 : i32
      %dma_wait3A_145 = tpu.memref_slice %arg8[%dma_wait3A_144] : memref<20736xi32, #tpu.memory_space<vmem>> -> memref<64xi32, #tpu.memory_space<vmem>>
      %dma_wait3A_146 = arith.constant 0 : i32
      %dma_wait3A_147 = arith.constant 0 : i32
      %dma_wait3A_148 = tpu.memref_slice %arg2[%dma_wait3A_146, %dma_wait3A_147] : memref<10000x128xf32, #tpu.memory_space<hbm>> -> memref<10000x128xf32, #tpu.memory_space<hbm>>
      tpu.wait_indirect_dma semaphore(%arg14 : memref<!tpu.dma_semaphore, #tpu.memory_space<semaphore_mem>>) src(%dma_wait3A_148 : memref<10000x128xf32, #tpu.memory_space<hbm>>) dst(%dma_wait3A_143 : memref<64x128xf32, #tpu.memory_space<vmem>>)
      %dma_wait3A_149 = arith.constant 0 : i32
      %dma_wait3A_150 = arith.constant 0 : i32
      %dma_wait3A_151 = tpu.memref_slice %arg11[%dma_wait3A_149, %dma_wait3A_150] : memref<128x128xf32, #tpu.memory_space<vmem>> -> memref<64x128xf32, #tpu.memory_space<vmem>>
      %dma_wait3A_152 = arith.constant 0 : i32
      %dma_wait3A_153 = tpu.memref_slice %arg8[%dma_wait3A_152] : memref<20736xi32, #tpu.memory_space<vmem>> -> memref<64xi32, #tpu.memory_space<vmem>>
      %dma_wait3A_154 = arith.constant 0 : i32
      %dma_wait3A_155 = arith.constant 0 : i32
      %dma_wait3A_156 = tpu.memref_slice %arg2[%dma_wait3A_154, %dma_wait3A_155] : memref<10000x128xf32, #tpu.memory_space<hbm>> -> memref<10000x128xf32, #tpu.memory_space<hbm>>
      tpu.wait_indirect_dma semaphore(%arg14 : memref<!tpu.dma_semaphore, #tpu.memory_space<semaphore_mem>>) src(%dma_wait3A_156 : memref<10000x128xf32, #tpu.memory_space<hbm>>) dst(%dma_wait3A_151 : memref<64x128xf32, #tpu.memory_space<vmem>>)
      %add3A_157 = arith.constant 1 : i32
      %add3A_158 = arith.addi %mul3A_96, %add3A_157 : i32
      %mul3A_159 = arith.constant 128 : i32
      %mul3A_160 = arith.muli %add3A_158, %mul3A_159 : i32
      "tpu.region"() ({
        %run_scoped3A = tpu.sem_alloc : memref<!tpu.dma_semaphore, #tpu.memory_space<semaphore_mem>>
        %dma_start3A_162 = tpu.memref_slice %arg9[%mul3A_160] : memref<20736xi32, #tpu.memory_space<vmem>> -> memref<128xi32, #tpu.memory_space<vmem>>
        %dma_start3A_163 = arith.constant 0 : i32
        %dma_start3A_164 = arith.constant 0 : i32
        %dma_start3A_165 = tpu.memref_slice %arg12[%dma_start3A_163, %dma_start3A_164] : memref<5008x128xf32, #tpu.memory_space<vmem_shared>> -> memref<5008x128xf32, #tpu.memory_space<vmem_shared>>
        tpu.enqueue_indirect_dma source(%arg11 : memref<128x128xf32, #tpu.memory_space<vmem>>) target(%dma_start3A_165 : memref<5008x128xf32, #tpu.memory_space<vmem_shared>>) offsets(%dma_start3A_162 : memref<128xi32, #tpu.memory_space<vmem>>) semaphore(%run_scoped3A : memref<!tpu.dma_semaphore, #tpu.memory_space<semaphore_mem>>) {add = true}
        %dma_wait3A_166 = tpu.memref_slice %arg9[%mul3A_160] : memref<20736xi32, #tpu.memory_space<vmem>> -> memref<128xi32, #tpu.memory_space<vmem>>
        %dma_wait3A_167 = arith.constant 0 : i32
        %dma_wait3A_168 = arith.constant 0 : i32
        %dma_wait3A_169 = tpu.memref_slice %arg12[%dma_wait3A_167, %dma_wait3A_168] : memref<5008x128xf32, #tpu.memory_space<vmem_shared>> -> memref<5008x128xf32, #tpu.memory_space<vmem_shared>>
        tpu.wait_indirect_dma semaphore(%run_scoped3A : memref<!tpu.dma_semaphore, #tpu.memory_space<semaphore_mem>>) src(%arg11 : memref<128x128xf32, #tpu.memory_space<vmem>>) dst(%dma_wait3A_169 : memref<5008x128xf32, #tpu.memory_space<vmem_shared>>)
        tpu.yield
      }) : () -> ()
      %while3A_161 = arith.constant 0 : i32
      scf.yield %while3A_161 : i32
    }
    %barrier3A_75 = arith.constant 0 : index
    tpu.barrier barrier_id(%barrier3A_75)
    %mul3A_76 = arith.constant 312 : i32
    %mul3A_77 = arith.muli %arg1, %mul3A_76 : i32
    %add3A_78 = arith.constant 0 : i32
    %add3A_79 = arith.addi %mul3A_77, %add3A_78 : i32
    %add3A_80 = arith.addi %mul3A_0, %add3A_79 : i32
    "tpu.region"() ({
      %run_scoped3A = tpu.sem_alloc : memref<!tpu.dma_semaphore, #tpu.memory_space<semaphore_mem>>
      %dma_start3A_93 = arith.constant 0 : i32
      %dma_start3A_94 = tpu.memref_slice %arg5[%add3A_80, %dma_start3A_93] : memref<10016x128xf32, #tpu.memory_space<hbm>> -> memref<128x128xf32, #tpu.memory_space<hbm>>
      %dma_start3A_95 = arith.constant 0 : i32
      %dma_start3A_96 = tpu.memref_slice %arg12[%add3A_79, %dma_start3A_95] : memref<5008x128xf32, #tpu.memory_space<vmem_shared>> -> memref<128x128xf32, #tpu.memory_space<vmem_shared>>
      tpu.enqueue_dma source(%dma_start3A_96 : memref<128x128xf32, #tpu.memory_space<vmem_shared>>) target(%dma_start3A_94 : memref<128x128xf32, #tpu.memory_space<hbm>>) target_semaphore(%run_scoped3A : memref<!tpu.dma_semaphore, #tpu.memory_space<semaphore_mem>>)
      %dma_wait3A = arith.constant 0 : i32
      %dma_wait3A_97 = tpu.memref_slice %arg5[%add3A_80, %dma_wait3A] : memref<10016x128xf32, #tpu.memory_space<hbm>> -> memref<128x128xf32, #tpu.memory_space<hbm>>
      %dma_wait3A_98 = arith.constant 0 : i32
      %dma_wait3A_99 = tpu.memref_slice %arg12[%add3A_79, %dma_wait3A_98] : memref<5008x128xf32, #tpu.memory_space<vmem_shared>> -> memref<128x128xf32, #tpu.memory_space<vmem_shared>>
      tpu.wait_dma2 semaphore(%run_scoped3A : memref<!tpu.dma_semaphore, #tpu.memory_space<semaphore_mem>>) src(%dma_wait3A_99 : memref<128x128xf32, #tpu.memory_space<vmem_shared>>) dst(%dma_wait3A_97 : memref<128x128xf32, #tpu.memory_space<hbm>>)
      tpu.yield
    }) : () -> ()
    %mul3A_81 = arith.constant 312 : i32
    %mul3A_82 = arith.muli %arg1, %mul3A_81 : i32
    %add3A_83 = arith.constant 128 : i32
    %add3A_84 = arith.addi %mul3A_82, %add3A_83 : i32
    %add3A_85 = arith.addi %mul3A_0, %add3A_84 : i32
    "tpu.region"() ({
      %run_scoped3A = tpu.sem_alloc : memref<!tpu.dma_semaphore, #tpu.memory_space<semaphore_mem>>
      %dma_start3A_93 = arith.constant 0 : i32
      %dma_start3A_94 = tpu.memref_slice %arg5[%add3A_85, %dma_start3A_93] : memref<10016x128xf32, #tpu.memory_space<hbm>> -> memref<128x128xf32, #tpu.memory_space<hbm>>
      %dma_start3A_95 = arith.constant 0 : i32
      %dma_start3A_96 = tpu.memref_slice %arg12[%add3A_84, %dma_start3A_95] : memref<5008x128xf32, #tpu.memory_space<vmem_shared>> -> memref<128x128xf32, #tpu.memory_space<vmem_shared>>
      tpu.enqueue_dma source(%dma_start3A_96 : memref<128x128xf32, #tpu.memory_space<vmem_shared>>) target(%dma_start3A_94 : memref<128x128xf32, #tpu.memory_space<hbm>>) target_semaphore(%run_scoped3A : memref<!tpu.dma_semaphore, #tpu.memory_space<semaphore_mem>>)
      %dma_wait3A = arith.constant 0 : i32
      %dma_wait3A_97 = tpu.memref_slice %arg5[%add3A_85, %dma_wait3A] : memref<10016x128xf32, #tpu.memory_space<hbm>> -> memref<128x128xf32, #tpu.memory_space<hbm>>
      %dma_wait3A_98 = arith.constant 0 : i32
      %dma_wait3A_99 = tpu.memref_slice %arg12[%add3A_84, %dma_wait3A_98] : memref<5008x128xf32, #tpu.memory_space<vmem_shared>> -> memref<128x128xf32, #tpu.memory_space<vmem_shared>>
      tpu.wait_dma2 semaphore(%run_scoped3A : memref<!tpu.dma_semaphore, #tpu.memory_space<semaphore_mem>>) src(%dma_wait3A_99 : memref<128x128xf32, #tpu.memory_space<vmem_shared>>) dst(%dma_wait3A_97 : memref<128x128xf32, #tpu.memory_space<hbm>>)
      tpu.yield
    }) : () -> ()
    %mul3A_86 = arith.constant 312 : i32
    %mul3A_87 = arith.muli %arg1, %mul3A_86 : i32
    %add3A_88 = arith.constant 256 : i32
    %add3A_89 = arith.addi %mul3A_87, %add3A_88 : i32
    %add3A_90 = arith.addi %mul3A_0, %add3A_89 : i32
    "tpu.region"() ({
      %run_scoped3A = tpu.sem_alloc : memref<!tpu.dma_semaphore, #tpu.memory_space<semaphore_mem>>
      %dma_start3A_93 = arith.constant 0 : i32
      %dma_start3A_94 = tpu.memref_slice %arg5[%add3A_90, %dma_start3A_93] : memref<10016x128xf32, #tpu.memory_space<hbm>> -> memref<56x128xf32, #tpu.memory_space<hbm>>
      %dma_start3A_95 = arith.constant 0 : i32
      %dma_start3A_96 = tpu.memref_slice %arg12[%add3A_89, %dma_start3A_95] : memref<5008x128xf32, #tpu.memory_space<vmem_shared>> -> memref<56x128xf32, #tpu.memory_space<vmem_shared>>
      tpu.enqueue_dma source(%dma_start3A_96 : memref<56x128xf32, #tpu.memory_space<vmem_shared>>) target(%dma_start3A_94 : memref<56x128xf32, #tpu.memory_space<hbm>>) target_semaphore(%run_scoped3A : memref<!tpu.dma_semaphore, #tpu.memory_space<semaphore_mem>>)
      %dma_wait3A = arith.constant 0 : i32
      %dma_wait3A_97 = tpu.memref_slice %arg5[%add3A_90, %dma_wait3A] : memref<10016x128xf32, #tpu.memory_space<hbm>> -> memref<56x128xf32, #tpu.memory_space<hbm>>
      %dma_wait3A_98 = arith.constant 0 : i32
      %dma_wait3A_99 = tpu.memref_slice %arg12[%add3A_89, %dma_wait3A_98] : memref<5008x128xf32, #tpu.memory_space<vmem_shared>> -> memref<56x128xf32, #tpu.memory_space<vmem_shared>>
      tpu.wait_dma2 semaphore(%run_scoped3A : memref<!tpu.dma_semaphore, #tpu.memory_space<semaphore_mem>>) src(%dma_wait3A_99 : memref<56x128xf32, #tpu.memory_space<vmem_shared>>) dst(%dma_wait3A_97 : memref<56x128xf32, #tpu.memory_space<hbm>>)
      tpu.yield
    }) : () -> ()
    %eq3A = arith.constant 0 : i32
    %eq3A_91 = arith.cmpi eq, %arg1, %eq3A : i32
    %convert_element_type3A = arith.extui %eq3A_91 : i1 to i32
    %cond3A = arith.constant 0 : i32
    %cond3A_92 = arith.cmpi ne, %convert_element_type3A, %cond3A : i32
    scf.if %cond3A_92 {
      %add3A_93 = arith.constant 4992 : i32
      %add3A_94 = arith.addi %mul3A_0, %add3A_93 : i32
      "tpu.region"() ({
        %run_scoped3A = tpu.sem_alloc : memref<!tpu.dma_semaphore, #tpu.memory_space<semaphore_mem>>
        %dma_start3A_95 = arith.constant 0 : i32
        %dma_start3A_96 = tpu.memref_slice %arg5[%add3A_94, %dma_start3A_95] : memref<10016x128xf32, #tpu.memory_space<hbm>> -> memref<8x128xf32, #tpu.memory_space<hbm>>
        %dma_start3A_97 = arith.constant 4992 : i32
        %dma_start3A_98 = arith.constant 0 : i32
        %dma_start3A_99 = tpu.memref_slice %arg12[%dma_start3A_97, %dma_start3A_98] : memref<5008x128xf32, #tpu.memory_space<vmem_shared>> -> memref<8x128xf32, #tpu.memory_space<vmem_shared>>
        tpu.enqueue_dma source(%dma_start3A_99 : memref<8x128xf32, #tpu.memory_space<vmem_shared>>) target(%dma_start3A_96 : memref<8x128xf32, #tpu.memory_space<hbm>>) target_semaphore(%run_scoped3A : memref<!tpu.dma_semaphore, #tpu.memory_space<semaphore_mem>>)
        %dma_wait3A = arith.constant 0 : i32
        %dma_wait3A_100 = tpu.memref_slice %arg5[%add3A_94, %dma_wait3A] : memref<10016x128xf32, #tpu.memory_space<hbm>> -> memref<8x128xf32, #tpu.memory_space<hbm>>
        %dma_wait3A_101 = arith.constant 4992 : i32
        %dma_wait3A_102 = arith.constant 0 : i32
        %dma_wait3A_103 = tpu.memref_slice %arg12[%dma_wait3A_101, %dma_wait3A_102] : memref<5008x128xf32, #tpu.memory_space<vmem_shared>> -> memref<8x128xf32, #tpu.memory_space<vmem_shared>>
        tpu.wait_dma2 semaphore(%run_scoped3A : memref<!tpu.dma_semaphore, #tpu.memory_space<semaphore_mem>>) src(%dma_wait3A_103 : memref<8x128xf32, #tpu.memory_space<vmem_shared>>) dst(%dma_wait3A_100 : memref<8x128xf32, #tpu.memory_space<hbm>>)
        tpu.yield
      }) : () -> ()
    } else {
    }
    return
  }
}

module attributes {stable_mosaic.version = 14 : i64} {
  func.func @_tc_layer_body(%arg0: i32, %arg1: memref<1000x128xf32, #tpu.memory_space<vmem>>, %arg2: memref<1000x128xf32, #tpu.memory_space<vmem>>, %arg3: memref<1000x16xf32, #tpu.memory_space<vmem>>, %arg4: memref<128x128xf32, #tpu.memory_space<vmem>>, %arg5: memref<128x128xf32, #tpu.memory_space<vmem>>, %arg6: memref<1x128xf32, #tpu.memory_space<vmem>>, %arg7: memref<1000x128xf32, #tpu.memory_space<vmem>>) attributes {dimension_semantics = [#tpu.dimension_semantics<arbitrary>], iteration_bounds = array<i64: 10>, scalar_prefetch = 0 : i64, scratch_operands = 0 : i64, tpu.core_type = #tpu.core_type<tc>, window_params = [{transform_indices = @transform_0, window_bounds = array<i64: 1000, 128>}, {transform_indices = @transform_1, window_bounds = array<i64: 1000, 128>}, {transform_indices = @transform_2, window_bounds = array<i64: 1000, 16>}, {pipeline_mode = #tpu.pipeline_mode<synchronous>, transform_indices = @transform_3, window_bounds = array<i64: 128, 128>}, {pipeline_mode = #tpu.pipeline_mode<synchronous>, transform_indices = @transform_4, window_bounds = array<i64: 128, 128>}, {pipeline_mode = #tpu.pipeline_mode<synchronous>, transform_indices = @transform_5, window_bounds = array<i64: 1, 128>}, {transform_indices = @transform_6, window_bounds = array<i64: 1000, 128>}]} {
    %get3A = arith.constant 0 : index
    %get3A_0 = arith.constant 0 : index
    %get3A_1 = vector.load %arg3[%get3A, %get3A_0] : memref<1000x16xf32, #tpu.memory_space<vmem>>, vector<1000x16xf32>
    %reduce_sum3A = arith.constant dense<0.000000e+00> : vector<1000xf32>
    %reduce_sum3A_2 = vector.multi_reduction <add>, %get3A_1, %reduce_sum3A [1] : vector<1000x16xf32> to vector<1000xf32>
    %broadcast_in_dim3A = vector.shape_cast %reduce_sum3A_2 : vector<1000xf32> to vector<1000x1xf32>
    %get3A_3 = arith.constant 0 : index
    %get3A_4 = arith.constant 0 : index
    %get3A_5 = vector.load %arg2[%get3A_3, %get3A_4] : memref<1000x128xf32, #tpu.memory_space<vmem>>, vector<1000x128xf32>
    %max3A = arith.constant 1.000000e+00 : f32
    %max3A_6 = vector.broadcast %max3A : f32 to vector<1000x1xf32>
    %max3A_7 = arith.maximumf %broadcast_in_dim3A, %max3A_6 : vector<1000x1xf32>
    %div3A = vector.broadcast %max3A_7 : vector<1000x1xf32> to vector<1000x128xf32>
    %div3A_8 = arith.divf %get3A_5, %div3A : vector<1000x128xf32>
    %get3A_9 = arith.constant 0 : index
    %get3A_10 = arith.constant 0 : index
    %get3A_11 = vector.load %arg1[%get3A_9, %get3A_10] : memref<1000x128xf32, #tpu.memory_space<vmem>>, vector<1000x128xf32>
    %get3A_12 = arith.constant 0 : index
    %get3A_13 = arith.constant 0 : index
    %get3A_14 = vector.load %arg4[%get3A_12, %get3A_13] : memref<128x128xf32, #tpu.memory_space<vmem>>, vector<128x128xf32>
    %dot_general3A = arith.constant dense<0.000000e+00> : vector<1000x128xf32>
    %dot_general3A_15 = tpu.matmul %get3A_11, %get3A_14, %dot_general3A {dimension_numbers = #tpu.dot_dimension_numbers<[1], [0], [0], [1], [0, 0, 1, 1], [], []>, precision = #tpu.contract_precision<fp32>, transpose_lhs_hint = false} : vector<1000x128xf32>, vector<128x128xf32>, vector<1000x128xf32> -> vector<1000x128xf32>
    %get3A_16 = arith.constant 0 : index
    %get3A_17 = arith.constant 0 : index
    %get3A_18 = vector.load %arg5[%get3A_16, %get3A_17] : memref<128x128xf32, #tpu.memory_space<vmem>>, vector<128x128xf32>
    %dot_general3A_19 = arith.constant dense<0.000000e+00> : vector<1000x128xf32>
    %dot_general3A_20 = tpu.matmul %div3A_8, %get3A_18, %dot_general3A_19 {dimension_numbers = #tpu.dot_dimension_numbers<[1], [0], [0], [1], [0, 0, 1, 1], [], []>, precision = #tpu.contract_precision<fp32>, transpose_lhs_hint = false} : vector<1000x128xf32>, vector<128x128xf32>, vector<1000x128xf32> -> vector<1000x128xf32>
    %add3A = arith.addf %dot_general3A_15, %dot_general3A_20 : vector<1000x128xf32>
    %get3A_21 = arith.constant 0 : index
    %get3A_22 = arith.constant 0 : index
    %get3A_23 = vector.load %arg6[%get3A_21, %get3A_22] : memref<1x128xf32, #tpu.memory_space<vmem>>, vector<1x128xf32>
    %add3A_24 = vector.broadcast %get3A_23 : vector<1x128xf32> to vector<1000x128xf32>
    %add3A_25 = arith.addf %add3A, %add3A_24 : vector<1000x128xf32>
    %logistic3A = arith.negf %add3A_25 : vector<1000x128xf32>
    %logistic3A_26 = math.exp %logistic3A : vector<1000x128xf32>
    %logistic3A_27 = arith.constant 1.000000e+00 : f32
    %logistic3A_28 = vector.broadcast %logistic3A_27 : f32 to vector<1000x128xf32>
    %logistic3A_29 = arith.addf %logistic3A_28, %logistic3A_26 : vector<1000x128xf32>
    %logistic3A_30 = arith.divf %logistic3A_28, %logistic3A_29 : vector<1000x128xf32>
    %swap3A = arith.constant 0 : index
    %swap3A_31 = arith.constant 0 : index
    %swap3A_32 = vector.load %arg7[%swap3A, %swap3A_31] : memref<1000x128xf32, #tpu.memory_space<vmem>>, vector<1000x128xf32>
    tpu.vector_store %arg7[%swap3A, %swap3A_31], %logistic3A_30 {strides = array<i32>} : memref<1000x128xf32, #tpu.memory_space<vmem>>, vector<1000x128xf32>,
    return
  }
  func.func @transform_0(%arg0: i32) -> (i32, i32) {
    %c0_i32 = arith.constant 0 : i32
    %c0_i32_0 = arith.constant 0 : i32
    return %arg0, %c0_i32 : i32, i32
  }
  func.func @transform_1(%arg0: i32) -> (i32, i32) {
    %c0_i32 = arith.constant 0 : i32
    %c0_i32_0 = arith.constant 0 : i32
    return %arg0, %c0_i32 : i32, i32
  }
  func.func @transform_2(%arg0: i32) -> (i32, i32) {
    %c0_i32 = arith.constant 0 : i32
    %c0_i32_0 = arith.constant 0 : i32
    return %arg0, %c0_i32 : i32, i32
  }
  func.func @transform_3(%arg0: i32) -> (i32, i32) {
    %c0_i32 = arith.constant 0 : i32
    %c0_i32_0 = arith.constant 0 : i32
    %c0_i32_1 = arith.constant 0 : i32
    return %c0_i32, %c0_i32_0 : i32, i32
  }
  func.func @transform_4(%arg0: i32) -> (i32, i32) {
    %c0_i32 = arith.constant 0 : i32
    %c0_i32_0 = arith.constant 0 : i32
    %c0_i32_1 = arith.constant 0 : i32
    return %c0_i32, %c0_i32_0 : i32, i32
  }
  func.func @transform_5(%arg0: i32) -> (i32, i32) {
    %c0_i32 = arith.constant 0 : i32
    %c0_i32_0 = arith.constant 0 : i32
    %c0_i32_1 = arith.constant 0 : i32
    return %c0_i32, %c0_i32_0 : i32, i32
  }
  func.func @transform_6(%arg0: i32) -> (i32, i32) {
    %c0_i32 = arith.constant 0 : i32
    %c0_i32_0 = arith.constant 0 : i32
    return %arg0, %c0_i32 : i32, i32
  }
}

module attributes {stable_mosaic.version = 14 : i64} {
  func.func @_tc_layer_body(%arg0: i32, %arg1: memref<1000x128xf32, #tpu.memory_space<vmem>>, %arg2: memref<1000x128xf32, #tpu.memory_space<vmem>>, %arg3: memref<1000x16xf32, #tpu.memory_space<vmem>>, %arg4: memref<128x128xf32, #tpu.memory_space<vmem>>, %arg5: memref<128x128xf32, #tpu.memory_space<vmem>>, %arg6: memref<1x128xf32, #tpu.memory_space<vmem>>, %arg7: memref<1000x128xf32, #tpu.memory_space<vmem>>) attributes {dimension_semantics = [#tpu.dimension_semantics<arbitrary>], iteration_bounds = array<i64: 10>, scalar_prefetch = 0 : i64, scratch_operands = 0 : i64, tpu.core_type = #tpu.core_type<tc>, window_params = [{transform_indices = @transform_0, window_bounds = array<i64: 1000, 128>}, {transform_indices = @transform_1, window_bounds = array<i64: 1000, 128>}, {transform_indices = @transform_2, window_bounds = array<i64: 1000, 16>}, {pipeline_mode = #tpu.pipeline_mode<synchronous>, transform_indices = @transform_3, window_bounds = array<i64: 128, 128>}, {pipeline_mode = #tpu.pipeline_mode<synchronous>, transform_indices = @transform_4, window_bounds = array<i64: 128, 128>}, {pipeline_mode = #tpu.pipeline_mode<synchronous>, transform_indices = @transform_5, window_bounds = array<i64: 1, 128>}, {transform_indices = @transform_6, window_bounds = array<i64: 1000, 128>}]} {
    %get3A = arith.constant 0 : index
    %get3A_0 = arith.constant 0 : index
    %get3A_1 = vector.load %arg3[%get3A, %get3A_0] : memref<1000x16xf32, #tpu.memory_space<vmem>>, vector<1000x16xf32>
    %reduce_sum3A = arith.constant dense<0.000000e+00> : vector<1000xf32>
    %reduce_sum3A_2 = vector.multi_reduction <add>, %get3A_1, %reduce_sum3A [1] : vector<1000x16xf32> to vector<1000xf32>
    %broadcast_in_dim3A = vector.shape_cast %reduce_sum3A_2 : vector<1000xf32> to vector<1000x1xf32>
    %get3A_3 = arith.constant 0 : index
    %get3A_4 = arith.constant 0 : index
    %get3A_5 = vector.load %arg2[%get3A_3, %get3A_4] : memref<1000x128xf32, #tpu.memory_space<vmem>>, vector<1000x128xf32>
    %max3A = arith.constant 1.000000e+00 : f32
    %max3A_6 = vector.broadcast %max3A : f32 to vector<1000x1xf32>
    %max3A_7 = arith.maximumf %broadcast_in_dim3A, %max3A_6 : vector<1000x1xf32>
    %div3A = vector.broadcast %max3A_7 : vector<1000x1xf32> to vector<1000x128xf32>
    %div3A_8 = arith.divf %get3A_5, %div3A : vector<1000x128xf32>
    %get3A_9 = arith.constant 0 : index
    %get3A_10 = arith.constant 0 : index
    %get3A_11 = vector.load %arg1[%get3A_9, %get3A_10] : memref<1000x128xf32, #tpu.memory_space<vmem>>, vector<1000x128xf32>
    %get3A_12 = arith.constant 0 : index
    %get3A_13 = arith.constant 0 : index
    %get3A_14 = vector.load %arg4[%get3A_12, %get3A_13] : memref<128x128xf32, #tpu.memory_space<vmem>>, vector<128x128xf32>
    %dot_general3A = arith.constant dense<0.000000e+00> : vector<1000x128xf32>
    %dot_general3A_15 = tpu.matmul %get3A_11, %get3A_14, %dot_general3A {dimension_numbers = #tpu.dot_dimension_numbers<[1], [0], [0], [1], [0, 0, 1, 1], [], []>, precision = #tpu.contract_precision<fp32>, transpose_lhs_hint = false} : vector<1000x128xf32>, vector<128x128xf32>, vector<1000x128xf32> -> vector<1000x128xf32>
    %get3A_16 = arith.constant 0 : index
    %get3A_17 = arith.constant 0 : index
    %get3A_18 = vector.load %arg5[%get3A_16, %get3A_17] : memref<128x128xf32, #tpu.memory_space<vmem>>, vector<128x128xf32>
    %dot_general3A_19 = arith.constant dense<0.000000e+00> : vector<1000x128xf32>
    %dot_general3A_20 = tpu.matmul %div3A_8, %get3A_18, %dot_general3A_19 {dimension_numbers = #tpu.dot_dimension_numbers<[1], [0], [0], [1], [0, 0, 1, 1], [], []>, precision = #tpu.contract_precision<fp32>, transpose_lhs_hint = false} : vector<1000x128xf32>, vector<128x128xf32>, vector<1000x128xf32> -> vector<1000x128xf32>
    %add3A = arith.addf %dot_general3A_15, %dot_general3A_20 : vector<1000x128xf32>
    %get3A_21 = arith.constant 0 : index
    %get3A_22 = arith.constant 0 : index
    %get3A_23 = vector.load %arg6[%get3A_21, %get3A_22] : memref<1x128xf32, #tpu.memory_space<vmem>>, vector<1x128xf32>
    %add3A_24 = vector.broadcast %get3A_23 : vector<1x128xf32> to vector<1000x128xf32>
    %add3A_25 = arith.addf %add3A, %add3A_24 : vector<1000x128xf32>
    %logistic3A = arith.negf %add3A_25 : vector<1000x128xf32>
    %logistic3A_26 = math.exp %logistic3A : vector<1000x128xf32>
    %logistic3A_27 = arith.constant 1.000000e+00 : f32
    %logistic3A_28 = vector.broadcast %logistic3A_27 : f32 to vector<1000x128xf32>
    %logistic3A_29 = arith.addf %logistic3A_28, %logistic3A_26 : vector<1000x128xf32>
    %logistic3A_30 = arith.divf %logistic3A_28, %logistic3A_29 : vector<1000x128xf32>
    %swap3A = arith.constant 0 : index
    %swap3A_31 = arith.constant 0 : index
    %swap3A_32 = vector.load %arg7[%swap3A, %swap3A_31] : memref<1000x128xf32, #tpu.memory_space<vmem>>, vector<1000x128xf32>
    tpu.vector_store %arg7[%swap3A, %swap3A_31], %logistic3A_30 {strides = array<i32>} : memref<1000x128xf32, #tpu.memory_space<vmem>>, vector<1000x128xf32>,
    return
  }
  func.func @transform_0(%arg0: i32) -> (i32, i32) {
    %c0_i32 = arith.constant 0 : i32
    %c0_i32_0 = arith.constant 0 : i32
    return %arg0, %c0_i32 : i32, i32
  }
  func.func @transform_1(%arg0: i32) -> (i32, i32) {
    %c0_i32 = arith.constant 0 : i32
    %c0_i32_0 = arith.constant 0 : i32
    return %arg0, %c0_i32 : i32, i32
  }
  func.func @transform_2(%arg0: i32) -> (i32, i32) {
    %c0_i32 = arith.constant 0 : i32
    %c0_i32_0 = arith.constant 0 : i32
    return %arg0, %c0_i32 : i32, i32
  }
  func.func @transform_3(%arg0: i32) -> (i32, i32) {
    %c0_i32 = arith.constant 0 : i32
    %c0_i32_0 = arith.constant 0 : i32
    %c0_i32_1 = arith.constant 0 : i32
    return %c0_i32, %c0_i32_0 : i32, i32
  }
  func.func @transform_4(%arg0: i32) -> (i32, i32) {
    %c0_i32 = arith.constant 0 : i32
    %c0_i32_0 = arith.constant 0 : i32
    %c0_i32_1 = arith.constant 0 : i32
    return %c0_i32, %c0_i32_0 : i32, i32
  }
  func.func @transform_5(%arg0: i32) -> (i32, i32) {
    %c0_i32 = arith.constant 0 : i32
    %c0_i32_0 = arith.constant 0 : i32
    %c0_i32_1 = arith.constant 0 : i32
    return %c0_i32, %c0_i32_0 : i32, i32
  }
  func.func @transform_6(%arg0: i32) -> (i32, i32) {
    %c0_i32 = arith.constant 0 : i32
    %c0_i32_0 = arith.constant 0 : i32
    return %arg0, %c0_i32 : i32, i32
  }
}

</mosaic_0001>

<sc_bundles>
// kernel: kernel.6.cloned.1.call-start
scs
__scs_entry_jumppad:
0x0: {  	(pc) =	sbr.rel $0x88, $3  }
0x1: {  	(tag) =	ssettag $0x0;
	lr =	simm.s32 $0x1  }
0x2: {  	[smem:$0x3F99] =	sst lr;
	_ =	strace $0xD0000000  }
0x3: {  	_ = 	snop  }
0x4: {  	_ = 	snop  }
0x5: {  	_ = 	snop  }
0x6: {  	_ = 	snop  }
0x7: {  	_ = 	snop  }
__scs_overlays_trampoline_lowered:
0x8: {  	[smem:$0x3FA8] =	sst s0  }
0x9: {  	[smem:$0x3FA9] =	sst s1  }
0xa: {  	[smem:$0x3FAA] =	sst s2  }
0xb: {  	[smem:$0x3FAB] =	sst s3  }
0xc: {  	[smem:$0x3FAC] =	sst s4  }
0xd: {  	[smem:$0x3FAD] =	sst s5  }
0xe: {  	[smem:$0x3FAE] =	sst s6  }
0xf: {  	[smem:$0x3FAF] =	sst s7  }
0x10: {  	[smem:$0x3FB0] =	sst s8  }
0x11: {  	[smem:$0x3FB1] =	sst s9;
	s0 =	simm.s32 @!p0 $0x0  }
0x12: {  	s1 =	sld [smem:$0x3F97];
	s0 =	simm.s32 @p0 $0x1  }
0x13: {  	[smem:$0x3FB2] =	sst s0;
	s0 =	simm.s32 @!p1 $0x0  }
0x14: {  	s2 =	sld [smem:$0x3F96];
	s0 =	simm.s32 @p1 $0x1  }
0x15: {  	[smem:$0x3FB3] =	sst s0;
	s0 =	simm.s32 @!p2 $0x0  }
0x16: {  	s3 =	sld [smem:$0x3FDB];
	s0 =	simm.s32 @p2 $0x1  }
0x17: {  	s4 =	simm.s32 $0x1BF5;
	[smem:$0x3FB5] =	sst s0  }
0x18: {  	s0 =	sld [smem:$0x3F98];
	_ =	swait.ge [sflag:s4], $0x0  }
0x19: {  	s7 =	sld [smem:$0x3F99]  }
0x1a: {  	s8 =	sadd.s32 $0xFFFFE003, lr  }
0x1b: {  	s9 =	sadd.s32 $0xFFFFFEF7, lr;
	s5 =	simm.s32 $0xFFFFFFFF;
	p2 =	slt.u32 s8, $0xFFFFF086  }
0x1c: {  	p1 =	slt.u32 s9, $0xF7A;
	s5 =	simm.s32 @!p2 $0x0  }
0x1d: {  	s5 =	simm.s32 @p1 $0x1;
	p0 =	seq.s32 s7, s2  }
0x1e: {  	s7 =	smul.u32 @!p0 $0xF7A, s2;
	p2 =	seq.s32 @!p0 s5, $0x0  }
0x1f: {  	s9 =	smul.u32 $0xF7A, s1;
	s8 =	simm.s32 @!p0 $0x1BF5;
	p2 =	por !p2, p0  }
0x20: {  	[sflag:s8] =	ssyncset.s32 @!p0 $0xFFFFF086;
	s6 =	sadd.s32 @!p0 s3, s7;
	s7 =	simm.s32 @!p0 $0x108  }
0x21: {  	s3 =	sadd.s32 s3, s9;
	s6 =	sadd.s32 @!p0 $0x88, s6;
	s7 =	simm.s32 @p2 $0x1082  }
0x22: {  	[simem:s7], [sflag:s8] =	dma.local @!p0 [hbm:s6], $0xF7A  }
0x23: {  	s9 =	sor.u32 $0xD0000000, s2;
	s6 =	simm.s32 $0x108;
	_ =	swait.ge @!p0 [sflag:s8], $0x0  }
0x24: {  	s3 =	sadd.s32 $0x88, s3;
	s6 =	simm.s32 @!p1 $0x1082;
	[sflag:s4] =	ssyncset.s32 $0xFFFFF086  }
0x25: {  	[simem:s6], [sflag:s4] =	dma.local [hbm:s3], $0xF7A  }
0x26: {  	[smem:$0x3F99] =	sst s1;
	(tag) =	ssettag s2;
	_ =	strace s9  }
0x27: {  	s1 =	sld [smem:$0x3FA9]  }
0x28: {  	s2 =	sld [smem:$0x3FAA]  }
0x29: {  	s4 =	sld [smem:$0x3FAC]  }
0x2a: {  	p0 =	seq.s32 s5, $0x0;
	s5 =	sld [smem:$0x3FAD]  }
0x2b: {  	s6 =	sld [smem:$0x3FAE]  }
0x2c: {  	s7 =	sld [smem:$0x3FAF]  }
0x2d: {  	s3 =	simm.s32 $0x108;
	s8 =	sld [smem:$0x3FB0]  }
0x2e: {  	s3 =	simm.s32 @!p0 $0x1082;
	s9 =	sld [smem:$0x3FB1]  }
0x2f: {  	lr =	sadd.s32 s0, s3;
	s0 =	sld [smem:$0x3FA8]  }
0x30: {  	s3 =	sld [smem:$0x3FAB]  }
0x31: {  	[smem:$0x3FB4] =	sst s10  }
0x32: {  	s10 =	sld [smem:$0x3FB2];
	_ =	sdelay $0x3  }
0x33: {  	p0 =	seq.s32 s10, $0x1;
	s10 =	sld [smem:$0x3FB4];
	_ =	sdelay $0x3  }
0x34: {  	[smem:$0x3FB4] =	sst s10  }
0x35: {  	s10 =	sld [smem:$0x3FB3];
	_ =	sdelay $0x3  }
0x36: {  	p1 =	seq.s32 s10, $0x1;
	s10 =	sld [smem:$0x3FB4];
	_ =	sdelay $0x3  }
0x37: {  	[smem:$0x3FB4] =	sst s10  }
0x38: {  	s10 =	sld [smem:$0x3FB5]  }
0x39: {  	_ = 	snop;
	(pc) =	sbr.ind lr, $3  }
0x3a: {  	_ = 	snop  }
0x3b: {  	_ = 	snop  }
0x3c: {  	p2 =	seq.s32 s10, $0x1;
	s10 =	sld [smem:$0x3FB4]  }
0x3d: {  	_ =	shalt  }
0x3e: {  	_ =	shalt  }
0x3f: {  	_ =	shalt  }
0x40: {  	_ =	shalt  }
0x41: {  	_ =	shalt  }
0x42: {  	_ =	shalt  }
0x43: {  	_ =	shalt  }
0x44: {  	_ =	shalt  }
0x45: {  	_ =	shalt  }
0x46: {  	_ =	shalt  }
0x47: {  	_ =	shalt  }
0x48: {  	_ =	shalt  }
0x49: {  	_ =	shalt  }
0x4a: {  	_ =	shalt  }
0x4b: {  	_ =	shalt  }
0x4c: {  	_ =	shalt  }
0x4d: {  	_ =	shalt  }
0x4e: {  	_ =	shalt  }
0x4f: {  	_ =	shalt  }
0x50: {  	_ =	shalt  }
0x51: {  	_ =	shalt  }
0x52: {  	_ =	shalt  }
0x53: {  	_ =	shalt  }
0x54: {  	_ =	shalt  }
0x55: {  	_ =	shalt  }
0x56: {  	_ =	shalt  }
0x57: {  	_ =	shalt  }
0x58: {  	_ =	shalt  }
0x59: {  	_ =	shalt  }
0x5a: {  	_ =	shalt  }
0x5b: {  	_ =	shalt  }
0x5c: {  	_ =	shalt  }
0x5d: {  	_ =	shalt  }
0x5e: {  	_ =	shalt  }
0x5f: {  	_ =	shalt  }
0x60: {  	_ =	shalt  }
0x61: {  	_ =	shalt  }
0x62: {  	_ =	shalt  }
0x63: {  	_ =	shalt  }
0x64: {  	_ =	shalt  }
0x65: {  	_ =	shalt  }
0x66: {  	_ =	shalt  }
0x67: {  	_ =	shalt  }
0x68: {  	_ =	shalt  }
0x69: {  	_ =	shalt  }
0x6a: {  	_ =	shalt  }
0x6b: {  	_ =	shalt  }
0x6c: {  	_ =	shalt  }
0x6d: {  	_ =	shalt  }
0x6e: {  	_ =	shalt  }
0x6f: {  	_ =	shalt  }
0x70: {  	_ =	shalt  }
0x71: {  	_ =	shalt  }
0x72: {  	_ =	shalt  }
0x73: {  	_ =	shalt  }
0x74: {  	_ =	shalt  }
0x75: {  	_ =	shalt  }
0x76: {  	_ =	shalt  }
0x77: {  	_ =	shalt  }
0x78: {  	_ =	shalt  }
0x79: {  	_ =	shalt  }
0x7a: {  	_ =	shalt  }
0x7b: {  	_ =	shalt  }
0x7c: {  	_ =	shalt  }
0x7d: {  	_ =	shalt  }
0x7e: {  	_ =	shalt  }
0x7f: {  	_ =	shalt  }
0x80: {  	_ =	shalt  }
0x81: {  	_ =	shalt  }
0x82: {  	_ =	shalt  }
0x83: {  	_ =	shalt  }
0x84: {  	_ =	shalt  }
0x85: {  	_ =	shalt  }
0x86: {  	_ =	shalt  }
0x87: {  	_ =	shalt  }
.Lfunc_end0:
.L_simem_size_0:
called_computation_lowered:
.L_overlay_start_0:
0x88: {  	s2 =	sld [smem:$0x3FD9]  }
0x89: {  	s3 =	sld [smem:$0x3FFE];
	_ =	sdelay $0x1  }
0x8a: {  	s1 =	srdreg.scid  }
0x8b: {  	s0 =	sand.u32 $0x1, s1  }
0x8c: {  	s17 =	sshll.u32 s0, $0xA;
	s2 =	sadd.s32 s3, s2  }
0x8d: {  	s2 =	sadd.s32 s2, s17  }
0x8e: {  	[smem:$0x3FC0] =	sst s2  }
0x8f: {  	_ = 	snop  }
0x90: {  	s2 =	sld [smem:$0x3FC9]  }
0x91: {  	s18 =	sld [smem:$0x3FD0];
	(tm) =	ssettm $0x1  }
0x92: {  	s4 =	sld [smem:$0x3FFB];
	_ =	sdelay $0x3  }
0x93: {  	_ =	strace s4  }
0x94: {  	s4 =	sld [smem:$0x3FFC];
	_ =	sdelay $0x3  }
0x95: {  	_ =	strace s4  }
0x96: {  	s4 =	sld [smem:$0x3FFD];
	_ =	sdelay $0x3  }
0x97: {  	_ =	strace s4  }
0x98: {  	_ =	strace $0x8FFFFFFF  }
0x99: {  	s19 =	sld [smem:$0x3FDB];
	_ =	sdelay $0x1  }
0x9a: {  	s5 =	simm.s32 $_scs_section_size  }
0x9b: {  	s6 =	simm.s32 $_size__tile_overlayer_lowered;
	s7 =	simm.s32 $_tile_overlayer_lowered  }
0x9c: {  	s22 =	simm.s32 $0x1BFF;
	s21 =	sshll.u32 s7, $0x1;
	s4 =	sadd.s32 s5, s19  }
0x9d: {  	s8 =	simm.s32 $0x0;
	s20 =	sshll.u32 s6, $0x1;
	s6 =	sadd.s32 s21, s4  }
0x9e: {  	[timem:s8], [sflag:s22] =	dma.local [hbm:s6], s20  }
0x9f: {  	_ =	swait.ge [sflag:s22], s20  }
0xa0: {  	s5 =	ssub.s32 $0x0, s20;
	[sflag:s22] =	ssyncset.done $0x0  }
0xa1: {  	[sflag:s22] =	ssyncadd.s32 s5;
	_ =	sdelay $0x1  }
0xa2: {  	s23 =	simm.s32 $0x1B8B  }
0xa3: {  	_ =	swait.ge [sflag:s23], $0x1  }
0xa4: {  	[sflag:s23] =	ssyncset.done $0x0  }
0xa5: {  	s25 =	simm.s32 $0x1B8E;
	s24 =	sld [smem:$0x3FFE];
	[sflag:s23] =	ssyncadd.s32 $0xFFFFFFFF  }
0xa6: {  	s26 =	simm.s32 $execute0_lowered;
	[smem:$0x3FD2] =	sst s25  }
0xa7: {  	s6 =	sshll.u32 s26, $0x1;
	_ =	strace $0x80000046;
	[dreg:$0x1] =	wrdreg $0xFFFFFFFF  }
0xa8: {  	s28 =	simm.s32 $_size_execute0_lowered;
	s4 =	sadd.s32 s4, s6;
	[dreg:$0x0] =	wrdreg $0x0  }
0xa9: {  	s6 =	sshll.u32 s28, $0x1;
	[dreg:$0x2] =	wrdreg s4  }
0xaa: {  	[dreg:$0x3] =	wrdreg s6  }
0xab: {  	[dreg:$0x4] =	wrdreg $0xC0  }
0xac: {  	_ =	task [dreg:s8], $0x5FFFF  }
0xad: {  	[dreg:$0x1] =	wrdreg $0xFFFFFFFF  }
0xae: {  	[dreg:$0x0] =	wrdreg $0x60  }
0xaf: {  	[dreg:$0x2] =	wrdreg s2  }
0xb0: {  	[dreg:$0x3] =	wrdreg s24  }
0xb1: {  	[dreg:$0x4] =	wrdreg s18  }
0xb2: {  	[dreg:$0x5] =	wrdreg $0x15A000  }
0xb3: {  	[dreg:$0x6] =	wrdreg $0x9  }
0xb4: {  	_ =	task.clear_ibuf [dreg:s8], $0x7FFFF;
	_ =	strace $0x90000046  }
0xb5: {  	s29 =	simm.s32 $0x9;
	_ =	strace $0x80000048  }
0xb6: {  	_ =	swait.ge [sflag:s29], $0x1  }
0xb7: {  	[sflag:s29] =	ssyncadd.s32 $0xFFFFFFFF  }
0xb8: {  	_ =	strace $0x90000048  }
0xb9: {  	_ =	sfence  }
0xba: {  	s30 =	sld [smem:$0x0];
	_ =	sdelay $0x2  }
0xbb: {  	s31 =	sshll.u32 s1, $0xD;
	s1 =	sshrl.u32 s1, $0x2  }
0xbc: {  	s3 =	sand.u32 $0x4000, s31;
	s1 =	sadd.s32 s1, s30  }
0xbd: {  	s0 =	sor.u32 s3, s0;
	s1 =	sshll.u32 s1, $0x11  }
0xbe: {  	s0 =	sor.u32 s1, s0  }
0xbf: {  	s0 =	sadd.s32 $0x8F2B, s0  }
0xc0: {  	[sflag:s0] =	ssyncadd.remote.s32 $0x1  }
0xc1: {  	_ =	sfence.sel $0xFFFF  }
0xc2: {  	[dreg:$0x0] =	wrdreg $0xFFFFFFFF;
	(pc) =	sbr.abs _section_cstart, $3  }
0xc3: {  	[dreg:$0x1] =	wrdreg $0xFFFFFFFF  }
0xc4: {  	_ =	task.clear_ibuf [dreg:s8], $0x2FFFF;
	_ =	strace $0x9FFFFFFF  }
0xc5: {  	(tm) =	ssettm $0x7FFFFFFF  }
tec
execute0_lowered:
.L_overlay_start_1:
0x0: {  	(tag) =	ssettag $0x1  }
0x1: {  	s1 =	rddreg [dreg:$0x0]  }
0x2: {  	s0 =	rddreg [dreg:$0x1]  }
0x3: {  	s5 =	rddreg [dreg:$0x2]  }
0x4: {  	s2 =	rddreg [dreg:$0x3];
	s3 =	simm.s32 $0x0  }
0x5: {  	s7 =	srdreg.scid;
	s25 =	stileid.u32;
	s30 =	simm.s32 $0xF200  }
0x6: {  	s31 =	simm.s32 $0x11200;
	[smem:$0x7FF] =	sst s3;
	s23 =	smul.u32 $0x27200, s25  }
0x7: {  	s4 =	sadd.s32 $0xC000, s0;
	s6 =	sadd.s32 $0x2000, s0;
	s12 =	smul.u32 $0x138, s25  }
0x8: {  	s8 =	sand.u32 $0x1, s7;
	s0 =	sadd.s32 $0x16000, s0;
	s13 =	smul.u32 $0x27000, s25  }
0x9: {  	s19 =	sshrl.u32 s25, $0x3;
	p0 =	sne.s32 s25, $0x0;
	s11 =	smul.u32 $0x1388, s8  }
0xa: {  	_ =	strace $0x80000047;
	s9 =	ssub.s32 $0x2, s8;
	s18 =	smul.u32 $0x9C400, s8  }
0xb: {  	p1 =	sne.s32 s8, $0x0;
	s10 =	sshrl.u32 s9, $0x1;
	s7 =	sshrl.u32 s23, $0x2  }
0xc: {  	s13 =	sshrl.u32 s13, $0x2;
	s15 =	sadd.s32 $0x80, s12;
	s9 =	ssub.s32 s9, s10  }
0xd: {  	s7 =	sadd.s32 s7, s2;
	s10 =	smul.u32 $0x5000, s25;
	s14 =	sadd.s32 s12, s11  }
0xe: {  	s21 =	sadd.s32 s13, s2;
	s29 =	sadd.s32 s11, s15;
	s15 =	sshll.u32 s15, $0x7  }
0xf: {  	s12 =	sadd.s32 $0x100, s12;
	s20 =	sshrl.u32 s18, $0x3;
	s18 =	simm.s32 $0x3  }
0x10: {  	s24 =	sadd.s32 $0x4000, s7;
	s26 =	sadd.s32 $0x8000, s7;
	s28 =	sshll.u32 s14, $0x4  }
0x11: {  	s14 =	sshll.u32 s29, $0x4;
	s22 =	sadd.s32 s15, s2;
	s17 =	sshll.u32 s12, $0x7  }
0x12: {  	s12 =	sadd.s32 s11, s12;
	s15 =	smul.u32 $0x14000, s19;
	[dreg:$0x5] =	wrdreg s24  }
0x13: {  	s19 =	simm.s32 $0x800;
	s21 =	sshrl.u32 s21, $0x3;
	[dreg:$0x6] =	wrdreg s26  }
0x14: {  	s13 =	sadd.s32 s0, s28;
	s16 =	sadd.s32 s0, s14;
	s23 =	sadd.s32 s17, s2  }
0x15: {  	s12 =	sshll.u32 s12, $0x4;
	s24 =	sadd.s32 $0x9C000, s2;
	[dreg:$0x7] =	wrdreg s13  }
0x16: {  	s17 =	simm.s32 $0xB200;
	s22 =	sshrl.u32 s22, $0x3;
	[dreg:$0x8] =	wrdreg s16  }
0x17: {  	s16 =	sshll.u32 s25, $0x7;
	s12 =	sadd.s32 s0, s12;
	s0 =	sadd.s32 s0, s20  }
0x18: {  	s20 =	simm.s32 $0x1;
	s23 =	sshrl.u32 s23, $0x3;
	s16 =	sand.u32 $0x380, s16  }
0x19: {  	s24 =	sshrl.u32 @!p0 s24, $0x3;
	s25 =	simm.s32 $0x40;
	s26 =	sor.u32 s16, s15  }
0x1a: {  	[dreg:$0x9] =	wrdreg s12;
	s0 =	sadd.s32 $0x13800, s0;
	s28 =	sshrl.u32 s26, $0x3  }
0x1b: {  	v1 =	vimm.f32 $0.0e+00;
	[dreg:$0xa] =	wrdreg s0;
	s16 =	smax.u32 s9, $0x1;
	s29 =	sadd.s32 s5, s28  }
0x1c: {  	v2 =	vimm.s32 $0x0;
	v3 =	vimm.s32 $0x1388;
	v0 =	vmov s11;
	s0 =	simm.s32 $0x80;
	s26 =	simm.s32 $0x2;
	[dreg:$0xb] =	wrdreg s29  }
.LBB2_1:
0x1d: {  	s5 =	simm.s32 $0x0;
	s8 =	simm.s32 $0x200  }
.LBB2_2:
0x1e: {  	p2 =	sne.s32 s8, $0xFE00;
	[tilespmem:s5+$0xB270] =	vst v1  }
0x1f: {  	[tilespmem:s5+$0xB200] =	vst v1  }
0x20: {  	[tilespmem:s5+$0xB210] =	vst v1  }
.Ltmp0:
0x21: {  	[tilespmem:s5+$0xB220] =	vst v1;
	(pc) =	sbr.rel @p2 .LBB2_2-.Ltmp0, $4  }
0x22: {  	[tilespmem:s5+$0xB230] =	vst v1  }
0x23: {  	[tilespmem:s5+$0xB240] =	vst v1  }
0x24: {  	[tilespmem:s5+$0xB250] =	vst v1  }
0x25: {  	[tilespmem:s5+$0xB260] =	vst v1;
	s5 =	sshra.s32 s8, $0x2;
	s8 =	sadd.s32 $0x200, s8  }
0x26: {  	[tilespmem:s5+$0xB270] =	vst v1  }
0x27: {  	[tilespmem:s5+$0xB200] =	vst v1  }
0x28: {  	[tilespmem:s5+$0xB210] =	vst v1  }
.Ltmp1:
0x29: {  	[tilespmem:s5+$0xB220] =	vst v1;
	(pc) =	sbr.rel @p1 .LBB2_7-.Ltmp1, $4  }
0x2a: {  	[tilespmem:s5+$0xB230] =	vst v1  }
0x2b: {  	[tilespmem:s5+$0xB240] =	vst v1  }
0x2c: {  	[tilespmem:s5+$0xB250] =	vst v1  }
0x2d: {  	[tilespmem:s5+$0xB260] =	vst v1;
	s28 =	simm.s32 $0x0  }
0x2e: {  	s5 =	simm.s32 $0x40;
	s8 =	simm.s32 $0x0  }
.LBB2_5:
0x2f: {  	p2 =	sne.s32 s5, $0x9FC0;
	[tilespmem:s8+$0x13200] =	vst v1;
	s8 =	smov.u32 s5;
	s5 =	sadd.s32 $0x40, s5  }
.Ltmp2:
0x30: {  	(pc) =	sbr.rel @p2 .LBB2_5-.Ltmp2, $2  }
0x31: {  	_ =	sdelay $0x2  }
0x32: {  	s8 =	sshra.s32 s8, $0x2  }
0x33: {  	[tilespmem:s8+$0x13200] =	vst v1  }
.LBB2_7:
0x34: {  	[spmem:s7] =	stream.linear.scatter [tilespmem:s17], [sflag:$0x3], $0x4000, $0x38;
	[tilespmem:$0x1F680] =	vst v63  }
0x35: {  	_ =	swait.ge [sflag:s18], $0x4000  }
0x36: {  	[sflag:s18] =	ssyncset.done $0x0  }
0x37: {  	s5 =	rddreg [dreg:$0x5];
	[sflag:s18] =	ssyncadd.s32 $0xFFFFC000  }
0x38: {  	[spmem:s5] =	stream.linear.scatter [tilespmem:s17], [sflag:$0x3], $0x4000, $0x38;
	[tilespmem:$0x1F680] =	vst v63  }
0x39: {  	_ =	swait.ge [sflag:s18], $0x4000  }
0x3a: {  	[sflag:s18] =	ssyncset.done $0x0  }
0x3b: {  	s15 =	rddreg [dreg:$0x6];
	[sflag:s18] =	ssyncadd.s32 $0xFFFFC000  }
0x3c: {  	[spmem:s15] =	stream.linear.scatter [tilespmem:s17], [sflag:$0x3], $0x1C80, $0x38;
	[tilespmem:$0x1F680] =	vst v63  }
0x3d: {  	_ =	swait.ge [sflag:s18], $0x1C80  }
0x3e: {  	[sflag:s18] =	ssyncset.done $0x0  }
0x3f: {  	s9 =	simm.s32 $0x0;
	s29 =	simm.s32 $0x0;
	[sflag:s18] =	ssyncadd.s32 $0xFFFFE380  }
.LBB2_8:
0x40: {  	s5 =	sshll.u32 s29, $0xB  }
0x41: {  	s5 =	sadd.s32 s10, s5  }
0x42: {  	s5 =	sshrl.u32 s5, $0x3  }
0x43: {  	s8 =	sadd.s32 s4, s5  }
0x44: {  	[tilespmem:s28], [sflag:$0x3] =	stream.linear.gather [hbm4b:s8+s28], $0x800, $0x38;
	[tilespmem:$0x1F680] =	vst v63  }
0x45: {  	_ =	swait.ge [sflag:s18], $0x800  }
0x46: {  	[sflag:s18] =	ssyncset.done $0x0  }
0x47: {  	s5 =	sadd.s32 s6, s5;
	[sflag:s18] =	ssyncadd.s32 $0xFFFFF800  }
0x48: {  	[tilespmem:s19], [sflag:$0x3] =	stream.linear.gather [hbm4b:s5+s28], $0x800, $0x38;
	[tilespmem:$0x1F680] =	vst v63  }
0x49: {  	_ =	swait.ge [sflag:s18], $0x800  }
0x4a: {  	[sflag:s18] =	ssyncset.done $0x0  }
0x4b: {  	s8 =	simm.s32 $0x0;
	[sflag:s18] =	ssyncadd.s32 $0xFFFFF800  }
0x4c: {  	v5 =	vld [tilespmem:s8+$0x800];
	_ =	sdelay $0x4  }
0x4d: {  	v6 =	vld [tilespmem:s8+$0x0];
	v7 =	vsub.s32 v5, v0  }
0x4e: {  	vm0 =	vlt.u32 v7, $0x1388  }
0x4f: {  	v4 =	vimm.f32 @!p1 $1.000000000e+00;
	s5 =	simm.s32 @!p1 $0x13200;
	v8 =	vsel vm0, $0x1, v2  }
0x50: {  	[tilespmem:v5+s5+$0x0] =	vst.idx.add.f32.msk @!p1 $0xffff, v4;
	(xrf0) =	vadd.scan.msk.s32 $0xffff, v8  }
0x51: {  	[tilespmem:s9+$0x6100] =	vst.msk vm0, v7  }
0x52: {  	[tilespmem:s9+$0x1000] =	vst.msk vm0, v6  }
0x53: {  	v5 =	vld [tilespmem:s8+$0x810];
	_ =	sdelay $0x2  }
0x54: {  	v6, _, _ =	vpop (xrf0)  }
0x55: {  	(v2sf) =	vpush v6, $0xF  }
0x56: {  	v6 =	vsub.s32 v5, v0  }
0x57: {  	vm0 =	vlt.u32 v6, $0x1388  }
0x58: {  	v7 =	vsel vm0, $0x1, v2  }
0x59: {  	(xrf0) =	vadd.scan.msk.s32 $0xffff, v7;
	_ =	sdelay $0x5  }
0x5a: {  	v7, _, _ =	vpop (xrf0)  }
0x5b: {  	(v2sf) =	vpush v7, $0xF;
	_ =	sdelay $0x1  }
0x5c: {  	v7 =	vld [tilespmem:s8+$0x10];
	_ =	sdelay $0x1  }
0x5d: {  	s11 =	spop (v2sf)  }
0x5e: {  	[tilespmem:v5+s5+$0x0] =	vst.idx.add.f32.msk @!p1 $0xffff, v4;
	s13 =	sadd.s32 s9, s11  }
0x5f: {  	[tilespmem:s13+$0x6100] =	vst.msk vm0, v6  }
0x60: {  	[tilespmem:s13+$0x1000] =	vst.msk vm0, v7  }
0x61: {  	v5 =	vld [tilespmem:s8+$0x820];
	_ =	sdelay $0x4  }
0x62: {  	v6 =	vld [tilespmem:s8+$0x20];
	v7 =	vsub.s32 v5, v0  }
0x63: {  	vm0 =	vlt.u32 v7, $0x1388  }
0x64: {  	v8 =	vsel vm0, $0x1, v2;
	s14 =	spop (v2sf)  }
0x65: {  	s9 =	sadd.s32 s13, s14;
	[tilespmem:v5+s5+$0x0] =	vst.idx.add.f32.msk @!p1 $0xffff, v4;
	(xrf0) =	vadd.scan.msk.s32 $0xffff, v8  }
0x66: {  	[tilespmem:s9+$0x6100] =	vst.msk vm0, v7  }
0x67: {  	[tilespmem:s9+$0x1000] =	vst.msk vm0, v6  }
0x68: {  	v5 =	vld [tilespmem:s8+$0x830];
	_ =	sdelay $0x2  }
0x69: {  	v6, _, _ =	vpop (xrf0)  }
0x6a: {  	(v2sf) =	vpush v6, $0xF  }
0x6b: {  	v6 =	vsub.s32 v5, v0  }
0x6c: {  	vm0 =	vlt.u32 v6, $0x1388  }
0x6d: {  	v7 =	vsel vm0, $0x1, v2  }
0x6e: {  	(xrf0) =	vadd.scan.msk.s32 $0xffff, v7;
	_ =	sdelay $0x5  }
0x6f: {  	v7, _, _ =	vpop (xrf0)  }
0x70: {  	(v2sf) =	vpush v7, $0xF;
	_ =	sdelay $0x1  }
0x71: {  	v7 =	vld [tilespmem:s8+$0x30];
	_ =	sdelay $0x1  }
0x72: {  	s15 =	spop (v2sf)  }
0x73: {  	[tilespmem:v5+s5+$0x0] =	vst.idx.add.f32.msk @!p1 $0xffff, v4;
	s9 =	sadd.s32 s9, s15  }
0x74: {  	[tilespmem:s9+$0x6100] =	vst.msk vm0, v6  }
0x75: {  	[tilespmem:s9+$0x1000] =	vst.msk vm0, v7  }
0x76: {  	v5 =	vld [tilespmem:s8+$0x840];
	_ =	sdelay $0x4  }
0x77: {  	v6 =	vld [tilespmem:s8+$0x40];
	v7 =	vsub.s32 v5, v0  }
0x78: {  	vm0 =	vlt.u32 v7, $0x1388  }
0x79: {  	v8 =	vsel vm0, $0x1, v2;
	s12 =	spop (v2sf)  }
0x7a: {  	s9 =	sadd.s32 s9, s12;
	[tilespmem:v5+s5+$0x0] =	vst.idx.add.f32.msk @!p1 $0xffff, v4;
	(xrf0) =	vadd.scan.msk.s32 $0xffff, v8  }
0x7b: {  	[tilespmem:s9+$0x6100] =	vst.msk vm0, v7  }
0x7c: {  	[tilespmem:s9+$0x1000] =	vst.msk vm0, v6  }
0x7d: {  	v5 =	vld [tilespmem:s8+$0x850];
	_ =	sdelay $0x2  }
0x7e: {  	v6, _, _ =	vpop (xrf0)  }
0x7f: {  	(v2sf) =	vpush v6, $0xF  }
0x80: {  	v6 =	vsub.s32 v5, v0  }
0x81: {  	vm0 =	vlt.u32 v6, $0x1388  }
0x82: {  	v7 =	vsel vm0, $0x1, v2  }
0x83: {  	(xrf0) =	vadd.scan.msk.s32 $0xffff, v7;
	_ =	sdelay $0x5  }
0x84: {  	v7, _, _ =	vpop (xrf0)  }
0x85: {  	(v2sf) =	vpush v7, $0xF;
	_ =	sdelay $0x1  }
0x86: {  	v7 =	vld [tilespmem:s8+$0x50];
	_ =	sdelay $0x1  }
0x87: {  	s13 =	spop (v2sf)  }
0x88: {  	[tilespmem:v5+s5+$0x0] =	vst.idx.add.f32.msk @!p1 $0xffff, v4;
	s9 =	sadd.s32 s9, s13  }
0x89: {  	[tilespmem:s9+$0x6100] =	vst.msk vm0, v6  }
0x8a: {  	[tilespmem:s9+$0x1000] =	vst.msk vm0, v7  }
0x8b: {  	v5 =	vld [tilespmem:s8+$0x860];
	_ =	sdelay $0x4  }
0x8c: {  	v6 =	vld [tilespmem:s8+$0x60];
	v7 =	vsub.s32 v5, v0  }
0x8d: {  	vm0 =	vlt.u32 v7, $0x1388  }
0x8e: {  	v8 =	vsel vm0, $0x1, v2;
	s14 =	spop (v2sf)  }
0x8f: {  	s9 =	sadd.s32 s9, s14;
	[tilespmem:v5+s5+$0x0] =	vst.idx.add.f32.msk @!p1 $0xffff, v4;
	(xrf0) =	vadd.scan.msk.s32 $0xffff, v8  }
0x90: {  	[tilespmem:s9+$0x6100] =	vst.msk vm0, v7  }
0x91: {  	[tilespmem:s9+$0x1000] =	vst.msk vm0, v6  }
0x92: {  	v5 =	vld [tilespmem:s8+$0x870];
	_ =	sdelay $0x2  }
0x93: {  	v6, _, _ =	vpop (xrf0)  }
0x94: {  	(v2sf) =	vpush v6, $0xF  }
0x95: {  	v6 =	vsub.s32 v5, v0  }
0x96: {  	vm0 =	vlt.u32 v6, $0x1388  }
0x97: {  	v7 =	vsel vm0, $0x1, v2  }
0x98: {  	(xrf0) =	vadd.scan.msk.s32 $0xffff, v7;
	_ =	sdelay $0x5  }
0x99: {  	v7, _, _ =	vpop (xrf0)  }
0x9a: {  	(v2sf) =	vpush v7, $0xF;
	_ =	sdelay $0x1  }
0x9b: {  	v7 =	vld [tilespmem:s8+$0x70];
	_ =	sdelay $0x1  }
0x9c: {  	s15 =	spop (v2sf)  }
0x9d: {  	[tilespmem:v5+s5+$0x0] =	vst.idx.add.f32.msk @!p1 $0xffff, v4;
	s12 =	sadd.s32 s9, s15  }
0x9e: {  	[tilespmem:s12+$0x6100] =	vst.msk vm0, v6  }
0x9f: {  	s8 =	simm.s32 $0x80;
	[tilespmem:s12+$0x1000] =	vst.msk vm0, v7  }
0xa0: {  	v7 =	vld [tilespmem:s8+$0x800];
	_ =	sdelay $0x4  }
0xa1: {  	v5 =	vld [tilespmem:s8+$0x0];
	v6 =	vsub.s32 v7, v0  }
0xa2: {  	vm0 =	vlt.u32 v6, $0x1388  }
0xa3: {  	s9 =	simm.s32 $0x400;
	v8 =	vsel vm0, $0x1, v2;
	s11 =	spop (v2sf)  }
.LBB2_9:
0xa4: {  	[tilespmem:v7+s5+$0x0] =	vst.idx.add.f32.msk @!p1 $0xffff, v4;
	(xrf0) =	vadd.scan.msk.s32 $0xffff, v8;
	s12 =	sadd.s32 s12, s11;
	s11 =	smov.u32 s9;
	s9 =	sadd.s32 $0x200, s9  }
0xa5: {  	p2 =	sne.s32 s9, $0x2000;
	[tilespmem:s12+$0x6100] =	vst.msk vm0, v6  }
0xa6: {  	[tilespmem:s12+$0x1000] =	vst.msk vm0, v5  }
0xa7: {  	v5 =	vld [tilespmem:s8+$0x810];
	_ =	sdelay $0x2  }
0xa8: {  	v6, _, _ =	vpop (xrf0)  }
0xa9: {  	(v2sf) =	vpush v6, $0xF  }
0xaa: {  	v6 =	vsub.s32 v5, v0  }
0xab: {  	vm0 =	vlt.u32 v6, $0x1388  }
0xac: {  	v7 =	vsel vm0, $0x1, v2  }
0xad: {  	(xrf0) =	vadd.scan.msk.s32 $0xffff, v7;
	_ =	sdelay $0x5  }
0xae: {  	v7, _, _ =	vpop (xrf0)  }
0xaf: {  	(v2sf) =	vpush v7, $0xF;
	_ =	sdelay $0x1  }
0xb0: {  	v7 =	vld [tilespmem:s8+$0x10];
	_ =	sdelay $0x1  }
0xb1: {  	s13 =	spop (v2sf)  }
0xb2: {  	s12 =	sadd.s32 s12, s13;
	[tilespmem:v5+s5+$0x0] =	vst.idx.add.f32.msk @!p1 $0xffff, v4  }
0xb3: {  	[tilespmem:s12+$0x6100] =	vst.msk vm0, v6  }
0xb4: {  	[tilespmem:s12+$0x1000] =	vst.msk vm0, v7  }
0xb5: {  	v5 =	vld [tilespmem:s8+$0x820];
	_ =	sdelay $0x4  }
0xb6: {  	v6 =	vld [tilespmem:s8+$0x20];
	v7 =	vsub.s32 v5, v0  }
0xb7: {  	vm0 =	vlt.u32 v7, $0x1388  }
0xb8: {  	v8 =	vsel vm0, $0x1, v2;
	s13 =	spop (v2sf)  }
0xb9: {  	s12 =	sadd.s32 s12, s13;
	[tilespmem:v5+s5+$0x0] =	vst.idx.add.f32.msk @!p1 $0xffff, v4;
	(xrf0) =	vadd.scan.msk.s32 $0xffff, v8  }
0xba: {  	[tilespmem:s12+$0x6100] =	vst.msk vm0, v7  }
0xbb: {  	[tilespmem:s12+$0x1000] =	vst.msk vm0, v6  }
0xbc: {  	v5 =	vld [tilespmem:s8+$0x830];
	_ =	sdelay $0x2  }
0xbd: {  	v6, _, _ =	vpop (xrf0)  }
0xbe: {  	(v2sf) =	vpush v6, $0xF  }
0xbf: {  	v6 =	vsub.s32 v5, v0  }
0xc0: {  	vm0 =	vlt.u32 v6, $0x1388  }
0xc1: {  	v7 =	vsel vm0, $0x1, v2  }
0xc2: {  	(xrf0) =	vadd.scan.msk.s32 $0xffff, v7;
	_ =	sdelay $0x5  }
0xc3: {  	v7, _, _ =	vpop (xrf0)  }
0xc4: {  	(v2sf) =	vpush v7, $0xF;
	_ =	sdelay $0x1  }
0xc5: {  	v7 =	vld [tilespmem:s8+$0x30];
	_ =	sdelay $0x1  }
0xc6: {  	s13 =	spop (v2sf)  }
0xc7: {  	s12 =	sadd.s32 s12, s13;
	[tilespmem:v5+s5+$0x0] =	vst.idx.add.f32.msk @!p1 $0xffff, v4  }
0xc8: {  	[tilespmem:s12+$0x6100] =	vst.msk vm0, v6  }
0xc9: {  	[tilespmem:s12+$0x1000] =	vst.msk vm0, v7  }
0xca: {  	v5 =	vld [tilespmem:s8+$0x840];
	_ =	sdelay $0x4  }
0xcb: {  	v6 =	vld [tilespmem:s8+$0x40];
	v7 =	vsub.s32 v5, v0  }
0xcc: {  	vm0 =	vlt.u32 v7, $0x1388  }
0xcd: {  	v8 =	vsel vm0, $0x1, v2;
	s13 =	spop (v2sf)  }
0xce: {  	s12 =	sadd.s32 s12, s13;
	[tilespmem:v5+s5+$0x0] =	vst.idx.add.f32.msk @!p1 $0xffff, v4;
	(xrf0) =	vadd.scan.msk.s32 $0xffff, v8  }
0xcf: {  	[tilespmem:s12+$0x6100] =	vst.msk vm0, v7  }
0xd0: {  	[tilespmem:s12+$0x1000] =	vst.msk vm0, v6  }
0xd1: {  	v5 =	vld [tilespmem:s8+$0x850]  }
0xd2: {  	v6 =	vld [tilespmem:s8+$0x50];
	_ =	sdelay $0x1  }
0xd3: {  	v7, _, _ =	vpop (xrf0)  }
0xd4: {  	(v2sf) =	vpush v7, $0xF  }
0xd5: {  	v7 =	vsub.s32 v5, v0  }
0xd6: {  	vm0 =	vlt.u32 v7, $0x1388  }
0xd7: {  	v8 =	vsel vm0, $0x1, v2  }
0xd8: {  	[tilespmem:v5+s5+$0x0] =	vst.idx.add.f32.msk @!p1 $0xffff, v4;
	(xrf0) =	vadd.scan.msk.s32 $0xffff, v8;
	_ =	sdelay $0x5  }
0xd9: {  	v5, _, _ =	vpop (xrf0)  }
0xda: {  	(v2sf) =	vpush v5, $0xF;
	_ =	sdelay $0x3  }
0xdb: {  	s13 =	spop (v2sf)  }
0xdc: {  	s12 =	sadd.s32 s12, s13  }
0xdd: {  	[tilespmem:s12+$0x6100] =	vst.msk vm0, v7  }
0xde: {  	[tilespmem:s12+$0x1000] =	vst.msk vm0, v6  }
0xdf: {  	v5 =	vld [tilespmem:s8+$0x860]  }
0xe0: {  	v6 =	vld [tilespmem:s8+$0x60];
	_ =	sdelay $0x3  }
0xe1: {  	v7 =	vsub.s32 v5, v0  }
0xe2: {  	vm0 =	vlt.u32 v7, $0x1388  }
0xe3: {  	v8 =	vsel vm0, $0x1, v2;
	s13 =	spop (v2sf)  }
0xe4: {  	s12 =	sadd.s32 s12, s13;
	[tilespmem:v5+s5+$0x0] =	vst.idx.add.f32.msk @!p1 $0xffff, v4;
	(xrf0) =	vadd.scan.msk.s32 $0xffff, v8  }
0xe5: {  	[tilespmem:s12+$0x6100] =	vst.msk vm0, v7  }
0xe6: {  	[tilespmem:s12+$0x1000] =	vst.msk vm0, v6  }
0xe7: {  	v5 =	vld [tilespmem:s8+$0x870]  }
0xe8: {  	v6 =	vld [tilespmem:s8+$0x70];
	_ =	sdelay $0x1  }
0xe9: {  	v7, _, _ =	vpop (xrf0)  }
0xea: {  	(v2sf) =	vpush v7, $0xF  }
0xeb: {  	v7 =	vsub.s32 v5, v0  }
0xec: {  	vm0 =	vlt.u32 v7, $0x1388  }
0xed: {  	v8 =	vsel vm0, $0x1, v2  }
0xee: {  	[tilespmem:v5+s5+$0x0] =	vst.idx.add.f32.msk @!p1 $0xffff, v4;
	(xrf0) =	vadd.scan.msk.s32 $0xffff, v8;
	_ =	sdelay $0x5  }
0xef: {  	v5, _, _ =	vpop (xrf0)  }
0xf0: {  	(v2sf) =	vpush v5, $0xF;
	_ =	sdelay $0x3  }
0xf1: {  	s8 =	spop (v2sf)  }
0xf2: {  	s12 =	sadd.s32 s12, s8  }
0xf3: {  	[tilespmem:s12+$0x6100] =	vst.msk vm0, v7  }
0xf4: {  	s8 =	sshra.s32 s11, $0x2;
	[tilespmem:s12+$0x1000] =	vst.msk vm0, v6  }
0xf5: {  	v7 =	vld [tilespmem:s8+$0x800];
	_ =	sdelay $0x2  }
.Ltmp3:
0xf6: {  	(pc) =	sbr.rel @p2 .LBB2_9-.Ltmp3, $4  }
0xf7: {  	_ = 	snop  }
0xf8: {  	v5 =	vld [tilespmem:s8+$0x0];
	v6 =	vsub.s32 v7, v0  }
0xf9: {  	vm0 =	vlt.u32 v6, $0x1388  }
0xfa: {  	v8 =	vsel vm0, $0x1, v2;
	s11 =	spop (v2sf)  }
0xfb: {  	_ =	sdelay $0x3  }
0xfc: {  	[tilespmem:v7+s5+$0x0] =	vst.idx.add.f32.msk @!p1 $0xffff, v4;
	(xrf0) =	vadd.scan.msk.s32 $0xffff, v8;
	s9 =	sadd.s32 s12, s11  }
0xfd: {  	[tilespmem:s9+$0x6100] =	vst.msk vm0, v6  }
0xfe: {  	[tilespmem:s9+$0x1000] =	vst.msk vm0, v5  }
0xff: {  	v5 =	vld [tilespmem:s8+$0x810];
	_ =	sdelay $0x2  }
0x100: {  	v41, _, _ =	vpop (xrf0)  }
0x101: {  	(v2sf) =	vpush v41, $0xF  }
0x102: {  	v42 =	vsub.s32 v5, v0  }
0x103: {  	vm9 =	vlt.u32 v42, $0x1388  }
0x104: {  	v43 =	vsel vm9, $0x1, v2  }
0x105: {  	(xrf0) =	vadd.scan.msk.s32 $0xffff, v43;
	_ =	sdelay $0x5  }
0x106: {  	v7, _, _ =	vpop (xrf0)  }
0x107: {  	(v2sf) =	vpush v7, $0xF;
	_ =	sdelay $0x1  }
0x108: {  	v44 =	vld [tilespmem:s8+$0x10];
	_ =	sdelay $0x1  }
0x109: {  	s15 =	spop (v2sf)  }
0x10a: {  	[tilespmem:v5+s5+$0x0] =	vst.idx.add.f32.msk @!p1 $0xffff, v4;
	s9 =	sadd.s32 s9, s15  }
0x10b: {  	[tilespmem:s9+$0x6100] =	vst.msk vm9, v42  }
0x10c: {  	[tilespmem:s9+$0x1000] =	vst.msk vm9, v44  }
0x10d: {  	v5 =	vld [tilespmem:s8+$0x820];
	_ =	sdelay $0x4  }
0x10e: {  	v6 =	vld [tilespmem:s8+$0x20];
	v45 =	vsub.s32 v5, v0  }
0x10f: {  	vm10 =	vlt.u32 v45, $0x1388  }
0x110: {  	v46 =	vsel vm10, $0x1, v2;
	s12 =	spop (v2sf)  }
0x111: {  	s9 =	sadd.s32 s9, s12;
	[tilespmem:v5+s5+$0x0] =	vst.idx.add.f32.msk @!p1 $0xffff, v4;
	(xrf0) =	vadd.scan.msk.s32 $0xffff, v46  }
0x112: {  	[tilespmem:s9+$0x6100] =	vst.msk vm10, v45  }
0x113: {  	[tilespmem:s9+$0x1000] =	vst.msk vm10, v6  }
0x114: {  	v5 =	vld [tilespmem:s8+$0x830];
	_ =	sdelay $0x2  }
0x115: {  	v47, _, _ =	vpop (xrf0)  }
0x116: {  	(v2sf) =	vpush v47, $0xF  }
0x117: {  	v48 =	vsub.s32 v5, v0  }
0x118: {  	vm11 =	vlt.u32 v48, $0x1388  }
0x119: {  	v49 =	vsel vm11, $0x1, v2  }
0x11a: {  	(xrf0) =	vadd.scan.msk.s32 $0xffff, v49;
	_ =	sdelay $0x5  }
0x11b: {  	v7, _, _ =	vpop (xrf0)  }
0x11c: {  	(v2sf) =	vpush v7, $0xF;
	_ =	sdelay $0x1  }
0x11d: {  	v50 =	vld [tilespmem:s8+$0x30];
	_ =	sdelay $0x1  }
0x11e: {  	s13 =	spop (v2sf)  }
0x11f: {  	[tilespmem:v5+s5+$0x0] =	vst.idx.add.f32.msk @!p1 $0xffff, v4;
	s9 =	sadd.s32 s9, s13  }
0x120: {  	[tilespmem:s9+$0x6100] =	vst.msk vm11, v48  }
0x121: {  	[tilespmem:s9+$0x1000] =	vst.msk vm11, v50  }
0x122: {  	v5 =	vld [tilespmem:s8+$0x840];
	_ =	sdelay $0x4  }
0x123: {  	v6 =	vld [tilespmem:s8+$0x40];
	v51 =	vsub.s32 v5, v0  }
0x124: {  	vm12 =	vlt.u32 v51, $0x1388  }
0x125: {  	v52 =	vsel vm12, $0x1, v2;
	s14 =	spop (v2sf)  }
0x126: {  	s9 =	sadd.s32 s9, s14;
	[tilespmem:v5+s5+$0x0] =	vst.idx.add.f32.msk @!p1 $0xffff, v4;
	(xrf0) =	vadd.scan.msk.s32 $0xffff, v52  }
0x127: {  	[tilespmem:s9+$0x6100] =	vst.msk vm12, v51  }
0x128: {  	[tilespmem:s9+$0x1000] =	vst.msk vm12, v6  }
0x129: {  	v5 =	vld [tilespmem:s8+$0x850];
	_ =	sdelay $0x2  }
0x12a: {  	v53, _, _ =	vpop (xrf0)  }
0x12b: {  	(v2sf) =	vpush v53, $0xF  }
0x12c: {  	v54 =	vsub.s32 v5, v0  }
0x12d: {  	vm13 =	vlt.u32 v54, $0x1388  }
0x12e: {  	v55 =	vsel vm13, $0x1, v2  }
0x12f: {  	(xrf0) =	vadd.scan.msk.s32 $0xffff, v55;
	_ =	sdelay $0x5  }
0x130: {  	v7, _, _ =	vpop (xrf0)  }
0x131: {  	(v2sf) =	vpush v7, $0xF;
	_ =	sdelay $0x1  }
0x132: {  	v56 =	vld [tilespmem:s8+$0x50];
	_ =	sdelay $0x1  }
0x133: {  	s15 =	spop (v2sf)  }
0x134: {  	[tilespmem:v5+s5+$0x0] =	vst.idx.add.f32.msk @!p1 $0xffff, v4;
	s9 =	sadd.s32 s9, s15  }
0x135: {  	[tilespmem:s9+$0x6100] =	vst.msk vm13, v54  }
0x136: {  	[tilespmem:s9+$0x1000] =	vst.msk vm13, v56  }
0x137: {  	v5 =	vld [tilespmem:s8+$0x860];
	_ =	sdelay $0x4  }
0x138: {  	v6 =	vld [tilespmem:s8+$0x60];
	_ =	sdelay $0x1  }
0x139: {  	v57 =	vsub.s32 v5, v0;
	s12 =	spop (v2sf)  }
0x13a: {  	vm14 =	vlt.u32 v57, $0x1388;
	s9 =	sadd.s32 s9, s12;
	[tilespmem:v5+s5+$0x0] =	vst.idx.add.f32.msk @!p1 $0xffff, v4  }
0x13b: {  	[tilespmem:s9+$0x6100] =	vst.msk vm14, v57  }
0x13c: {  	[tilespmem:s9+$0x1000] =	vst.msk vm14, v6  }
0x13d: {  	v5 =	vld [tilespmem:s8+$0x870];
	_ =	sdelay $0x4  }
0x13e: {  	v58 =	vsel vm14, $0x1, v2;
	v59 =	vsub.s32 v5, v0  }
0x13f: {  	(xrf0) =	vadd.scan.msk.s32 $0xffff, v58;
	vm15 =	vlt.u32 v59, $0x1388  }
0x140: {  	v60 =	vsel vm15, $0x1, v2  }
0x141: {  	(xrf0) =	vadd.scan.msk.s32 $0xffff, v60;
	_ =	sdelay $0x3  }
0x142: {  	v61, _, _ =	vpop (xrf0)  }
0x143: {  	(v2sf) =	vpush v61, $0xF  }
0x144: {  	v62, _, _ =	vpop (xrf0)  }
0x145: {  	(v2sf) =	vpush v62, $0xF;
	_ =	sdelay $0x9  }
0x146: {  	s29 =	sadd.s32 $0x1, s29  }
0x147: {  	p2 =	seq.s32 s29, $0xA;
	v63 =	vld [tilespmem:s8+$0x70]  }
.Ltmp4:
0x148: {  	_ = 	snop;
	(pc) =	sbr.rel @!p2 .LBB2_8-.Ltmp4, $4  }
0x149: {  	s13 =	spop (v2sf)  }
0x14a: {  	[tilespmem:v5+s5+$0x0] =	vst.idx.add.f32.msk @!p1 $0xffff, v4;
	s14 =	sadd.s32 s9, s13  }
0x14b: {  	[tilespmem:s14+$0x6100] =	vst.msk vm15, v59;
	s15 =	spop (v2sf)  }
0x14c: {  	[tilespmem:s14+$0x1000] =	vst.msk vm15, v63;
	s9 =	sadd.s32 s14, s15  }
0x14d: {  	[tilespmem:s9+$0x1000] =	vst v2  }
0x14e: {  	[tilespmem:s9+$0x6100] =	vst v3  }
0x14f: {  	[tilespmem:s9+$0x1010] =	vst v2  }
0x150: {  	[tilespmem:s9+$0x6110] =	vst v3  }
0x151: {  	[tilespmem:s9+$0x1020] =	vst v2  }
0x152: {  	[tilespmem:s9+$0x6120] =	vst v3  }
0x153: {  	[tilespmem:s9+$0x1030] =	vst v2  }
0x154: {  	[tilespmem:s9+$0x6130] =	vst v3  }
0x155: {  	[tilespmem:s9+$0x1040] =	vst v2  }
0x156: {  	[tilespmem:s9+$0x6140] =	vst v3  }
0x157: {  	[tilespmem:s9+$0x1050] =	vst v2  }
0x158: {  	[tilespmem:s9+$0x6150] =	vst v3  }
0x159: {  	[tilespmem:s9+$0x1060] =	vst v2  }
0x15a: {  	[tilespmem:s9+$0x6160] =	vst v3  }
0x15b: {  	[tilespmem:s9+$0x1070] =	vst v2  }
0x15c: {  	[tilespmem:s9+$0x6170] =	vst v3  }
0x15d: {  	[tilespmem:s9+$0x1080] =	vst v2  }
0x15e: {  	[tilespmem:s9+$0x6180] =	vst v3  }
0x15f: {  	[tilespmem:s9+$0x1090] =	vst v2  }
0x160: {  	[tilespmem:s9+$0x6190] =	vst v3  }
0x161: {  	[tilespmem:s9+$0x10A0] =	vst v2  }
0x162: {  	[tilespmem:s9+$0x61A0] =	vst v3  }
0x163: {  	[tilespmem:s9+$0x10B0] =	vst v2;
	s5 =	sadd.s32 $0xFF, s9  }
0x164: {  	[tilespmem:s9+$0x61B0] =	vst v3;
	s8 =	sand.u32 $0xFF, s5  }
0x165: {  	[tilespmem:s9+$0x10C0] =	vst v2;
	s11 =	sshra.s32 s5, $0x1F;
	p2 =	slt.s32 s5, $0x1;
	p3 =	sne.s32 s8, $0x0  }
0x166: {  	[tilespmem:s9+$0x61C0] =	vst v3;
	s13 =	sshrl.u32 s11, $0x18;
	p2 =	por !p2, !p3  }
0x167: {  	[tilespmem:s9+$0x10D0] =	vst v2;
	s8 =	simm.s32 $0x1;
	s5 =	sadd.s32 s13, s5;
	p2 =	por !p2, !p2  }
0x168: {  	[tilespmem:s9+$0x61D0] =	vst v3;
	s5 =	sshra.s32 s5, $0x8;
	s8 =	simm.s32 @!p2 $0x0  }
0x169: {  	[tilespmem:s9+$0x10E0] =	vst v2;
	s11 =	ssub.s32 s5, s8  }
0x16a: {  	[tilespmem:s9+$0x61E0] =	vst v3;
	p2 =	sgt.s32 s11, $0x1  }
0x16b: {  	[tilespmem:s9+$0x10F0] =	vst v2;
	s11 =	simm.s32 @!p2 $0x1  }
0x16c: {  	[tilespmem:s9+$0x61F0] =	vst v3;
	s14 =	simm.s32 $0x1000;
	s15 =	simm.s32 $0x1040;
	p3 =	sne.s32 s11, $0x1  }
.Ltmp5:
0x16d: {  	s29 =	simm.s32 $0xD200;
	[bflag:$0x0] =	sbarrier.arrive $0xFFFF;
	(pc) =	sbr.rel @!p3 .LBB2_16-.Ltmp5, $4  }
0x16e: {  	[tilespmem:s17], [sflag:$0x1] =	stream.indirect.gather [hbm4b:s1+s25], $0x80, s14, s25, $0xb8;
	[tilespmem:$0x1F680] =	vst v63  }
0x16f: {  	s12 =	simm.s32 $0x0;
	s9 =	simm.s32 $0x6100;
	s28 =	simm.s32 $0x1  }
0x170: {  	[tilespmem:s29], [sflag:$0x1] =	stream.indirect.gather [hbm4b:s1+s25], $0x80, s15, s25, $0xb8;
	[tilespmem:$0x1F680] =	vst v63  }
0x171: {  	s8 =	simm.s32 $0x1140;
	p2 =	por $0x0, $0x0;
	s5 =	sadd.s32 $0xFFFFFFFF, s11  }
0x172: {  	s12 =	simm.s32 $0x1080  }
0x173: {  	[tilespmem:s30], [sflag:$0x2] =	stream.indirect.gather [hbm4b:s1+s25], $0x80, s12, s25, $0xb8;
	[tilespmem:$0x1F680] =	vst v63  }
0x174: {  	s14 =	simm.s32 $0x10C0  }
0x175: {  	[tilespmem:s31], [sflag:$0x2] =	stream.indirect.gather [hbm4b:s1+s25], $0x80, s14, s25, $0xb8;
	[tilespmem:$0x1F680] =	vst v63  }
0x176: {  	_ =	swait.ge [sflag:s20], $0x2000  }
0x177: {  	[sflag:s20] =	ssyncset.done $0x0  }
0x178: {  	[sflag:s20] =	ssyncadd.s32 $0xFFFFE000  }
0x179: {  	_ =	swait.ge [sflag:s20], $0x2000  }
0x17a: {  	[sflag:s20] =	ssyncset.done $0x0  }
0x17b: {  	[sflag:s20] =	ssyncadd.s32 $0xFFFFE000  }
0x17c: {  	[spmem:s2] =	stream.indirect.scatter.add.f32 [tilespmem:s17], [sflag:$0x3], $0x80, s9, s0, $0xb8;
	[tilespmem:$0x1F680] =	vst v63  }
0x17d: {  	p2 =	sle.u32 s5, $0x0;
	_ =	swait.ge [sflag:s18], $0x4000  }
0x17e: {  	s12 =	simm.s32 @!p2 $0x40;
	[sflag:s18] =	ssyncset.done $0x0  }
0x17f: {  	s13 =	simm.s32 @!p2 $0xB200;
	s9 =	simm.s32 @!p2 $0x1100;
	[sflag:s18] =	ssyncadd.s32 $0xFFFFC000  }
0x180: {  	[tilespmem:s13], [sflag:$0x1] =	stream.indirect.gather @!p2 [hbm4b:s1+s12], $0x80, s9, s12, $0xb8;
	[tilespmem:$0x1F680] =	vst v63  }
0x181: {  	s9 =	simm.s32 @!p2 $0xD200  }
0x182: {  	[tilespmem:s9], [sflag:$0x1] =	stream.indirect.gather @!p2 [hbm4b:s1+s12], $0x80, s8, s12, $0xb8;
	[tilespmem:$0x1F680] =	vst v63  }
0x183: {  	_ =	swait.ge [sflag:s26], $0x2000  }
0x184: {  	[sflag:s26] =	ssyncset.done $0x0  }
0x185: {  	p3 =	sne.s32 s11, $0x2;
	[sflag:s26] =	ssyncadd.s32 $0xFFFFE000  }
.Ltmp6:
0x186: {  	_ =	swait.ge [sflag:s26], $0x2000;
	(pc) =	sbr.rel @!p3 .LBB2_13-.Ltmp6, $4  }
0x187: {  	s15 =	simm.s32 $0x6180;
	[sflag:s26] =	ssyncset.done $0x0  }
0x188: {  	s29 =	simm.s32 $0x2;
	s9 =	simm.s32 $0x6200;
	[sflag:s26] =	ssyncadd.s32 $0xFFFFE000  }
0x189: {  	[spmem:s2] =	stream.indirect.scatter.add.f32 [tilespmem:s30], [sflag:$0x3], $0x80, s15, s0, $0xb8;
	[tilespmem:$0x1F680] =	vst v63  }
0x18a: {  	s8 =	simm.s32 $0x1240;
	p2 =	por $0x1, $0x1;
	_ =	swait.ge [sflag:s18], $0x4000  }
.LBB2_14:
0x18b: {  	s12 =	sadd.s32 $0xFFFFFF40, s8  }
0x18c: {  	[sflag:s18] =	ssyncset.done $0x0;
	s13 =	smov.u32 s29;
	s29 =	sadd.s32 $0x1, s29  }
0x18d: {  	p3 =	sne.s32 s11, s29;
	[sflag:s18] =	ssyncadd.s32 $0xFFFFC000  }
0x18e: {  	[tilespmem:s30], [sflag:$0x2] =	stream.indirect.gather [hbm4b:s1+s25], $0x80, s12, s25, $0xb8;
	[tilespmem:$0x1F680] =	vst v63  }
0x18f: {  	s12 =	sadd.s32 $0xFFFFFF80, s8  }
0x190: {  	[tilespmem:s31], [sflag:$0x2] =	stream.indirect.gather [hbm4b:s1+s25], $0x80, s12, s25, $0xb8;
	[tilespmem:$0x1F680] =	vst v63  }
0x191: {  	_ =	swait.ge [sflag:s20], $0x2000  }
0x192: {  	[sflag:s20] =	ssyncset.done $0x0  }
0x193: {  	[sflag:s20] =	ssyncadd.s32 $0xFFFFE000  }
0x194: {  	_ =	swait.ge [sflag:s20], $0x2000  }
0x195: {  	[sflag:s20] =	ssyncset.done $0x0  }
0x196: {  	[sflag:s20] =	ssyncadd.s32 $0xFFFFE000  }
0x197: {  	[spmem:s2] =	stream.indirect.scatter.add.f32 [tilespmem:s17], [sflag:$0x3], $0x80, s9, s0, $0xb8;
	[tilespmem:$0x1F680] =	vst v63  }
0x198: {  	p4 =	sge.u32 s28, s5;
	s28 =	smov.u32 s13;
	_ =	swait.ge [sflag:s18], $0x4000  }
0x199: {  	s13 =	simm.s32 @!p4 $0x40;
	s12 =	sadd.s32 @!p4 $0xFFFFFFC0, s8;
	[sflag:s18] =	ssyncset.done $0x0  }
0x19a: {  	s14 =	simm.s32 @!p4 $0xB200;
	s15 =	simm.s32 @!p4 $0xD200;
	[sflag:s18] =	ssyncadd.s32 $0xFFFFC000  }
0x19b: {  	[tilespmem:s14], [sflag:$0x1] =	stream.indirect.gather @!p4 [hbm4b:s1+s13], $0x80, s12, s13, $0xb8;
	[tilespmem:$0x1F680] =	vst v63  }
0x19c: {  	_ = 	snop  }
0x19d: {  	[tilespmem:s15], [sflag:$0x1] =	stream.indirect.gather @!p4 [hbm4b:s1+s13], $0x80, s8, s13, $0xb8;
	[tilespmem:$0x1F680] =	vst v63  }
0x19e: {  	_ =	swait.ge [sflag:s26], $0x2000  }
0x19f: {  	[sflag:s26] =	ssyncset.done $0x0  }
0x1a0: {  	[sflag:s26] =	ssyncadd.s32 $0xFFFFE000  }
.Ltmp7:
0x1a1: {  	_ =	swait.ge [sflag:s26], $0x2000;
	(pc) =	sbr.rel @p3 .LBB2_14-.Ltmp7, $4  }
0x1a2: {  	s12 =	sadd.s32 $0x80, s9;
	[sflag:s26] =	ssyncset.done $0x0  }
0x1a3: {  	[sflag:s26] =	ssyncadd.s32 $0xFFFFE000  }
0x1a4: {  	[spmem:s2] =	stream.indirect.scatter.add.f32 [tilespmem:s30], [sflag:$0x3], $0x80, s12, s0, $0xb8;
	[tilespmem:$0x1F680] =	vst v63  }
0x1a5: {  	s9 =	sadd.s32 $0x100, s9;
	s8 =	sadd.s32 $0x100, s8;
	_ =	swait.ge [sflag:s18], $0x4000  }
0x1a6: {  	s12 =	smov.u32 s28  }
.LBB2_16:
0x1a7: {  	[sflag:s18] =	ssyncset.done @p2 $0x0  }
0x1a8: {  	s11 =	sadd.s32 $0xFFFFFF40, s8;
	[sflag:s18] =	ssyncadd.s32 @p2 $0xFFFFC000  }
0x1a9: {  	[tilespmem:s30], [sflag:$0x2] =	stream.indirect.gather [hbm4b:s1+s25], $0x80, s11, s25, $0xb8;
	[tilespmem:$0x1F680] =	vst v63  }
0x1aa: {  	s29 =	sadd.s32 $0xFFFFFF80, s8  }
0x1ab: {  	[tilespmem:s31], [sflag:$0x2] =	stream.indirect.gather [hbm4b:s1+s25], $0x80, s29, s25, $0xb8;
	[tilespmem:$0x1F680] =	vst v63  }
0x1ac: {  	_ =	swait.ge [sflag:s20], $0x2000  }
0x1ad: {  	[sflag:s20] =	ssyncset.done $0x0  }
0x1ae: {  	[sflag:s20] =	ssyncadd.s32 $0xFFFFE000  }
0x1af: {  	_ =	swait.ge [sflag:s20], $0x2000  }
0x1b0: {  	[sflag:s20] =	ssyncset.done $0x0  }
0x1b1: {  	[sflag:s20] =	ssyncadd.s32 $0xFFFFE000  }
0x1b2: {  	[spmem:s2] =	stream.indirect.scatter.add.f32 [tilespmem:s17], [sflag:$0x3], $0x80, s9, s0, $0xb8;
	[tilespmem:$0x1F680] =	vst v63  }
0x1b3: {  	p2 =	sge.u32 s12, s5;
	_ =	swait.ge [sflag:s18], $0x4000  }
0x1b4: {  	s5 =	sadd.s32 @!p2 $0xFFFFFFC0, s8;
	[sflag:s18] =	ssyncset.done $0x0  }
0x1b5: {  	s11 =	simm.s32 @!p2 $0x40;
	s12 =	simm.s32 @!p2 $0xB200;
	[sflag:s18] =	ssyncadd.s32 $0xFFFFC000  }
0x1b6: {  	[tilespmem:s12], [sflag:$0x1] =	stream.indirect.gather @!p2 [hbm4b:s1+s11], $0x80, s5, s11, $0xb8;
	[tilespmem:$0x1F680] =	vst v63  }
0x1b7: {  	s5 =	simm.s32 @!p2 $0xD200  }
0x1b8: {  	[tilespmem:s5], [sflag:$0x1] =	stream.indirect.gather @!p2 [hbm4b:s1+s11], $0x80, s8, s11, $0xb8;
	[tilespmem:$0x1F680] =	vst v63  }
0x1b9: {  	_ =	swait.ge [sflag:s26], $0x2000  }
0x1ba: {  	[sflag:s26] =	ssyncset.done $0x0  }
0x1bb: {  	[sflag:s26] =	ssyncadd.s32 $0xFFFFE000  }
0x1bc: {  	_ =	swait.ge [sflag:s26], $0x2000  }
0x1bd: {  	[sflag:s26] =	ssyncset.done $0x0  }
0x1be: {  	s13 =	sadd.s32 $0x80, s9;
	[sflag:s26] =	ssyncadd.s32 $0xFFFFE000  }
0x1bf: {  	[spmem:s2] =	stream.indirect.scatter.add.f32 [tilespmem:s30], [sflag:$0x3], $0x80, s13, s0, $0xb8;
	[tilespmem:$0x1F680] =	vst v63  }
0x1c0: {  	_ =	swait.ge [sflag:s18], $0x4000  }
0x1c1: {  	[sflag:s18] =	ssyncset.done $0x0  }
0x1c2: {  	s14 =	stileid.u32;
	[sflag:s18] =	ssyncadd.s32 $0xFFFFC000  }
0x1c3: {  	s5 =	sshll.u32 s14, $0x6;
	[bflag:$0x0] =	sbarrier.arrive $0xFFFF  }
0x1c4: {  	s5 =	sor.u32 $0x1C03, s5;
	s15 =	rddreg [dreg:$0x7]  }
0x1c5: {  	[hbm:s15], [sflag:s5] =	dma.local [spmem:s21], $0x800  }
0x1c6: {  	_ =	swait.ge [sflag:s18], $0x800  }
0x1c7: {  	[sflag:s18] =	ssyncset.done $0x0  }
0x1c8: {  	s28 =	rddreg [dreg:$0x8];
	[sflag:s18] =	ssyncadd.s32 $0xFFFFF800  }
0x1c9: {  	[hbm:s28], [sflag:s5] =	dma.local [spmem:s22], $0x800  }
0x1ca: {  	_ =	swait.ge [sflag:s18], $0x800  }
0x1cb: {  	[sflag:s18] =	ssyncset.done $0x0  }
0x1cc: {  	s29 =	rddreg [dreg:$0x9];
	[sflag:s18] =	ssyncadd.s32 $0xFFFFF800  }
0x1cd: {  	[hbm:s29], [sflag:s5] =	dma.local [spmem:s23], $0x380  }
0x1ce: {  	_ =	swait.ge [sflag:s18], $0x380  }
0x1cf: {  	[sflag:s18] =	ssyncset.done $0x0  }
0x1d0: {  	s8 =	rddreg [dreg:$0xa];
	[sflag:s18] =	ssyncadd.s32 $0xFFFFFC80  }
0x1d1: {  	[hbm:s8], [sflag:s5] =	dma.local @!p0 [spmem:s24], $0x80  }
0x1d2: {  	s5 =	simm.s32 @!p0 $0x3  }
0x1d3: {  	s3 =	sadd.s32 $0x1, s3;
	s9 =	simm.s32 @!p1 $0x13200;
	_ =	swait.ge @!p0 [sflag:s5], $0x80  }
0x1d4: {  	p2 =	sne.s32 s3, s16;
	s8 =	simm.s32 @!p1 $0x400;
	[sflag:s5] =	ssyncset.done @!p0 $0x0  }
0x1d5: {  	s11 =	rddreg [dreg:$0xb];
	[sflag:s5] =	ssyncadd.s32 @!p0 $0xFFFFFF80;
	s5 =	simm.s32 @!p1 $0x80  }
0x1d6: {  	[hbm4b:s11+s5] =	stream.strided.scatter @!p1 [tilespmem:s9], [sflag:$0x3], $0x2800, s8, s5, $0x38;
	[tilespmem:$0x1F680] =	vst v63  }
.Ltmp8:
0x1d7: {  	_ = 	snop;
	(pc) =	sbr.rel @p2 .LBB2_1-.Ltmp8, $4  }
.Ltmp9:
0x1d8: {  	s5 =	simm.s32 @!p1 $0x3;
	(pc) =	sbr.rel @!p2 .LBB2_17-.Ltmp9, $4  }
0x1d9: {  	_ =	swait.ge @!p1 [sflag:s5], $0x2800  }
0x1da: {  	[sflag:s5] =	ssyncset.done @!p1 $0x0  }
0x1db: {  	[sflag:s5] =	ssyncadd.s32 @!p1 $0xFFFFD800  }
0x1dc: {  	_ = 	snop  }
.LBB2_13:
.Ltmp10:
0x1dd: {  	(pc) =	sbr.rel .LBB2_16-.Ltmp10, $2  }
0x1de: {  	_ =	sdelay $0x2  }
0x1df: {  	s12 =	simm.s32 $0x1  }
.LBB2_17:
0x1e0: {  	_ =	sfence.sel $0x180000  }
0x1e1: {  	[bflag:$0x0] =	sbarrier.arrive $0xFFFF  }
0x1e2: {  	_ =	strace $0x90000047  }
0x1e3: {  	[bflag:$0x2] =	sbarrier.arrive $0xFFFF  }
0x1e4: {  	s0 =	rddreg [dreg:$0x4]  }
0x1e5: {  	s0 =	sadd.s32 @!p0 $0x100000, s0  }
0x1e6: {  	[sflag:s0] =	ssyncadd.tile.s32 @!p0 $0x1;
	_ =	shalt  }
.Lfunc_end2:
_tile_overlayer_lowered:
.L_overlay_start_2:
0x1e7: {  	(tag) =	ssettag $0x2  }
0x1e8: {  	s0 =	rddreg [dreg:$0x0];
	s2 =	stileid.u32  }
0x1e9: {  	s1 =	rddreg [dreg:$0x1];
	p0 =	sne.s32 s2, $0x0  }
0x1ea: {  	s3 =	rddreg [dreg:$0x2];
	[bflag:$0x3] =	sbarrier.arrive $0xFFFF;
	s2 =	simm.s32 @!p0 $0x1C03  }
0x1eb: {  	[timem:s3], [sflag:s2] =	dma.local @!p0 [hbm:s0], s1  }
0x1ec: {  	s0 =	simm.s32 @!p0 $0x3  }
0x1ed: {  	_ =	swait.ge @!p0 [sflag:s0], s1  }
0x1ee: {  	s1 =	ssub.s32 @!p0 $0x0, s1;
	[sflag:s0] =	ssyncset.done @!p0 $0x0  }
0x1ef: {  	[sflag:s0] =	ssyncadd.s32 @!p0 s1  }
0x1f0: {  	[bflag:$0x3] =	sbarrier.arrive $0xFFFF  }
0x1f1: {  	_ =	shalt  }

// kernel: kernel.9.cloned.1.call-start
scs
__scs_entry_jumppad:
0x0: {  	(pc) =	sbr.rel $0x88, $3  }
0x1: {  	(tag) =	ssettag $0x0;
	lr =	simm.s32 $0x1  }
0x2: {  	[smem:$0x3F99] =	sst lr;
	_ =	strace $0xD0000000  }
0x3: {  	_ = 	snop  }
0x4: {  	_ = 	snop  }
0x5: {  	_ = 	snop  }
0x6: {  	_ = 	snop  }
0x7: {  	_ = 	snop  }
__scs_overlays_trampoline_lowered:
0x8: {  	[smem:$0x3FA8] =	sst s0  }
0x9: {  	[smem:$0x3FA9] =	sst s1  }
0xa: {  	[smem:$0x3FAA] =	sst s2  }
0xb: {  	[smem:$0x3FAB] =	sst s3  }
0xc: {  	[smem:$0x3FAC] =	sst s4  }
0xd: {  	[smem:$0x3FAD] =	sst s5  }
0xe: {  	[smem:$0x3FAE] =	sst s6  }
0xf: {  	[smem:$0x3FAF] =	sst s7  }
0x10: {  	[smem:$0x3FB0] =	sst s8  }
0x11: {  	[smem:$0x3FB1] =	sst s9;
	s0 =	simm.s32 @!p0 $0x0  }
0x12: {  	s1 =	sld [smem:$0x3F97];
	s0 =	simm.s32 @p0 $0x1  }
0x13: {  	[smem:$0x3FB2] =	sst s0;
	s0 =	simm.s32 @!p1 $0x0  }
0x14: {  	s2 =	sld [smem:$0x3F96];
	s0 =	simm.s32 @p1 $0x1  }
0x15: {  	[smem:$0x3FB3] =	sst s0;
	s0 =	simm.s32 @!p2 $0x0  }
0x16: {  	s3 =	sld [smem:$0x3FDB];
	s0 =	simm.s32 @p2 $0x1  }
0x17: {  	s4 =	simm.s32 $0x1BF5;
	[smem:$0x3FB5] =	sst s0  }
0x18: {  	s0 =	sld [smem:$0x3F98];
	_ =	swait.ge [sflag:s4], $0x0  }
0x19: {  	s7 =	sld [smem:$0x3F99]  }
0x1a: {  	s8 =	sadd.s32 $0xFFFFE003, lr  }
0x1b: {  	s9 =	sadd.s32 $0xFFFFFEF7, lr;
	s5 =	simm.s32 $0xFFFFFFFF;
	p2 =	slt.u32 s8, $0xFFFFF086  }
0x1c: {  	p1 =	slt.u32 s9, $0xF7A;
	s5 =	simm.s32 @!p2 $0x0  }
0x1d: {  	s5 =	simm.s32 @p1 $0x1;
	p0 =	seq.s32 s7, s2  }
0x1e: {  	s7 =	smul.u32 @!p0 $0xF7A, s2;
	p2 =	seq.s32 @!p0 s5, $0x0  }
0x1f: {  	s9 =	smul.u32 $0xF7A, s1;
	s8 =	simm.s32 @!p0 $0x1BF5;
	p2 =	por !p2, p0  }
0x20: {  	[sflag:s8] =	ssyncset.s32 @!p0 $0xFFFFF086;
	s6 =	sadd.s32 @!p0 s3, s7;
	s7 =	simm.s32 @!p0 $0x108  }
0x21: {  	s3 =	sadd.s32 s3, s9;
	s6 =	sadd.s32 @!p0 $0x88, s6;
	s7 =	simm.s32 @p2 $0x1082  }
0x22: {  	[simem:s7], [sflag:s8] =	dma.local @!p0 [hbm:s6], $0xF7A  }
0x23: {  	s9 =	sor.u32 $0xD0000000, s2;
	s6 =	simm.s32 $0x108;
	_ =	swait.ge @!p0 [sflag:s8], $0x0  }
0x24: {  	s3 =	sadd.s32 $0x88, s3;
	s6 =	simm.s32 @!p1 $0x1082;
	[sflag:s4] =	ssyncset.s32 $0xFFFFF086  }
0x25: {  	[simem:s6], [sflag:s4] =	dma.local [hbm:s3], $0xF7A  }
0x26: {  	[smem:$0x3F99] =	sst s1;
	(tag) =	ssettag s2;
	_ =	strace s9  }
0x27: {  	s1 =	sld [smem:$0x3FA9]  }
0x28: {  	s2 =	sld [smem:$0x3FAA]  }
0x29: {  	s4 =	sld [smem:$0x3FAC]  }
0x2a: {  	p0 =	seq.s32 s5, $0x0;
	s5 =	sld [smem:$0x3FAD]  }
0x2b: {  	s6 =	sld [smem:$0x3FAE]  }
0x2c: {  	s7 =	sld [smem:$0x3FAF]  }
0x2d: {  	s3 =	simm.s32 $0x108;
	s8 =	sld [smem:$0x3FB0]  }
0x2e: {  	s3 =	simm.s32 @!p0 $0x1082;
	s9 =	sld [smem:$0x3FB1]  }
0x2f: {  	lr =	sadd.s32 s0, s3;
	s0 =	sld [smem:$0x3FA8]  }
0x30: {  	s3 =	sld [smem:$0x3FAB]  }
0x31: {  	[smem:$0x3FB4] =	sst s10  }
0x32: {  	s10 =	sld [smem:$0x3FB2];
	_ =	sdelay $0x3  }
0x33: {  	p0 =	seq.s32 s10, $0x1;
	s10 =	sld [smem:$0x3FB4];
	_ =	sdelay $0x3  }
0x34: {  	[smem:$0x3FB4] =	sst s10  }
0x35: {  	s10 =	sld [smem:$0x3FB3];
	_ =	sdelay $0x3  }
0x36: {  	p1 =	seq.s32 s10, $0x1;
	s10 =	sld [smem:$0x3FB4];
	_ =	sdelay $0x3  }
0x37: {  	[smem:$0x3FB4] =	sst s10  }
0x38: {  	s10 =	sld [smem:$0x3FB5]  }
0x39: {  	_ = 	snop;
	(pc) =	sbr.ind lr, $3  }
0x3a: {  	_ = 	snop  }
0x3b: {  	_ = 	snop  }
0x3c: {  	p2 =	seq.s32 s10, $0x1;
	s10 =	sld [smem:$0x3FB4]  }
0x3d: {  	_ =	shalt  }
0x3e: {  	_ =	shalt  }
0x3f: {  	_ =	shalt  }
0x40: {  	_ =	shalt  }
0x41: {  	_ =	shalt  }
0x42: {  	_ =	shalt  }
0x43: {  	_ =	shalt  }
0x44: {  	_ =	shalt  }
0x45: {  	_ =	shalt  }
0x46: {  	_ =	shalt  }
0x47: {  	_ =	shalt  }
0x48: {  	_ =	shalt  }
0x49: {  	_ =	shalt  }
0x4a: {  	_ =	shalt  }
0x4b: {  	_ =	shalt  }
0x4c: {  	_ =	shalt  }
0x4d: {  	_ =	shalt  }
0x4e: {  	_ =	shalt  }
0x4f: {  	_ =	shalt  }
0x50: {  	_ =	shalt  }
0x51: {  	_ =	shalt  }
0x52: {  	_ =	shalt  }
0x53: {  	_ =	shalt  }
0x54: {  	_ =	shalt  }
0x55: {  	_ =	shalt  }
0x56: {  	_ =	shalt  }
0x57: {  	_ =	shalt  }
0x58: {  	_ =	shalt  }
0x59: {  	_ =	shalt  }
0x5a: {  	_ =	shalt  }
0x5b: {  	_ =	shalt  }
0x5c: {  	_ =	shalt  }
0x5d: {  	_ =	shalt  }
0x5e: {  	_ =	shalt  }
0x5f: {  	_ =	shalt  }
0x60: {  	_ =	shalt  }
0x61: {  	_ =	shalt  }
0x62: {  	_ =	shalt  }
0x63: {  	_ =	shalt  }
0x64: {  	_ =	shalt  }
0x65: {  	_ =	shalt  }
0x66: {  	_ =	shalt  }
0x67: {  	_ =	shalt  }
0x68: {  	_ =	shalt  }
0x69: {  	_ =	shalt  }
0x6a: {  	_ =	shalt  }
0x6b: {  	_ =	shalt  }
0x6c: {  	_ =	shalt  }
0x6d: {  	_ =	shalt  }
0x6e: {  	_ =	shalt  }
0x6f: {  	_ =	shalt  }
0x70: {  	_ =	shalt  }
0x71: {  	_ =	shalt  }
0x72: {  	_ =	shalt  }
0x73: {  	_ =	shalt  }
0x74: {  	_ =	shalt  }
0x75: {  	_ =	shalt  }
0x76: {  	_ =	shalt  }
0x77: {  	_ =	shalt  }
0x78: {  	_ =	shalt  }
0x79: {  	_ =	shalt  }
0x7a: {  	_ =	shalt  }
0x7b: {  	_ =	shalt  }
0x7c: {  	_ =	shalt  }
0x7d: {  	_ =	shalt  }
0x7e: {  	_ =	shalt  }
0x7f: {  	_ =	shalt  }
0x80: {  	_ =	shalt  }
0x81: {  	_ =	shalt  }
0x82: {  	_ =	shalt  }
0x83: {  	_ =	shalt  }
0x84: {  	_ =	shalt  }
0x85: {  	_ =	shalt  }
0x86: {  	_ =	shalt  }
0x87: {  	_ =	shalt  }
.Lfunc_end0:
.L_simem_size_0:
called_computation.1_lowered:
.L_overlay_start_0:
0x88: {  	s2 =	sld [smem:$0x3FD9]  }
0x89: {  	s3 =	sld [smem:$0x3FFE];
	_ =	sdelay $0x1  }
0x8a: {  	s1 =	srdreg.scid  }
0x8b: {  	s0 =	sand.u32 $0x1, s1  }
0x8c: {  	s17 =	sshll.u32 s0, $0xA;
	s2 =	sadd.s32 s3, s2  }
0x8d: {  	s2 =	sadd.s32 s2, s17  }
0x8e: {  	[smem:$0x3FC0] =	sst s2  }
0x8f: {  	_ = 	snop  }
0x90: {  	s2 =	sld [smem:$0x3FD0];
	(tm) =	ssettm $0x1  }
0x91: {  	s18 =	sld [smem:$0x3FFB];
	_ =	sdelay $0x3  }
0x92: {  	_ =	strace s18  }
0x93: {  	s3 =	sld [smem:$0x3FFC];
	_ =	sdelay $0x3  }
0x94: {  	_ =	strace s3  }
0x95: {  	s3 =	sld [smem:$0x3FFD];
	_ =	sdelay $0x3  }
0x96: {  	_ =	strace s3  }
0x97: {  	_ =	strace $0x8FFFFFFF  }
0x98: {  	s19 =	sld [smem:$0x3FDB];
	_ =	sdelay $0x1  }
0x99: {  	s4 =	simm.s32 $_scs_section_size  }
0x9a: {  	s5 =	simm.s32 $_size__tile_overlayer_lowered;
	s6 =	simm.s32 $_tile_overlayer_lowered  }
0x9b: {  	s22 =	simm.s32 $0x1BFF;
	s21 =	sshll.u32 s6, $0x1;
	s3 =	sadd.s32 s4, s19  }
0x9c: {  	s7 =	simm.s32 $0x0;
	s20 =	sshll.u32 s5, $0x1;
	s5 =	sadd.s32 s21, s3  }
0x9d: {  	[timem:s7], [sflag:s22] =	dma.local [hbm:s5], s20  }
0x9e: {  	_ =	swait.ge [sflag:s22], s20  }
0x9f: {  	s4 =	ssub.s32 $0x0, s20;
	[sflag:s22] =	ssyncset.done $0x0  }
0xa0: {  	[sflag:s22] =	ssyncadd.s32 s4;
	_ =	sdelay $0x1  }
0xa1: {  	s23 =	simm.s32 $0x1B8B  }
0xa2: {  	_ =	swait.ge [sflag:s23], $0x1  }
0xa3: {  	[sflag:s23] =	ssyncset.done $0x0  }
0xa4: {  	s25 =	simm.s32 $0x1B8E;
	s24 =	sld [smem:$0x3FFE];
	[sflag:s23] =	ssyncadd.s32 $0xFFFFFFFF  }
0xa5: {  	s26 =	simm.s32 $execute0_lowered;
	[smem:$0x3FD2] =	sst s25  }
0xa6: {  	s5 =	sshll.u32 s26, $0x1;
	_ =	strace $0x80000049;
	[dreg:$0x1] =	wrdreg $0xFFFFFFFF  }
0xa7: {  	s28 =	simm.s32 $_size_execute0_lowered;
	s3 =	sadd.s32 s3, s5;
	[dreg:$0x0] =	wrdreg $0x0  }
0xa8: {  	s5 =	sshll.u32 s28, $0x1;
	[dreg:$0x2] =	wrdreg s3  }
0xa9: {  	[dreg:$0x3] =	wrdreg s5  }
0xaa: {  	[dreg:$0x4] =	wrdreg $0xC0  }
0xab: {  	_ =	task [dreg:s7], $0x5FFFF  }
0xac: {  	[dreg:$0x1] =	wrdreg $0xFFFFFFFF  }
0xad: {  	[dreg:$0x0] =	wrdreg $0x60  }
0xae: {  	[dreg:$0x2] =	wrdreg s2  }
0xaf: {  	[dreg:$0x3] =	wrdreg s24  }
0xb0: {  	[dreg:$0x4] =	wrdreg $0x132000  }
0xb1: {  	[dreg:$0x5] =	wrdreg $0x9  }
0xb2: {  	_ =	task.clear_ibuf [dreg:s7], $0x6FFFF;
	_ =	strace $0x90000049  }
0xb3: {  	s29 =	simm.s32 $0x9;
	_ =	strace $0x8000004B  }
0xb4: {  	_ =	swait.ge [sflag:s29], $0x1  }
0xb5: {  	[sflag:s29] =	ssyncadd.s32 $0xFFFFFFFF  }
0xb6: {  	_ =	strace $0x9000004B  }
0xb7: {  	_ =	sfence  }
0xb8: {  	s30 =	sld [smem:$0x0];
	_ =	sdelay $0x2  }
0xb9: {  	s31 =	sshll.u32 s1, $0xD;
	s1 =	sshrl.u32 s1, $0x2  }
0xba: {  	s3 =	sand.u32 $0x4000, s31;
	s1 =	sadd.s32 s1, s30  }
0xbb: {  	s0 =	sor.u32 s3, s0;
	s1 =	sshll.u32 s1, $0x11  }
0xbc: {  	s0 =	sor.u32 s1, s0  }
0xbd: {  	s0 =	sadd.s32 $0x8F2B, s0  }
0xbe: {  	[sflag:s0] =	ssyncadd.remote.s32 $0x1  }
0xbf: {  	_ =	sfence.sel $0xFFFF  }
0xc0: {  	[dreg:$0x0] =	wrdreg $0xFFFFFFFF;
	(pc) =	sbr.abs _section_cstart, $3  }
0xc1: {  	[dreg:$0x1] =	wrdreg $0xFFFFFFFF  }
0xc2: {  	_ =	task.clear_ibuf [dreg:s7], $0x2FFFF;
	_ =	strace $0x9FFFFFFF  }
0xc3: {  	(tm) =	ssettm $0x7FFFFFFF  }
tec
execute0_lowered:
.L_overlay_start_1:
0x0: {  	(tag) =	ssettag $0x1  }
0x1: {  	s1 =	rddreg [dreg:$0x0]  }
0x2: {  	s0 =	rddreg [dreg:$0x1]  }
0x3: {  	s2 =	rddreg [dreg:$0x2];
	s3 =	simm.s32 $0x0  }
0x4: {  	s24 =	stileid.u32;
	s4 =	srdreg.scid;
	s16 =	simm.s32 $0xB200  }
0x5: {  	s17 =	simm.s32 $0x3;
	s18 =	simm.s32 $0x800;
	s19 =	simm.s32 $0x1  }
0x6: {  	s20 =	simm.s32 $0x40;
	s29 =	simm.s32 $0xF200;
	s30 =	simm.s32 $0x11200  }
0x7: {  	s31 =	simm.s32 $0x80;
	[smem:$0x7FF] =	sst s3;
	s7 =	smul.u32 $0x27200, s24  }
0x8: {  	s5 =	sadd.s32 $0xC000, s0;
	s6 =	sadd.s32 $0x2000, s0;
	s13 =	smul.u32 $0x138, s24  }
0x9: {  	s0 =	sadd.s32 $0x16000, s0;
	s4 =	sand.u32 $0x1, s4;
	s11 =	smul.u32 $0x27000, s24  }
0xa: {  	p0 =	sne.s32 s24, $0x0;
	_ =	strace $0x8000004A;
	s9 =	smul.u32 $0x1388, s4  }
0xb: {  	s8 =	ssub.s32 $0x2, s4;
	s4 =	smul.u32 $0x9C400, s4;
	s7 =	sshrl.u32 s7, $0x2  }
0xc: {  	s10 =	sshrl.u32 s8, $0x1;
	s11 =	sshrl.u32 s11, $0x2;
	s14 =	sadd.s32 $0x80, s13  }
0xd: {  	s7 =	sadd.s32 s7, s2;
	s8 =	ssub.s32 s8, s10;
	s10 =	smul.u32 $0x5000, s24  }
0xe: {  	s12 =	sadd.s32 s13, s9;
	s25 =	sadd.s32 s9, s14;
	s14 =	sshll.u32 s14, $0x7  }
0xf: {  	s13 =	sadd.s32 $0x100, s13;
	s4 =	sshrl.u32 s4, $0x3;
	s21 =	sadd.s32 $0x4000, s7  }
0x10: {  	s22 =	sadd.s32 $0x8000, s7;
	s12 =	sshll.u32 s12, $0x4;
	s28 =	sshll.u32 s13, $0x7  }
0x11: {  	s13 =	sadd.s32 s9, s13;
	s4 =	sadd.s32 s0, s4;
	[dreg:$0x4] =	wrdreg s21  }
0x12: {  	s15 =	smax.u32 s8, $0x1;
	[dreg:$0x5] =	wrdreg s22;
	s21 =	sadd.s32 s11, s2  }
0x13: {  	s23 =	sadd.s32 s0, s12;
	s12 =	sshll.u32 s25, $0x4;
	s22 =	sadd.s32 s14, s2  }
0x14: {  	s13 =	sshll.u32 s13, $0x4;
	s4 =	sadd.s32 $0x13800, s4;
	[dreg:$0x6] =	wrdreg s23  }
0x15: {  	s26 =	sadd.s32 s0, s12;
	s23 =	sadd.s32 s28, s2;
	[dreg:$0x9] =	wrdreg s4  }
0x16: {  	s0 =	sadd.s32 s0, s13;
	s21 =	sshrl.u32 s21, $0x3;
	[dreg:$0x7] =	wrdreg s26  }
0x17: {  	v1 =	vimm.f32 $0.0e+00;
	s22 =	sshrl.u32 s22, $0x3;
	[dreg:$0x8] =	wrdreg s0;
	s0 =	sadd.s32 $0x9C000, s2  }
0x18: {  	v2 =	vimm.s32 $0x0;
	v3 =	vimm.s32 $0x1388;
	v0 =	vmov s9;
	s23 =	sshrl.u32 s23, $0x3;
	s24 =	sshrl.u32 @!p0 s0, $0x3;
	s0 =	simm.s32 $0x2  }
.LBB2_1:
0x19: {  	s4 =	simm.s32 $0x0;
	s8 =	simm.s32 $0x200  }
.LBB2_2:
0x1a: {  	p1 =	sne.s32 s8, $0xFE00;
	[tilespmem:s4+$0xB270] =	vst v1  }
0x1b: {  	[tilespmem:s4+$0xB200] =	vst v1  }
0x1c: {  	[tilespmem:s4+$0xB210] =	vst v1  }
.Ltmp0:
0x1d: {  	[tilespmem:s4+$0xB220] =	vst v1;
	(pc) =	sbr.rel @p1 .LBB2_2-.Ltmp0, $4  }
0x1e: {  	[tilespmem:s4+$0xB230] =	vst v1  }
0x1f: {  	[tilespmem:s4+$0xB240] =	vst v1  }
0x20: {  	[tilespmem:s4+$0xB250] =	vst v1  }
0x21: {  	[tilespmem:s4+$0xB260] =	vst v1;
	s4 =	sshra.s32 s8, $0x2;
	s8 =	sadd.s32 $0x200, s8  }
0x22: {  	[tilespmem:s4+$0xB270] =	vst v1  }
0x23: {  	[tilespmem:s4+$0xB200] =	vst v1  }
0x24: {  	[tilespmem:s4+$0xB210] =	vst v1  }
0x25: {  	[tilespmem:s4+$0xB220] =	vst v1  }
0x26: {  	[tilespmem:s4+$0xB230] =	vst v1  }
0x27: {  	[tilespmem:s4+$0xB240] =	vst v1  }
0x28: {  	[tilespmem:s4+$0xB250] =	vst v1  }
0x29: {  	[tilespmem:s4+$0xB260] =	vst v1  }
0x2a: {  	[spmem:s7] =	stream.linear.scatter [tilespmem:s16], [sflag:$0x3], $0x4000, $0x38;
	[tilespmem:$0x1CE80] =	vst v63  }
0x2b: {  	_ =	swait.ge [sflag:s17], $0x4000  }
0x2c: {  	[sflag:s17] =	ssyncset.done $0x0  }
0x2d: {  	s26 =	rddreg [dreg:$0x4];
	[sflag:s17] =	ssyncadd.s32 $0xFFFFC000  }
0x2e: {  	[spmem:s26] =	stream.linear.scatter [tilespmem:s16], [sflag:$0x3], $0x4000, $0x38;
	[tilespmem:$0x1CE80] =	vst v63  }
0x2f: {  	_ =	swait.ge [sflag:s17], $0x4000  }
0x30: {  	[sflag:s17] =	ssyncset.done $0x0  }
0x31: {  	s28 =	rddreg [dreg:$0x5];
	[sflag:s17] =	ssyncadd.s32 $0xFFFFC000  }
0x32: {  	[spmem:s28] =	stream.linear.scatter [tilespmem:s16], [sflag:$0x3], $0x1C80, $0x38;
	[tilespmem:$0x1CE80] =	vst v63  }
0x33: {  	_ =	swait.ge [sflag:s17], $0x1C80  }
0x34: {  	s25 =	simm.s32 $0x0;
	[sflag:s17] =	ssyncset.done $0x0  }
0x35: {  	s8 =	simm.s32 $0x0;
	s26 =	simm.s32 $0x0;
	[sflag:s17] =	ssyncadd.s32 $0xFFFFE380  }
.LBB2_4:
0x36: {  	s4 =	sshll.u32 s26, $0xB  }
0x37: {  	s4 =	sadd.s32 s10, s4  }
0x38: {  	s4 =	sshrl.u32 s4, $0x3  }
0x39: {  	s9 =	sadd.s32 s5, s4  }
0x3a: {  	[tilespmem:s25], [sflag:$0x3] =	stream.linear.gather [hbm4b:s9+s25], $0x800, $0x38;
	[tilespmem:$0x1CE80] =	vst v63  }
0x3b: {  	_ =	swait.ge [sflag:s17], $0x800  }
0x3c: {  	[sflag:s17] =	ssyncset.done $0x0  }
0x3d: {  	s4 =	sadd.s32 s6, s4;
	[sflag:s17] =	ssyncadd.s32 $0xFFFFF800  }
0x3e: {  	[tilespmem:s18], [sflag:$0x3] =	stream.linear.gather [hbm4b:s4+s25], $0x800, $0x38;
	[tilespmem:$0x1CE80] =	vst v63  }
0x3f: {  	_ =	swait.ge [sflag:s17], $0x800  }
0x40: {  	[sflag:s17] =	ssyncset.done $0x0  }
0x41: {  	s4 =	simm.s32 $0x0;
	[sflag:s17] =	ssyncadd.s32 $0xFFFFF800  }
0x42: {  	v4 =	vld [tilespmem:s4+$0x800];
	_ =	sdelay $0x2  }
0x43: {  	v5 =	vld [tilespmem:s4+$0x0];
	_ =	sdelay $0x1  }
0x44: {  	v4 =	vsub.s32 v4, v0  }
0x45: {  	vm0 =	vlt.u32 v4, $0x1388  }
0x46: {  	[tilespmem:s8+$0x6100] =	vst.msk vm0, v4;
	v4 =	vsel vm0, $0x1, v2  }
0x47: {  	[tilespmem:s8+$0x1000] =	vst.msk vm0, v5;
	(xrf0) =	vadd.scan.msk.s32 $0xffff, v4  }
0x48: {  	v4 =	vld [tilespmem:s4+$0x810];
	_ =	sdelay $0x4  }
0x49: {  	v4 =	vsub.s32 v4, v0;
	v5, _, _ =	vpop (xrf0)  }
0x4a: {  	vm9 =	vlt.u32 v4, $0x1388;
	(v2sf) =	vpush v5, $0xF  }
0x4b: {  	v5 =	vsel vm9, $0x1, v2  }
0x4c: {  	(xrf0) =	vadd.scan.msk.s32 $0xffff, v5;
	_ =	sdelay $0x5  }
0x4d: {  	v5, _, _ =	vpop (xrf0)  }
0x4e: {  	(v2sf) =	vpush v5, $0xF;
	_ =	sdelay $0x3  }
0x4f: {  	v5 =	vld [tilespmem:s4+$0x10];
	_ =	sdelay $0x1  }
0x50: {  	s11 =	spop (v2sf)  }
0x51: {  	s12 =	sadd.s32 s8, s11  }
0x52: {  	[tilespmem:s12+$0x6100] =	vst.msk vm9, v4  }
0x53: {  	[tilespmem:s12+$0x1000] =	vst.msk vm9, v5  }
0x54: {  	v4 =	vld [tilespmem:s4+$0x820];
	_ =	sdelay $0x2  }
0x55: {  	v5 =	vld [tilespmem:s4+$0x20];
	_ =	sdelay $0x1  }
0x56: {  	v4 =	vsub.s32 v4, v0;
	s13 =	spop (v2sf)  }
0x57: {  	s8 =	sadd.s32 s12, s13;
	vm10 =	vlt.u32 v4, $0x1388  }
0x58: {  	[tilespmem:s8+$0x6100] =	vst.msk vm10, v4;
	v4 =	vsel vm10, $0x1, v2  }
0x59: {  	[tilespmem:s8+$0x1000] =	vst.msk vm10, v5;
	(xrf0) =	vadd.scan.msk.s32 $0xffff, v4  }
0x5a: {  	v4 =	vld [tilespmem:s4+$0x830];
	_ =	sdelay $0x4  }
0x5b: {  	v4 =	vsub.s32 v4, v0;
	v5, _, _ =	vpop (xrf0)  }
0x5c: {  	vm11 =	vlt.u32 v4, $0x1388;
	(v2sf) =	vpush v5, $0xF  }
0x5d: {  	v5 =	vsel vm11, $0x1, v2  }
0x5e: {  	(xrf0) =	vadd.scan.msk.s32 $0xffff, v5;
	_ =	sdelay $0x5  }
0x5f: {  	v5, _, _ =	vpop (xrf0)  }
0x60: {  	(v2sf) =	vpush v5, $0xF;
	_ =	sdelay $0x3  }
0x61: {  	v5 =	vld [tilespmem:s4+$0x30];
	_ =	sdelay $0x1  }
0x62: {  	s14 =	spop (v2sf)  }
0x63: {  	s8 =	sadd.s32 s8, s14  }
0x64: {  	[tilespmem:s8+$0x6100] =	vst.msk vm11, v4  }
0x65: {  	[tilespmem:s8+$0x1000] =	vst.msk vm11, v5  }
0x66: {  	v4 =	vld [tilespmem:s4+$0x840];
	_ =	sdelay $0x2  }
0x67: {  	v5 =	vld [tilespmem:s4+$0x40];
	_ =	sdelay $0x1  }
0x68: {  	v4 =	vsub.s32 v4, v0;
	s11 =	spop (v2sf)  }
0x69: {  	s8 =	sadd.s32 s8, s11;
	vm12 =	vlt.u32 v4, $0x1388  }
0x6a: {  	[tilespmem:s8+$0x6100] =	vst.msk vm12, v4;
	v4 =	vsel vm12, $0x1, v2  }
0x6b: {  	[tilespmem:s8+$0x1000] =	vst.msk vm12, v5;
	(xrf0) =	vadd.scan.msk.s32 $0xffff, v4  }
0x6c: {  	v4 =	vld [tilespmem:s4+$0x850];
	_ =	sdelay $0x4  }
0x6d: {  	v4 =	vsub.s32 v4, v0;
	v5, _, _ =	vpop (xrf0)  }
0x6e: {  	vm13 =	vlt.u32 v4, $0x1388;
	(v2sf) =	vpush v5, $0xF  }
0x6f: {  	v5 =	vsel vm13, $0x1, v2  }
0x70: {  	(xrf0) =	vadd.scan.msk.s32 $0xffff, v5;
	_ =	sdelay $0x5  }
0x71: {  	v5, _, _ =	vpop (xrf0)  }
0x72: {  	(v2sf) =	vpush v5, $0xF;
	_ =	sdelay $0x3  }
0x73: {  	v5 =	vld [tilespmem:s4+$0x50];
	_ =	sdelay $0x1  }
0x74: {  	s12 =	spop (v2sf)  }
0x75: {  	s8 =	sadd.s32 s8, s12  }
0x76: {  	[tilespmem:s8+$0x6100] =	vst.msk vm13, v4  }
0x77: {  	[tilespmem:s8+$0x1000] =	vst.msk vm13, v5  }
0x78: {  	v4 =	vld [tilespmem:s4+$0x860];
	_ =	sdelay $0x2  }
0x79: {  	v5 =	vld [tilespmem:s4+$0x60];
	_ =	sdelay $0x1  }
0x7a: {  	v4 =	vsub.s32 v4, v0;
	s13 =	spop (v2sf)  }
0x7b: {  	s8 =	sadd.s32 s8, s13;
	vm14 =	vlt.u32 v4, $0x1388  }
0x7c: {  	[tilespmem:s8+$0x6100] =	vst.msk vm14, v4;
	v4 =	vsel vm14, $0x1, v2  }
0x7d: {  	[tilespmem:s8+$0x1000] =	vst.msk vm14, v5;
	(xrf0) =	vadd.scan.msk.s32 $0xffff, v4  }
0x7e: {  	v4 =	vld [tilespmem:s4+$0x870];
	_ =	sdelay $0x4  }
0x7f: {  	v4 =	vsub.s32 v4, v0;
	v5, _, _ =	vpop (xrf0)  }
0x80: {  	vm15 =	vlt.u32 v4, $0x1388;
	(v2sf) =	vpush v5, $0xF  }
0x81: {  	v5 =	vsel vm15, $0x1, v2  }
0x82: {  	(xrf0) =	vadd.scan.msk.s32 $0xffff, v5;
	_ =	sdelay $0x5  }
0x83: {  	v5, _, _ =	vpop (xrf0)  }
0x84: {  	(v2sf) =	vpush v5, $0xF;
	_ =	sdelay $0x3  }
0x85: {  	v5 =	vld [tilespmem:s4+$0x70];
	_ =	sdelay $0x1  }
0x86: {  	s14 =	spop (v2sf)  }
0x87: {  	s9 =	sadd.s32 s8, s14  }
0x88: {  	[tilespmem:s9+$0x6100] =	vst.msk vm15, v4  }
0x89: {  	s28 =	simm.s32 $0x80;
	[tilespmem:s9+$0x1000] =	vst.msk vm15, v5  }
0x8a: {  	v5 =	vld [tilespmem:s28+$0x800];
	_ =	sdelay $0x3  }
0x8b: {  	v4 =	vld [tilespmem:s28+$0x0]  }
0x8c: {  	s4 =	simm.s32 $0x400;
	v5 =	vsub.s32 v5, v0;
	s8 =	spop (v2sf)  }
.LBB2_5:
0x8d: {  	p1 =	sne.s32 s4, $0x1E00  }
0x8e: {  	vm0 =	vlt.u32 v5, $0x1388;
	s9 =	sadd.s32 s9, s8;
	s8 =	smov.u32 s4;
	s4 =	sadd.s32 $0x200, s4  }
0x8f: {  	[tilespmem:s9+$0x6100] =	vst.msk vm0, v5;
	v5 =	vsel vm0, $0x1, v2  }
0x90: {  	[tilespmem:s9+$0x1000] =	vst.msk vm0, v4;
	(xrf0) =	vadd.scan.msk.s32 $0xffff, v5  }
0x91: {  	v4 =	vld [tilespmem:s28+$0x810];
	_ =	sdelay $0x4  }
0x92: {  	v4 =	vsub.s32 v4, v0;
	v5, _, _ =	vpop (xrf0)  }
0x93: {  	vm0 =	vlt.u32 v4, $0x1388;
	(v2sf) =	vpush v5, $0xF  }
0x94: {  	v5 =	vsel vm0, $0x1, v2  }
0x95: {  	(xrf0) =	vadd.scan.msk.s32 $0xffff, v5;
	_ =	sdelay $0x5  }
0x96: {  	v5, _, _ =	vpop (xrf0)  }
0x97: {  	(v2sf) =	vpush v5, $0xF;
	_ =	sdelay $0x3  }
0x98: {  	v5 =	vld [tilespmem:s28+$0x10];
	_ =	sdelay $0x1  }
0x99: {  	s11 =	spop (v2sf)  }
0x9a: {  	s9 =	sadd.s32 s9, s11  }
0x9b: {  	[tilespmem:s9+$0x6100] =	vst.msk vm0, v4  }
0x9c: {  	[tilespmem:s9+$0x1000] =	vst.msk vm0, v5  }
0x9d: {  	v4 =	vld [tilespmem:s28+$0x820];
	_ =	sdelay $0x2  }
0x9e: {  	v5 =	vld [tilespmem:s28+$0x20];
	_ =	sdelay $0x1  }
0x9f: {  	v4 =	vsub.s32 v4, v0;
	s11 =	spop (v2sf)  }
0xa0: {  	s9 =	sadd.s32 s9, s11;
	vm0 =	vlt.u32 v4, $0x1388  }
0xa1: {  	[tilespmem:s9+$0x6100] =	vst.msk vm0, v4;
	v4 =	vsel vm0, $0x1, v2  }
0xa2: {  	[tilespmem:s9+$0x1000] =	vst.msk vm0, v5;
	(xrf0) =	vadd.scan.msk.s32 $0xffff, v4  }
0xa3: {  	v4 =	vld [tilespmem:s28+$0x830];
	_ =	sdelay $0x4  }
0xa4: {  	v4 =	vsub.s32 v4, v0;
	v5, _, _ =	vpop (xrf0)  }
0xa5: {  	vm0 =	vlt.u32 v4, $0x1388;
	(v2sf) =	vpush v5, $0xF  }
0xa6: {  	v5 =	vsel vm0, $0x1, v2  }
0xa7: {  	(xrf0) =	vadd.scan.msk.s32 $0xffff, v5;
	_ =	sdelay $0x5  }
0xa8: {  	v5, _, _ =	vpop (xrf0)  }
0xa9: {  	(v2sf) =	vpush v5, $0xF;
	_ =	sdelay $0x3  }
0xaa: {  	v5 =	vld [tilespmem:s28+$0x30];
	_ =	sdelay $0x1  }
0xab: {  	s11 =	spop (v2sf)  }
0xac: {  	s9 =	sadd.s32 s9, s11  }
0xad: {  	[tilespmem:s9+$0x6100] =	vst.msk vm0, v4  }
0xae: {  	[tilespmem:s9+$0x1000] =	vst.msk vm0, v5  }
0xaf: {  	v4 =	vld [tilespmem:s28+$0x840];
	_ =	sdelay $0x2  }
0xb0: {  	v5 =	vld [tilespmem:s28+$0x40];
	_ =	sdelay $0x1  }
0xb1: {  	v4 =	vsub.s32 v4, v0;
	s11 =	spop (v2sf)  }
0xb2: {  	s9 =	sadd.s32 s9, s11;
	vm0 =	vlt.u32 v4, $0x1388  }
0xb3: {  	[tilespmem:s9+$0x6100] =	vst.msk vm0, v4;
	v4 =	vsel vm0, $0x1, v2  }
0xb4: {  	[tilespmem:s9+$0x1000] =	vst.msk vm0, v5;
	(xrf0) =	vadd.scan.msk.s32 $0xffff, v4  }
0xb5: {  	v4 =	vld [tilespmem:s28+$0x850]  }
0xb6: {  	v5 =	vld [tilespmem:s28+$0x50];
	_ =	sdelay $0x3  }
0xb7: {  	v4 =	vsub.s32 v4, v0;
	v6, _, _ =	vpop (xrf0)  }
0xb8: {  	vm0 =	vlt.u32 v4, $0x1388;
	(v2sf) =	vpush v6, $0xF  }
0xb9: {  	v6 =	vsel vm0, $0x1, v2  }
0xba: {  	(xrf0) =	vadd.scan.msk.s32 $0xffff, v6;
	_ =	sdelay $0x5  }
0xbb: {  	v6, _, _ =	vpop (xrf0)  }
0xbc: {  	(v2sf) =	vpush v6, $0xF;
	_ =	sdelay $0x5  }
0xbd: {  	s11 =	spop (v2sf)  }
0xbe: {  	s9 =	sadd.s32 s9, s11  }
0xbf: {  	[tilespmem:s9+$0x6100] =	vst.msk vm0, v4  }
0xc0: {  	[tilespmem:s9+$0x1000] =	vst.msk vm0, v5  }
0xc1: {  	v4 =	vld [tilespmem:s28+$0x860]  }
0xc2: {  	v5 =	vld [tilespmem:s28+$0x60];
	_ =	sdelay $0x3  }
0xc3: {  	v4 =	vsub.s32 v4, v0;
	s11 =	spop (v2sf)  }
0xc4: {  	s9 =	sadd.s32 s9, s11;
	vm0 =	vlt.u32 v4, $0x1388  }
0xc5: {  	[tilespmem:s9+$0x6100] =	vst.msk vm0, v4;
	v4 =	vsel vm0, $0x1, v2  }
0xc6: {  	[tilespmem:s9+$0x1000] =	vst.msk vm0, v5;
	(xrf0) =	vadd.scan.msk.s32 $0xffff, v4  }
0xc7: {  	v4 =	vld [tilespmem:s28+$0x870]  }
0xc8: {  	v5 =	vld [tilespmem:s28+$0x70];
	_ =	sdelay $0x3  }
0xc9: {  	v4 =	vsub.s32 v4, v0;
	v6, _, _ =	vpop (xrf0)  }
0xca: {  	vm0 =	vlt.u32 v4, $0x1388;
	(v2sf) =	vpush v6, $0xF  }
0xcb: {  	v6 =	vsel vm0, $0x1, v2  }
0xcc: {  	(xrf0) =	vadd.scan.msk.s32 $0xffff, v6;
	_ =	sdelay $0x5  }
0xcd: {  	v6, _, _ =	vpop (xrf0)  }
0xce: {  	(v2sf) =	vpush v6, $0xF;
	_ =	sdelay $0x5  }
0xcf: {  	s11 =	spop (v2sf)  }
0xd0: {  	s9 =	sadd.s32 s9, s11  }
0xd1: {  	[tilespmem:s9+$0x6100] =	vst.msk vm0, v4  }
0xd2: {  	s28 =	sshra.s32 s8, $0x2;
	[tilespmem:s9+$0x1000] =	vst.msk vm0, v5  }
0xd3: {  	v5 =	vld [tilespmem:s28+$0x800]  }
.Ltmp1:
0xd4: {  	(pc) =	sbr.rel @p1 .LBB2_5-.Ltmp1, $3  }
0xd5: {  	_ = 	snop  }
0xd6: {  	v4 =	vld [tilespmem:s28+$0x0];
	_ =	sdelay $0x1  }
0xd7: {  	v5 =	vsub.s32 v5, v0;
	s8 =	spop (v2sf)  }
0xd8: {  	vm0 =	vlt.u32 v5, $0x1388;
	s4 =	sadd.s32 s9, s8  }
0xd9: {  	[tilespmem:s4+$0x6100] =	vst.msk vm0, v5;
	v5 =	vsel vm0, $0x1, v2  }
0xda: {  	[tilespmem:s4+$0x1000] =	vst.msk vm0, v4;
	(xrf0) =	vadd.scan.msk.s32 $0xffff, v5  }
0xdb: {  	v4 =	vld [tilespmem:s28+$0x810];
	_ =	sdelay $0x4  }
0xdc: {  	v4 =	vsub.s32 v4, v0;
	v5, _, _ =	vpop (xrf0)  }
0xdd: {  	vm9 =	vlt.u32 v4, $0x1388;
	(v2sf) =	vpush v5, $0xF  }
0xde: {  	v5 =	vsel vm9, $0x1, v2  }
0xdf: {  	(xrf0) =	vadd.scan.msk.s32 $0xffff, v5;
	_ =	sdelay $0x5  }
0xe0: {  	v5, _, _ =	vpop (xrf0)  }
0xe1: {  	(v2sf) =	vpush v5, $0xF;
	_ =	sdelay $0x3  }
0xe2: {  	v5 =	vld [tilespmem:s28+$0x10];
	_ =	sdelay $0x1  }
0xe3: {  	s13 =	spop (v2sf)  }
0xe4: {  	s4 =	sadd.s32 s4, s13  }
0xe5: {  	[tilespmem:s4+$0x6100] =	vst.msk vm9, v4  }
0xe6: {  	[tilespmem:s4+$0x1000] =	vst.msk vm9, v5  }
0xe7: {  	v4 =	vld [tilespmem:s28+$0x820];
	_ =	sdelay $0x2  }
0xe8: {  	v5 =	vld [tilespmem:s28+$0x20];
	_ =	sdelay $0x1  }
0xe9: {  	v4 =	vsub.s32 v4, v0;
	s14 =	spop (v2sf)  }
0xea: {  	s4 =	sadd.s32 s4, s14;
	vm10 =	vlt.u32 v4, $0x1388  }
0xeb: {  	[tilespmem:s4+$0x6100] =	vst.msk vm10, v4;
	v4 =	vsel vm10, $0x1, v2  }
0xec: {  	[tilespmem:s4+$0x1000] =	vst.msk vm10, v5;
	(xrf0) =	vadd.scan.msk.s32 $0xffff, v4  }
0xed: {  	v4 =	vld [tilespmem:s28+$0x830];
	_ =	sdelay $0x4  }
0xee: {  	v4 =	vsub.s32 v4, v0;
	v5, _, _ =	vpop (xrf0)  }
0xef: {  	vm11 =	vlt.u32 v4, $0x1388;
	(v2sf) =	vpush v5, $0xF  }
0xf0: {  	v5 =	vsel vm11, $0x1, v2  }
0xf1: {  	(xrf0) =	vadd.scan.msk.s32 $0xffff, v5;
	_ =	sdelay $0x5  }
0xf2: {  	v5, _, _ =	vpop (xrf0)  }
0xf3: {  	(v2sf) =	vpush v5, $0xF;
	_ =	sdelay $0x3  }
0xf4: {  	v5 =	vld [tilespmem:s28+$0x30];
	_ =	sdelay $0x1  }
0xf5: {  	s9 =	spop (v2sf)  }
0xf6: {  	s4 =	sadd.s32 s4, s9  }
0xf7: {  	[tilespmem:s4+$0x6100] =	vst.msk vm11, v4  }
0xf8: {  	[tilespmem:s4+$0x1000] =	vst.msk vm11, v5  }
0xf9: {  	v4 =	vld [tilespmem:s28+$0x840];
	_ =	sdelay $0x2  }
0xfa: {  	v5 =	vld [tilespmem:s28+$0x40];
	_ =	sdelay $0x1  }
0xfb: {  	v4 =	vsub.s32 v4, v0;
	s11 =	spop (v2sf)  }
0xfc: {  	s4 =	sadd.s32 s4, s11;
	vm12 =	vlt.u32 v4, $0x1388  }
0xfd: {  	[tilespmem:s4+$0x6100] =	vst.msk vm12, v4;
	v4 =	vsel vm12, $0x1, v2  }
0xfe: {  	[tilespmem:s4+$0x1000] =	vst.msk vm12, v5;
	(xrf0) =	vadd.scan.msk.s32 $0xffff, v4  }
0xff: {  	v4 =	vld [tilespmem:s28+$0x850];
	_ =	sdelay $0x4  }
0x100: {  	v4 =	vsub.s32 v4, v0;
	v5, _, _ =	vpop (xrf0)  }
0x101: {  	vm13 =	vlt.u32 v4, $0x1388;
	(v2sf) =	vpush v5, $0xF  }
0x102: {  	v5 =	vsel vm13, $0x1, v2  }
0x103: {  	(xrf0) =	vadd.scan.msk.s32 $0xffff, v5;
	_ =	sdelay $0x5  }
0x104: {  	v5, _, _ =	vpop (xrf0)  }
0x105: {  	(v2sf) =	vpush v5, $0xF;
	_ =	sdelay $0x3  }
0x106: {  	v5 =	vld [tilespmem:s28+$0x50];
	_ =	sdelay $0x1  }
0x107: {  	s12 =	spop (v2sf)  }
0x108: {  	s4 =	sadd.s32 s4, s12  }
0x109: {  	[tilespmem:s4+$0x6100] =	vst.msk vm13, v4  }
0x10a: {  	[tilespmem:s4+$0x1000] =	vst.msk vm13, v5  }
0x10b: {  	v4 =	vld [tilespmem:s28+$0x860];
	_ =	sdelay $0x2  }
0x10c: {  	v5 =	vld [tilespmem:s28+$0x60];
	_ =	sdelay $0x1  }
0x10d: {  	v4 =	vsub.s32 v4, v0;
	s13 =	spop (v2sf)  }
0x10e: {  	s4 =	sadd.s32 s4, s13;
	vm14 =	vlt.u32 v4, $0x1388  }
0x10f: {  	[tilespmem:s4+$0x6100] =	vst.msk vm14, v4  }
0x110: {  	[tilespmem:s4+$0x1000] =	vst.msk vm14, v5  }
0x111: {  	v4 =	vld [tilespmem:s28+$0x870];
	_ =	sdelay $0x4  }
0x112: {  	v5 =	vsel vm14, $0x1, v2;
	v4 =	vsub.s32 v4, v0  }
0x113: {  	(xrf0) =	vadd.scan.msk.s32 $0xffff, v5;
	vm15 =	vlt.u32 v4, $0x1388  }
0x114: {  	v5 =	vsel vm15, $0x1, v2  }
0x115: {  	(xrf0) =	vadd.scan.msk.s32 $0xffff, v5;
	_ =	sdelay $0x3  }
0x116: {  	v5, _, _ =	vpop (xrf0)  }
0x117: {  	(v2sf) =	vpush v5, $0xF  }
0x118: {  	v5, _, _ =	vpop (xrf0)  }
0x119: {  	(v2sf) =	vpush v5, $0xF;
	_ =	sdelay $0x9  }
0x11a: {  	s26 =	sadd.s32 $0x1, s26  }
0x11b: {  	p1 =	seq.s32 s26, $0xA;
	v5 =	vld [tilespmem:s28+$0x70]  }
.Ltmp2:
0x11c: {  	_ = 	snop;
	(pc) =	sbr.rel @!p1 .LBB2_4-.Ltmp2, $4  }
0x11d: {  	s14 =	spop (v2sf)  }
0x11e: {  	s4 =	sadd.s32 s4, s14  }
0x11f: {  	[tilespmem:s4+$0x6100] =	vst.msk vm15, v4;
	s28 =	spop (v2sf)  }
0x120: {  	[tilespmem:s4+$0x1000] =	vst.msk vm15, v5;
	s8 =	sadd.s32 s4, s28  }
0x121: {  	[tilespmem:s8+$0x1000] =	vst v2  }
0x122: {  	[tilespmem:s8+$0x6100] =	vst v3  }
0x123: {  	[tilespmem:s8+$0x1010] =	vst v2  }
0x124: {  	[tilespmem:s8+$0x6110] =	vst v3  }
0x125: {  	[tilespmem:s8+$0x1020] =	vst v2  }
0x126: {  	[tilespmem:s8+$0x6120] =	vst v3  }
0x127: {  	[tilespmem:s8+$0x1030] =	vst v2  }
0x128: {  	[tilespmem:s8+$0x6130] =	vst v3  }
0x129: {  	[tilespmem:s8+$0x1040] =	vst v2  }
0x12a: {  	[tilespmem:s8+$0x6140] =	vst v3  }
0x12b: {  	[tilespmem:s8+$0x1050] =	vst v2  }
0x12c: {  	[tilespmem:s8+$0x6150] =	vst v3  }
0x12d: {  	[tilespmem:s8+$0x1060] =	vst v2  }
0x12e: {  	[tilespmem:s8+$0x6160] =	vst v3  }
0x12f: {  	[tilespmem:s8+$0x1070] =	vst v2  }
0x130: {  	[tilespmem:s8+$0x6170] =	vst v3  }
0x131: {  	[tilespmem:s8+$0x1080] =	vst v2  }
0x132: {  	[tilespmem:s8+$0x6180] =	vst v3  }
0x133: {  	[tilespmem:s8+$0x1090] =	vst v2  }
0x134: {  	[tilespmem:s8+$0x6190] =	vst v3  }
0x135: {  	[tilespmem:s8+$0x10A0] =	vst v2  }
0x136: {  	[tilespmem:s8+$0x61A0] =	vst v3  }
0x137: {  	[tilespmem:s8+$0x10B0] =	vst v2  }
0x138: {  	[tilespmem:s8+$0x61B0] =	vst v3  }
0x139: {  	[tilespmem:s8+$0x10C0] =	vst v2  }
0x13a: {  	[tilespmem:s8+$0x61C0] =	vst v3  }
0x13b: {  	[tilespmem:s8+$0x10D0] =	vst v2  }
0x13c: {  	[tilespmem:s8+$0x61D0] =	vst v3  }
0x13d: {  	[tilespmem:s8+$0x10E0] =	vst v2  }
0x13e: {  	[tilespmem:s8+$0x61E0] =	vst v3  }
0x13f: {  	s4 =	sadd.s32 $0xFF, s8;
	[tilespmem:s8+$0x10F0] =	vst v2  }
0x140: {  	[tilespmem:s8+$0x61F0] =	vst v3;
	s13 =	simm.s32 $0x1000;
	s9 =	sand.u32 $0xFF, s4;
	s25 =	sshra.s32 s4, $0x1F  }
0x141: {  	p1 =	slt.s32 s4, $0x1;
	[bflag:$0x0] =	sbarrier.arrive $0xFFFF;
	p2 =	sne.s32 s9, $0x0  }
0x142: {  	[tilespmem:s16], [sflag:$0x1] =	stream.indirect.gather [hbm4b:s1+s20], $0x80, s13, s20, $0xb8;
	[tilespmem:$0x1CE80] =	vst v63  }
0x143: {  	s12 =	sshrl.u32 s25, $0x18;
	p1 =	por !p1, !p2  }
0x144: {  	s9 =	simm.s32 $0x1;
	s4 =	sadd.s32 s12, s4;
	p1 =	por !p1, !p1  }
0x145: {  	s4 =	sshra.s32 s4, $0x8;
	s9 =	simm.s32 @!p1 $0x0  }
0x146: {  	s26 =	ssub.s32 s4, s9  }
0x147: {  	p1 =	sgt.s32 s26, $0x1  }
0x148: {  	s26 =	simm.s32 @!p1 $0x1  }
0x149: {  	p2 =	sne.s32 s26, $0x1  }
.Ltmp3:
0x14a: {  	_ = 	snop;
	(pc) =	sbr.rel @!p2 .LBB2_12-.Ltmp3, $4  }
0x14b: {  	s14 =	simm.s32 $0x1040;
	s25 =	simm.s32 $0xD200  }
0x14c: {  	[tilespmem:s25], [sflag:$0x1] =	stream.indirect.gather [hbm4b:s1+s20], $0x80, s14, s20, $0xb8;
	[tilespmem:$0x1CE80] =	vst v63  }
0x14d: {  	s8 =	simm.s32 $0x1140;
	s28 =	simm.s32 $0x1;
	s25 =	simm.s32 $0x6100  }
0x14e: {  	s9 =	simm.s32 $0x0;
	p1 =	por $0x0, $0x0;
	s4 =	sadd.s32 $0xFFFFFFFF, s26  }
0x14f: {  	s9 =	simm.s32 $0x1080  }
0x150: {  	[tilespmem:s29], [sflag:$0x2] =	stream.indirect.gather [hbm4b:s1+s20], $0x80, s9, s20, $0xb8;
	[tilespmem:$0x1CE80] =	vst v63  }
0x151: {  	s14 =	simm.s32 $0x10C0  }
0x152: {  	[tilespmem:s30], [sflag:$0x2] =	stream.indirect.gather [hbm4b:s1+s20], $0x80, s14, s20, $0xb8;
	[tilespmem:$0x1CE80] =	vst v63  }
0x153: {  	_ =	swait.ge [sflag:s19], $0x2000  }
0x154: {  	[sflag:s19] =	ssyncset.done $0x0  }
0x155: {  	[sflag:s19] =	ssyncadd.s32 $0xFFFFE000  }
0x156: {  	_ =	swait.ge [sflag:s19], $0x2000  }
0x157: {  	[sflag:s19] =	ssyncset.done $0x0  }
0x158: {  	[sflag:s19] =	ssyncadd.s32 $0xFFFFE000  }
0x159: {  	[spmem:s2] =	stream.indirect.scatter.add.f32 [tilespmem:s16], [sflag:$0x3], $0x80, s25, s31, $0xb8;
	[tilespmem:$0x1CE80] =	vst v63  }
0x15a: {  	p1 =	sle.u32 s4, $0x0;
	_ =	swait.ge [sflag:s17], $0x4000  }
0x15b: {  	s9 =	simm.s32 @!p1 $0x1100;
	[sflag:s17] =	ssyncset.done $0x0  }
0x15c: {  	s11 =	simm.s32 @!p1 $0x40;
	s25 =	simm.s32 @!p1 $0xB200;
	[sflag:s17] =	ssyncadd.s32 $0xFFFFC000  }
0x15d: {  	[tilespmem:s25], [sflag:$0x1] =	stream.indirect.gather @!p1 [hbm4b:s1+s11], $0x80, s9, s11, $0xb8;
	[tilespmem:$0x1CE80] =	vst v63  }
0x15e: {  	s9 =	simm.s32 @!p1 $0xD200  }
0x15f: {  	[tilespmem:s9], [sflag:$0x1] =	stream.indirect.gather @!p1 [hbm4b:s1+s11], $0x80, s8, s11, $0xb8;
	[tilespmem:$0x1CE80] =	vst v63  }
0x160: {  	_ =	swait.ge [sflag:s0], $0x2000  }
0x161: {  	[sflag:s0] =	ssyncset.done $0x0  }
0x162: {  	p2 =	sne.s32 s26, $0x2;
	[sflag:s0] =	ssyncadd.s32 $0xFFFFE000  }
.Ltmp4:
0x163: {  	_ =	swait.ge [sflag:s0], $0x2000;
	(pc) =	sbr.rel @!p2 .LBB2_9-.Ltmp4, $4  }
0x164: {  	s25 =	simm.s32 $0x6180;
	[sflag:s0] =	ssyncset.done $0x0  }
0x165: {  	s9 =	simm.s32 $0x2;
	s8 =	simm.s32 $0x1240;
	[sflag:s0] =	ssyncadd.s32 $0xFFFFE000  }
0x166: {  	[spmem:s2] =	stream.indirect.scatter.add.f32 [tilespmem:s29], [sflag:$0x3], $0x80, s25, s31, $0xb8;
	[tilespmem:$0x1CE80] =	vst v63  }
0x167: {  	p1 =	por $0x1, $0x1;
	s25 =	simm.s32 $0x6200;
	_ =	swait.ge [sflag:s17], $0x4000  }
.LBB2_10:
0x168: {  	s11 =	sadd.s32 $0xFFFFFF40, s8  }
0x169: {  	[sflag:s17] =	ssyncset.done $0x0;
	s12 =	smov.u32 s9;
	s9 =	sadd.s32 $0x1, s9  }
0x16a: {  	p2 =	sne.s32 s26, s9;
	[sflag:s17] =	ssyncadd.s32 $0xFFFFC000  }
0x16b: {  	[tilespmem:s29], [sflag:$0x2] =	stream.indirect.gather [hbm4b:s1+s20], $0x80, s11, s20, $0xb8;
	[tilespmem:$0x1CE80] =	vst v63  }
0x16c: {  	s11 =	sadd.s32 $0xFFFFFF80, s8  }
0x16d: {  	[tilespmem:s30], [sflag:$0x2] =	stream.indirect.gather [hbm4b:s1+s20], $0x80, s11, s20, $0xb8;
	[tilespmem:$0x1CE80] =	vst v63  }
0x16e: {  	_ =	swait.ge [sflag:s19], $0x2000  }
0x16f: {  	[sflag:s19] =	ssyncset.done $0x0  }
0x170: {  	[sflag:s19] =	ssyncadd.s32 $0xFFFFE000  }
0x171: {  	_ =	swait.ge [sflag:s19], $0x2000  }
0x172: {  	[sflag:s19] =	ssyncset.done $0x0  }
0x173: {  	[sflag:s19] =	ssyncadd.s32 $0xFFFFE000  }
0x174: {  	[spmem:s2] =	stream.indirect.scatter.add.f32 [tilespmem:s16], [sflag:$0x3], $0x80, s25, s31, $0xb8;
	[tilespmem:$0x1CE80] =	vst v63  }
0x175: {  	p3 =	sge.u32 s28, s4;
	s28 =	smov.u32 s12;
	_ =	swait.ge [sflag:s17], $0x4000  }
0x176: {  	s12 =	simm.s32 @!p3 $0x40;
	s11 =	sadd.s32 @!p3 $0xFFFFFFC0, s8;
	[sflag:s17] =	ssyncset.done $0x0  }
0x177: {  	s13 =	simm.s32 @!p3 $0xB200;
	s14 =	simm.s32 @!p3 $0xD200;
	[sflag:s17] =	ssyncadd.s32 $0xFFFFC000  }
0x178: {  	[tilespmem:s13], [sflag:$0x1] =	stream.indirect.gather @!p3 [hbm4b:s1+s12], $0x80, s11, s12, $0xb8;
	[tilespmem:$0x1CE80] =	vst v63  }
0x179: {  	_ = 	snop  }
0x17a: {  	[tilespmem:s14], [sflag:$0x1] =	stream.indirect.gather @!p3 [hbm4b:s1+s12], $0x80, s8, s12, $0xb8;
	[tilespmem:$0x1CE80] =	vst v63  }
0x17b: {  	_ =	swait.ge [sflag:s0], $0x2000  }
0x17c: {  	[sflag:s0] =	ssyncset.done $0x0  }
0x17d: {  	[sflag:s0] =	ssyncadd.s32 $0xFFFFE000  }
.Ltmp5:
0x17e: {  	_ =	swait.ge [sflag:s0], $0x2000;
	(pc) =	sbr.rel @p2 .LBB2_10-.Ltmp5, $4  }
0x17f: {  	s11 =	sadd.s32 $0x80, s25;
	[sflag:s0] =	ssyncset.done $0x0  }
0x180: {  	[sflag:s0] =	ssyncadd.s32 $0xFFFFE000  }
0x181: {  	[spmem:s2] =	stream.indirect.scatter.add.f32 [tilespmem:s29], [sflag:$0x3], $0x80, s11, s31, $0xb8;
	[tilespmem:$0x1CE80] =	vst v63  }
0x182: {  	s25 =	sadd.s32 $0x100, s25;
	s8 =	sadd.s32 $0x100, s8;
	_ =	swait.ge [sflag:s17], $0x4000  }
0x183: {  	s9 =	smov.u32 s28  }
.LBB2_12:
0x184: {  	[sflag:s17] =	ssyncset.done @p1 $0x0  }
0x185: {  	s11 =	sadd.s32 $0xFFFFFF40, s8;
	[sflag:s17] =	ssyncadd.s32 @p1 $0xFFFFC000  }
0x186: {  	[tilespmem:s29], [sflag:$0x2] =	stream.indirect.gather [hbm4b:s1+s20], $0x80, s11, s20, $0xb8;
	[tilespmem:$0x1CE80] =	vst v63  }
0x187: {  	s12 =	sadd.s32 $0xFFFFFF80, s8  }
0x188: {  	[tilespmem:s30], [sflag:$0x2] =	stream.indirect.gather [hbm4b:s1+s20], $0x80, s12, s20, $0xb8;
	[tilespmem:$0x1CE80] =	vst v63  }
0x189: {  	_ =	swait.ge [sflag:s19], $0x2000  }
0x18a: {  	[sflag:s19] =	ssyncset.done $0x0  }
0x18b: {  	[sflag:s19] =	ssyncadd.s32 $0xFFFFE000  }
0x18c: {  	_ =	swait.ge [sflag:s19], $0x2000  }
0x18d: {  	[sflag:s19] =	ssyncset.done $0x0  }
0x18e: {  	[sflag:s19] =	ssyncadd.s32 $0xFFFFE000  }
0x18f: {  	[spmem:s2] =	stream.indirect.scatter.add.f32 [tilespmem:s16], [sflag:$0x3], $0x80, s25, s31, $0xb8;
	[tilespmem:$0x1CE80] =	vst v63  }
0x190: {  	p1 =	sge.u32 s9, s4;
	_ =	swait.ge [sflag:s17], $0x4000  }
0x191: {  	s4 =	sadd.s32 @!p1 $0xFFFFFFC0, s8;
	[sflag:s17] =	ssyncset.done $0x0  }
0x192: {  	s9 =	simm.s32 @!p1 $0x40;
	s11 =	simm.s32 @!p1 $0xB200;
	[sflag:s17] =	ssyncadd.s32 $0xFFFFC000  }
0x193: {  	[tilespmem:s11], [sflag:$0x1] =	stream.indirect.gather @!p1 [hbm4b:s1+s9], $0x80, s4, s9, $0xb8;
	[tilespmem:$0x1CE80] =	vst v63  }
0x194: {  	s4 =	simm.s32 @!p1 $0xD200  }
0x195: {  	[tilespmem:s4], [sflag:$0x1] =	stream.indirect.gather @!p1 [hbm4b:s1+s9], $0x80, s8, s9, $0xb8;
	[tilespmem:$0x1CE80] =	vst v63  }
0x196: {  	_ =	swait.ge [sflag:s0], $0x2000  }
0x197: {  	[sflag:s0] =	ssyncset.done $0x0  }
0x198: {  	[sflag:s0] =	ssyncadd.s32 $0xFFFFE000  }
0x199: {  	_ =	swait.ge [sflag:s0], $0x2000  }
0x19a: {  	[sflag:s0] =	ssyncset.done $0x0  }
0x19b: {  	s13 =	sadd.s32 $0x80, s25;
	[sflag:s0] =	ssyncadd.s32 $0xFFFFE000  }
0x19c: {  	[spmem:s2] =	stream.indirect.scatter.add.f32 [tilespmem:s29], [sflag:$0x3], $0x80, s13, s31, $0xb8;
	[tilespmem:$0x1CE80] =	vst v63  }
0x19d: {  	_ =	swait.ge [sflag:s17], $0x4000  }
0x19e: {  	[sflag:s17] =	ssyncset.done $0x0  }
0x19f: {  	s14 =	stileid.u32;
	[sflag:s17] =	ssyncadd.s32 $0xFFFFC000  }
0x1a0: {  	s4 =	sshll.u32 s14, $0x6;
	[bflag:$0x0] =	sbarrier.arrive $0xFFFF  }
0x1a1: {  	s4 =	sor.u32 $0x1C03, s4;
	s25 =	rddreg [dreg:$0x6]  }
0x1a2: {  	[hbm:s25], [sflag:s4] =	dma.local [spmem:s21], $0x800  }
0x1a3: {  	_ =	swait.ge [sflag:s17], $0x800  }
0x1a4: {  	[sflag:s17] =	ssyncset.done $0x0  }
0x1a5: {  	s26 =	rddreg [dreg:$0x7];
	[sflag:s17] =	ssyncadd.s32 $0xFFFFF800  }
0x1a6: {  	[hbm:s26], [sflag:s4] =	dma.local [spmem:s22], $0x800  }
0x1a7: {  	_ =	swait.ge [sflag:s17], $0x800  }
0x1a8: {  	[sflag:s17] =	ssyncset.done $0x0  }
0x1a9: {  	s28 =	rddreg [dreg:$0x8];
	[sflag:s17] =	ssyncadd.s32 $0xFFFFF800  }
0x1aa: {  	[hbm:s28], [sflag:s4] =	dma.local [spmem:s23], $0x380  }
0x1ab: {  	_ =	swait.ge [sflag:s17], $0x380  }
0x1ac: {  	s3 =	sadd.s32 $0x1, s3;
	[sflag:s17] =	ssyncset.done $0x0  }
0x1ad: {  	p1 =	sne.s32 s3, s15;
	s8 =	rddreg [dreg:$0x9];
	[sflag:s17] =	ssyncadd.s32 $0xFFFFFC80  }
0x1ae: {  	[hbm:s8], [sflag:s4] =	dma.local @!p0 [spmem:s24], $0x80  }
.Ltmp6:
0x1af: {  	_ = 	snop;
	(pc) =	sbr.rel @p1 .LBB2_1-.Ltmp6, $4  }
.Ltmp7:
0x1b0: {  	s4 =	simm.s32 @!p0 $0x3;
	(pc) =	sbr.rel @!p1 .LBB2_13-.Ltmp7, $4  }
0x1b1: {  	_ =	swait.ge @!p0 [sflag:s4], $0x80  }
0x1b2: {  	[sflag:s4] =	ssyncset.done @!p0 $0x0  }
0x1b3: {  	[sflag:s4] =	ssyncadd.s32 @!p0 $0xFFFFFF80  }
0x1b4: {  	_ = 	snop  }
.LBB2_9:
.Ltmp8:
0x1b5: {  	(pc) =	sbr.rel .LBB2_12-.Ltmp8, $2  }
0x1b6: {  	_ =	sdelay $0x2  }
0x1b7: {  	s9 =	simm.s32 $0x1  }
.LBB2_13:
0x1b8: {  	_ =	sfence.sel $0x180000  }
0x1b9: {  	[bflag:$0x0] =	sbarrier.arrive $0xFFFF  }
0x1ba: {  	_ =	strace $0x9000004A  }
0x1bb: {  	[bflag:$0x2] =	sbarrier.arrive $0xFFFF  }
0x1bc: {  	s0 =	rddreg [dreg:$0x3]  }
0x1bd: {  	s0 =	sadd.s32 @!p0 $0x100000, s0  }
0x1be: {  	[sflag:s0] =	ssyncadd.tile.s32 @!p0 $0x1;
	_ =	shalt  }
.Lfunc_end2:
_tile_overlayer_lowered:
.L_overlay_start_2:
0x1bf: {  	(tag) =	ssettag $0x2  }
0x1c0: {  	s0 =	rddreg [dreg:$0x0];
	s2 =	stileid.u32  }
0x1c1: {  	s1 =	rddreg [dreg:$0x1];
	p0 =	sne.s32 s2, $0x0  }
0x1c2: {  	s3 =	rddreg [dreg:$0x2];
	[bflag:$0x3] =	sbarrier.arrive $0xFFFF;
	s2 =	simm.s32 @!p0 $0x1C03  }
0x1c3: {  	[timem:s3], [sflag:s2] =	dma.local @!p0 [hbm:s0], s1  }
0x1c4: {  	s0 =	simm.s32 @!p0 $0x3  }
0x1c5: {  	_ =	swait.ge @!p0 [sflag:s0], s1  }
0x1c6: {  	s1 =	ssub.s32 @!p0 $0x0, s1;
	[sflag:s0] =	ssyncset.done @!p0 $0x0  }
0x1c7: {  	[sflag:s0] =	ssyncadd.s32 @!p0 s1  }
0x1c8: {  	[bflag:$0x3] =	sbarrier.arrive $0xFFFF  }
0x1c9: {  	_ =	shalt  }

</sc_bundles>
